<compile_context>
chip_gen: v7x
topology: tpu7x:2x2x1
jax: 0.10.2.dev20260603
libtpu: 0.0.44.dev20260713+nightly
codegen_flags: <defaults>
</compile_context>

<pallas_src>
import functools

import jax
import jax.numpy as jnp
from jax import lax
from jax.experimental import pallas as pl
from jax.experimental.pallas import tpu as pltpu
from jax.experimental.pallas import tpu_sc as plsc

B, C, H, W, K = 32, 16, 128, 128, 500
HW = H * W
L = 16
KPAD = 512
NFULL = K // L
KREM = K - NFULL * L
NGRP = 8
GCH = KPAD // NGRP
DPG = GCH * L // 128


def _build_sc_kernel():
    mesh = plsc.VectorSubcoreMesh(core_axis_name="c", subcore_axis_name="s")
    nc = 2

    @functools.partial(
        pl.kernel,
        mesh=mesh,
        compiler_params=pltpu.CompilerParams(needs_layout_passes=False),
        out_type=[
            jax.ShapeDtypeStruct((B, L), jnp.float32),
            jax.ShapeDtypeStruct((B, L), jnp.float32),
        ],
        scratch_types=[
            pltpu.VMEM((K,), jnp.int32),
            pltpu.VMEM((K * C,), jnp.float32),
            pltpu.VMEM((K,), jnp.float32),
            pltpu.VMEM((KPAD * C,), jnp.int32),
            pltpu.VMEM((KPAD * C,), jnp.float32),
            pltpu.VMEM((L,), jnp.float32),
            pltpu.VMEM((L,), jnp.float32),
            [pltpu.SemaphoreType.DMA] * NGRP,
            pltpu.SemaphoreType.DMA,
            pltpu.SemaphoreType.DMA,
        ],
    )
    def sc_kernel(feat_hbm, ind_hbm, tgt_hbm, msk_hbm, loss_out, mask_out,
                  ind_v, tgt_v, msk_v, idx_v, pred_v, lstage, mstage,
                  gsems, in_sem_t, in_sem_m):
        wid = lax.axis_index("s") * nc + lax.axis_index("c")
        lanes = lax.iota(jnp.int32, L)
        tail = lanes < KREM
        chan_base = (wid * C + lanes) * HW

        pltpu.sync_copy(ind_hbm.at[wid], ind_v)
        tgt_cp = pltpu.async_copy(tgt_hbm.at[wid], tgt_v, in_sem_t)
        msk_cp = pltpu.async_copy(msk_hbm.at[wid], msk_v, in_sem_m)

        def build_body(t, _):
            tv = jnp.full((L,), t, jnp.int32)
            hw = plsc.load_gather(ind_v, [tv])
            idx_v[pl.ds(t * L, L)] = chan_base + hw
            return 0

        def build_pad_body(t, _):
            idx_v[pl.ds(t * L, L)] = chan_base
            return 0

        def build(g):
            if g < NGRP - 1:
                lax.fori_loop(g * GCH, (g + 1) * GCH, build_body, 0)
            else:
                lax.fori_loop(g * GCH, K, build_body, 0)
                lax.fori_loop(K, KPAD, build_pad_body, 0)

        def fire(g):
            return [
                pltpu.async_copy(
                    feat_hbm.at[idx_v.at[pl.ds((g * DPG + r) * 128, 128)]],
                    pred_v.at[pl.ds((g * DPG + r) * 128, 128)],
                    gsems[g])
                for r in range(DPG)
            ]

        def accumulate(g, acc):
            def body(t, a):
                pred = pred_v[pl.ds(t * L, L)]
                tgt = tgt_v[pl.ds(t * L, L)]
                return a + jnp.abs(pred - tgt)

            return lax.fori_loop(g * GCH, min((g + 1) * GCH, K), body, acc)

        cps = []
        for g in range(NGRP):
            build(g)
            cps.append(fire(g))

        msk_cp.wait()

        def mask_body(j, macc):
            return macc + msk_v[pl.ds(j * L, L)]

        macc = lax.fori_loop(0, NFULL, mask_body, jnp.zeros((L,), jnp.float32))
        mtail = plsc.load_gather(msk_v, [NFULL * L + lanes], mask=tail)
        mstage[...] = macc + jnp.where(tail, mtail, 0.0)
        pltpu.sync_copy(mstage, mask_out.at[wid])

        tgt_cp.wait()
        acc = jnp.zeros((L,), jnp.float32)
        for g in range(NGRP):
            for d in cps[g]:
                d.wait()
            acc = accumulate(g, acc)

        lstage[...] = acc
        pltpu.sync_copy(lstage, loss_out.at[wid])

    return sc_kernel


def kernel(output, ind, target, reg_mask):
    feat = output.reshape(B * C * HW)
    tgt = target.reshape(B, K * C)
    loss_parts, mask_parts = _build_sc_kernel()(
        feat, ind.astype(jnp.int32), tgt, reg_mask)
    return jnp.sum(loss_parts) / (jnp.sum(mask_parts) + 0.0001)

# --- scband reference (transcript-rebuilt; emitter-appended) ---
"""Pipeline reference for scband-reg-l1-loss-3917010174253 (READ-ONLY COPY).

The authoritative reference and input builder live on the scoring server;
editing this copy changes nothing except your own understanding.
"""

import jax, jax.numpy as jnp
import numpy as np


def setup_inputs(seed: int = 0) -> dict:
    key = jax.random.key(seed)
    k1, k2, k3 = jax.random.split(key, 3)
    B, C, H, W, K = 32, 16, 128, 128, 500
    output = jax.random.normal(k1, (B, C, H, W), dtype=jnp.float32)
    ind = jax.random.randint(k2, (B, K), 0, H * W, dtype=jnp.int64)
    target = jax.random.normal(k3, (B, K, C), dtype=jnp.float32)
    reg_mask = jnp.ones((B, K), dtype=jnp.float32)
    return {"output": output, "ind": ind, "target": target, "reg_mask": reg_mask}


def reference(output, ind, target, reg_mask):
    B, C, H, W = output.shape
    # permute(0,2,3,1) then flatten spatial dims -> [B, H*W, C]
    feat = jnp.transpose(output, (0, 2, 3, 1)).reshape(B, H * W, C)
    # gather along dim 1 with ind expanded over channel dim
    pred = jnp.take_along_axis(feat, ind[:, :, None], axis=1)  # [B, K, C]
    loss = jnp.sum(jnp.abs(pred - target))
    loss = loss / (jnp.sum(reg_mask) + 0.0001)
    return loss

if __name__ == "__main__":
    import jax
    _d = setup_inputs()
    print(jax.jit(kernel)(*tuple(_d.values())))

</pallas_src>

<mosaic_0001>
#map = affine_map<(d0, d1) -> (0)>
#map1 = affine_map<(d0, d1) -> (0, 0)>
module attributes {stable_mosaic.version = 14 : i64} {
  func.func @sc_kernel(%arg0: i32, %arg1: i32, %arg2: memref<8388608xf32, #tpu.memory_space<hbm>>, %arg3: memref<32x500xi32, #tpu.memory_space<hbm>>, %arg4: memref<32x8000xf32, #tpu.memory_space<hbm>>, %arg5: memref<32x500xf32, #tpu.memory_space<hbm>>, %arg6: memref<32x16xf32, #tpu.memory_space<hbm>>, %arg7: memref<32x16xf32, #tpu.memory_space<hbm>>, %arg8: memref<500xi32, #tpu.memory_space<vmem>>, %arg9: memref<8000xf32, #tpu.memory_space<vmem>>, %arg10: memref<500xf32, #tpu.memory_space<vmem>>, %arg11: memref<8192xi32, #tpu.memory_space<vmem>>, %arg12: memref<8192xf32, #tpu.memory_space<vmem>>, %arg13: memref<16xf32, #tpu.memory_space<vmem>>, %arg14: memref<16xf32, #tpu.memory_space<vmem>>, %arg15: memref<!tpu.dma_semaphore, #tpu.memory_space<semaphore_mem>>, %arg16: memref<!tpu.dma_semaphore, #tpu.memory_space<semaphore_mem>>, %arg17: memref<!tpu.dma_semaphore, #tpu.memory_space<semaphore_mem>>, %arg18: memref<!tpu.dma_semaphore, #tpu.memory_space<semaphore_mem>>, %arg19: memref<!tpu.dma_semaphore, #tpu.memory_space<semaphore_mem>>, %arg20: memref<!tpu.dma_semaphore, #tpu.memory_space<semaphore_mem>>, %arg21: memref<!tpu.dma_semaphore, #tpu.memory_space<semaphore_mem>>, %arg22: memref<!tpu.dma_semaphore, #tpu.memory_space<semaphore_mem>>, %arg23: memref<!tpu.dma_semaphore, #tpu.memory_space<semaphore_mem>>, %arg24: memref<!tpu.dma_semaphore, #tpu.memory_space<semaphore_mem>>) attributes {dimension_semantics = [#tpu.dimension_semantics<core_parallel>, #tpu.dimension_semantics<subcore_parallel>], iteration_bounds = array<i64: 2, 16>, scalar_prefetch = 0 : i64, scratch_operands = 17 : i64, tpu.core_type = #tpu.core_type<sc_vector_subcore>, window_params = [{transform_indices = #map}, {transform_indices = #map1}, {transform_indices = #map1}, {transform_indices = #map1}, {transform_indices = #map1}, {transform_indices = #map1}]} {
    %mul3A = arith.constant 2 : i32
    %mul3A_0 = arith.muli %arg1, %mul3A : i32
    %add3A = arith.addi %mul3A_0, %arg0 : i32
    %iota3A = tpu.iota {dimensions = array<i32: 0>} : vector<16xi32>
    %lt3A = arith.constant 4 : i32
    %lt3A_1 = vector.broadcast %lt3A : i32 to vector<16xi32>
    %lt3A_2 = arith.cmpi slt, %iota3A, %lt3A_1 : vector<16xi32>
    %mul3A_3 = arith.constant 16 : i32
    %mul3A_4 = arith.muli %add3A, %mul3A_3 : i32
    %add3A_5 = vector.broadcast %mul3A_4 : i32 to vector<16xi32>
    %add3A_6 = arith.addi %add3A_5, %iota3A : vector<16xi32>
    %mul3A_7 = arith.constant 16384 : i32
    %mul3A_8 = vector.broadcast %mul3A_7 : i32 to vector<16xi32>
    %mul3A_9 = arith.muli %add3A_6, %mul3A_8 : vector<16xi32>
    "tpu.region"() ({
      %run_scoped3A = tpu.sem_alloc : memref<!tpu.dma_semaphore, #tpu.memory_space<semaphore_mem>>
      %dma_start3A_927 = arith.constant 0 : i32
      %dma_start3A_928 = tpu.memref_slice %arg3[%add3A, %dma_start3A_927] : memref<32x500xi32, #tpu.memory_space<hbm>> -> memref<1x500xi32, #tpu.memory_space<hbm>>
      %dma_start3A_929 = tpu.memref_squeeze %dma_start3A_928 : memref<1x500xi32, #tpu.memory_space<hbm>> -> memref<500xi32, #tpu.memory_space<hbm>>
      %dma_start3A_930 = arith.constant 0 : i32
      %dma_start3A_931 = tpu.memref_slice %arg3[%add3A, %dma_start3A_930] : memref<32x500xi32, #tpu.memory_space<hbm>> -> memref<1x500xi32, #tpu.memory_space<hbm>>
      %dma_start3A_932 = tpu.memref_squeeze %dma_start3A_931 : memref<1x500xi32, #tpu.memory_space<hbm>> -> memref<500xi32, #tpu.memory_space<hbm>>
      tpu.enqueue_dma source(%dma_start3A_932 : memref<500xi32, #tpu.memory_space<hbm>>) target(%arg8 : memref<500xi32, #tpu.memory_space<vmem>>) target_semaphore(%run_scoped3A : memref<!tpu.dma_semaphore, #tpu.memory_space<semaphore_mem>>)
      %dma_wait3A_933 = arith.constant 0 : i32
      %dma_wait3A_934 = tpu.memref_slice %arg3[%add3A, %dma_wait3A_933] : memref<32x500xi32, #tpu.memory_space<hbm>> -> memref<1x500xi32, #tpu.memory_space<hbm>>
      %dma_wait3A_935 = tpu.memref_squeeze %dma_wait3A_934 : memref<1x500xi32, #tpu.memory_space<hbm>> -> memref<500xi32, #tpu.memory_space<hbm>>
      %dma_wait3A_936 = arith.constant 0 : i32
      %dma_wait3A_937 = tpu.memref_slice %arg3[%add3A, %dma_wait3A_936] : memref<32x500xi32, #tpu.memory_space<hbm>> -> memref<1x500xi32, #tpu.memory_space<hbm>>
      %dma_wait3A_938 = tpu.memref_squeeze %dma_wait3A_937 : memref<1x500xi32, #tpu.memory_space<hbm>> -> memref<500xi32, #tpu.memory_space<hbm>>
      tpu.wait_dma2 semaphore(%run_scoped3A : memref<!tpu.dma_semaphore, #tpu.memory_space<semaphore_mem>>) src(%dma_wait3A_938 : memref<500xi32, #tpu.memory_space<hbm>>) dst(%arg8 : memref<500xi32, #tpu.memory_space<vmem>>)
      tpu.yield
    }) : () -> ()
    %dma_start3A = arith.constant 0 : i32
    %dma_start3A_10 = tpu.memref_slice %arg4[%add3A, %dma_start3A] : memref<32x8000xf32, #tpu.memory_space<hbm>> -> memref<1x8000xf32, #tpu.memory_space<hbm>>
    %dma_start3A_11 = tpu.memref_squeeze %dma_start3A_10 : memref<1x8000xf32, #tpu.memory_space<hbm>> -> memref<8000xf32, #tpu.memory_space<hbm>>
    %dma_start3A_12 = arith.constant 0 : i32
    %dma_start3A_13 = tpu.memref_slice %arg4[%add3A, %dma_start3A_12] : memref<32x8000xf32, #tpu.memory_space<hbm>> -> memref<1x8000xf32, #tpu.memory_space<hbm>>
    %dma_start3A_14 = tpu.memref_squeeze %dma_start3A_13 : memref<1x8000xf32, #tpu.memory_space<hbm>> -> memref<8000xf32, #tpu.memory_space<hbm>>
    tpu.enqueue_dma source(%dma_start3A_14 : memref<8000xf32, #tpu.memory_space<hbm>>) target(%arg9 : memref<8000xf32, #tpu.memory_space<vmem>>) target_semaphore(%arg23 : memref<!tpu.dma_semaphore, #tpu.memory_space<semaphore_mem>>)
    %dma_start3A_15 = arith.constant 0 : i32
    %dma_start3A_16 = tpu.memref_slice %arg5[%add3A, %dma_start3A_15] : memref<32x500xf32, #tpu.memory_space<hbm>> -> memref<1x500xf32, #tpu.memory_space<hbm>>
    %dma_start3A_17 = tpu.memref_squeeze %dma_start3A_16 : memref<1x500xf32, #tpu.memory_space<hbm>> -> memref<500xf32, #tpu.memory_space<hbm>>
    %dma_start3A_18 = arith.constant 0 : i32
    %dma_start3A_19 = tpu.memref_slice %arg5[%add3A, %dma_start3A_18] : memref<32x500xf32, #tpu.memory_space<hbm>> -> memref<1x500xf32, #tpu.memory_space<hbm>>
    %dma_start3A_20 = tpu.memref_squeeze %dma_start3A_19 : memref<1x500xf32, #tpu.memory_space<hbm>> -> memref<500xf32, #tpu.memory_space<hbm>>
    tpu.enqueue_dma source(%dma_start3A_20 : memref<500xf32, #tpu.memory_space<hbm>>) target(%arg10 : memref<500xf32, #tpu.memory_space<vmem>>) target_semaphore(%arg24 : memref<!tpu.dma_semaphore, #tpu.memory_space<semaphore_mem>>)
    %scan3A = arith.constant 0 : i32
    %scan3A_21 = arith.constant 0 : i32
    %scan3A_22 = arith.constant 64 : i32
    %scan3A_23 = arith.addi %scan3A_21, %scan3A_22 : i32
    %scan3A_24 = arith.constant 1 : i32
    %scan3A_25 = scf.for %scan3A_927 = %scan3A_21 to %scan3A_23 step %scan3A_24 iter_args(%scan3A_928 = %scan3A) -> (i32)  : i32 {
      %broadcast_in_dim3A_929 = vector.broadcast %scan3A_927 : i32 to vector<16xi32>
      %gather3A_930 = tpu.vector_load_idx %arg8[%broadcast_in_dim3A_929] : memref<500xi32, #tpu.memory_space<vmem>>[vector<16xi32>], vector<16xi32>,
      %add3A_931 = arith.addi %mul3A_9, %gather3A_930 : vector<16xi32>
      %mul3A_932 = arith.constant 16 : i32
      %mul3A_933 = arith.muli %scan3A_927, %mul3A_932 : i32
      %swap3A_934 = arith.index_cast %mul3A_933 : i32 to index
      %swap3A_935 = tpu.vector_load %arg11[%swap3A_934] {strides = array<i32>} : memref<8192xi32, #tpu.memory_space<vmem>>, vector<16xi32>,
      tpu.vector_store %arg11[%swap3A_934], %add3A_931 {strides = array<i32>} : memref<8192xi32, #tpu.memory_space<vmem>>, vector<16xi32>,
      %scan3A_936 = arith.constant 0 : i32
      scf.yield %scan3A_936 : i32
    }
    %scan3A_26 = arith.constant 64 : i32
    %dma_start3A_27 = arith.constant 0 : i32
    %dma_start3A_28 = tpu.memref_slice %arg12[%dma_start3A_27] : memref<8192xf32, #tpu.memory_space<vmem>> -> memref<128xf32, #tpu.memory_space<vmem>>
    %dma_start3A_29 = arith.constant 0 : i32
    %dma_start3A_30 = tpu.memref_slice %arg11[%dma_start3A_29] : memref<8192xi32, #tpu.memory_space<vmem>> -> memref<128xi32, #tpu.memory_space<vmem>>
    %dma_start3A_31 = arith.constant 0 : i32
    %dma_start3A_32 = tpu.memref_slice %arg2[%dma_start3A_31] : memref<8388608xf32, #tpu.memory_space<hbm>> -> memref<8388608xf32, #tpu.memory_space<hbm>>
    tpu.enqueue_indirect_dma source(%dma_start3A_32 : memref<8388608xf32, #tpu.memory_space<hbm>>) target(%dma_start3A_28 : memref<128xf32, #tpu.memory_space<vmem>>) offsets(%dma_start3A_30 : memref<128xi32, #tpu.memory_space<vmem>>) semaphore(%arg15 : memref<!tpu.dma_semaphore, #tpu.memory_space<semaphore_mem>>)
    %dma_start3A_33 = arith.constant 128 : i32
    %dma_start3A_34 = tpu.memref_slice %arg12[%dma_start3A_33] : memref<8192xf32, #tpu.memory_space<vmem>> -> memref<128xf32, #tpu.memory_space<vmem>>
    %dma_start3A_35 = arith.constant 128 : i32
    %dma_start3A_36 = tpu.memref_slice %arg11[%dma_start3A_35] : memref<8192xi32, #tpu.memory_space<vmem>> -> memref<128xi32, #tpu.memory_space<vmem>>
    %dma_start3A_37 = arith.constant 0 : i32
    %dma_start3A_38 = tpu.memref_slice %arg2[%dma_start3A_37] : memref<8388608xf32, #tpu.memory_space<hbm>> -> memref<8388608xf32, #tpu.memory_space<hbm>>
    tpu.enqueue_indirect_dma source(%dma_start3A_38 : memref<8388608xf32, #tpu.memory_space<hbm>>) target(%dma_start3A_34 : memref<128xf32, #tpu.memory_space<vmem>>) offsets(%dma_start3A_36 : memref<128xi32, #tpu.memory_space<vmem>>) semaphore(%arg15 : memref<!tpu.dma_semaphore, #tpu.memory_space<semaphore_mem>>)
    %dma_start3A_39 = arith.constant 256 : i32
    %dma_start3A_40 = tpu.memref_slice %arg12[%dma_start3A_39] : memref<8192xf32, #tpu.memory_space<vmem>> -> memref<128xf32, #tpu.memory_space<vmem>>
    %dma_start3A_41 = arith.constant 256 : i32
    %dma_start3A_42 = tpu.memref_slice %arg11[%dma_start3A_41] : memref<8192xi32, #tpu.memory_space<vmem>> -> memref<128xi32, #tpu.memory_space<vmem>>
    %dma_start3A_43 = arith.constant 0 : i32
    %dma_start3A_44 = tpu.memref_slice %arg2[%dma_start3A_43] : memref<8388608xf32, #tpu.memory_space<hbm>> -> memref<8388608xf32, #tpu.memory_space<hbm>>
    tpu.enqueue_indirect_dma source(%dma_start3A_44 : memref<8388608xf32, #tpu.memory_space<hbm>>) target(%dma_start3A_40 : memref<128xf32, #tpu.memory_space<vmem>>) offsets(%dma_start3A_42 : memref<128xi32, #tpu.memory_space<vmem>>) semaphore(%arg15 : memref<!tpu.dma_semaphore, #tpu.memory_space<semaphore_mem>>)
    %dma_start3A_45 = arith.constant 384 : i32
    %dma_start3A_46 = tpu.memref_slice %arg12[%dma_start3A_45] : memref<8192xf32, #tpu.memory_space<vmem>> -> memref<128xf32, #tpu.memory_space<vmem>>
    %dma_start3A_47 = arith.constant 384 : i32
    %dma_start3A_48 = tpu.memref_slice %arg11[%dma_start3A_47] : memref<8192xi32, #tpu.memory_space<vmem>> -> memref<128xi32, #tpu.memory_space<vmem>>
    %dma_start3A_49 = arith.constant 0 : i32
    %dma_start3A_50 = tpu.memref_slice %arg2[%dma_start3A_49] : memref<8388608xf32, #tpu.memory_space<hbm>> -> memref<8388608xf32, #tpu.memory_space<hbm>>
    tpu.enqueue_indirect_dma source(%dma_start3A_50 : memref<8388608xf32, #tpu.memory_space<hbm>>) target(%dma_start3A_46 : memref<128xf32, #tpu.memory_space<vmem>>) offsets(%dma_start3A_48 : memref<128xi32, #tpu.memory_space<vmem>>) semaphore(%arg15 : memref<!tpu.dma_semaphore, #tpu.memory_space<semaphore_mem>>)
    %dma_start3A_51 = arith.constant 512 : i32
    %dma_start3A_52 = tpu.memref_slice %arg12[%dma_start3A_51] : memref<8192xf32, #tpu.memory_space<vmem>> -> memref<128xf32, #tpu.memory_space<vmem>>
    %dma_start3A_53 = arith.constant 512 : i32
    %dma_start3A_54 = tpu.memref_slice %arg11[%dma_start3A_53] : memref<8192xi32, #tpu.memory_space<vmem>> -> memref<128xi32, #tpu.memory_space<vmem>>
    %dma_start3A_55 = arith.constant 0 : i32
    %dma_start3A_56 = tpu.memref_slice %arg2[%dma_start3A_55] : memref<8388608xf32, #tpu.memory_space<hbm>> -> memref<8388608xf32, #tpu.memory_space<hbm>>
    tpu.enqueue_indirect_dma source(%dma_start3A_56 : memref<8388608xf32, #tpu.memory_space<hbm>>) target(%dma_start3A_52 : memref<128xf32, #tpu.memory_space<vmem>>) offsets(%dma_start3A_54 : memref<128xi32, #tpu.memory_space<vmem>>) semaphore(%arg15 : memref<!tpu.dma_semaphore, #tpu.memory_space<semaphore_mem>>)
    %dma_start3A_57 = arith.constant 640 : i32
    %dma_start3A_58 = tpu.memref_slice %arg12[%dma_start3A_57] : memref<8192xf32, #tpu.memory_space<vmem>> -> memref<128xf32, #tpu.memory_space<vmem>>
    %dma_start3A_59 = arith.constant 640 : i32
    %dma_start3A_60 = tpu.memref_slice %arg11[%dma_start3A_59] : memref<8192xi32, #tpu.memory_space<vmem>> -> memref<128xi32, #tpu.memory_space<vmem>>
    %dma_start3A_61 = arith.constant 0 : i32
    %dma_start3A_62 = tpu.memref_slice %arg2[%dma_start3A_61] : memref<8388608xf32, #tpu.memory_space<hbm>> -> memref<8388608xf32, #tpu.memory_space<hbm>>
    tpu.enqueue_indirect_dma source(%dma_start3A_62 : memref<8388608xf32, #tpu.memory_space<hbm>>) target(%dma_start3A_58 : memref<128xf32, #tpu.memory_space<vmem>>) offsets(%dma_start3A_60 : memref<128xi32, #tpu.memory_space<vmem>>) semaphore(%arg15 : memref<!tpu.dma_semaphore, #tpu.memory_space<semaphore_mem>>)
    %dma_start3A_63 = arith.constant 768 : i32
    %dma_start3A_64 = tpu.memref_slice %arg12[%dma_start3A_63] : memref<8192xf32, #tpu.memory_space<vmem>> -> memref<128xf32, #tpu.memory_space<vmem>>
    %dma_start3A_65 = arith.constant 768 : i32
    %dma_start3A_66 = tpu.memref_slice %arg11[%dma_start3A_65] : memref<8192xi32, #tpu.memory_space<vmem>> -> memref<128xi32, #tpu.memory_space<vmem>>
    %dma_start3A_67 = arith.constant 0 : i32
    %dma_start3A_68 = tpu.memref_slice %arg2[%dma_start3A_67] : memref<8388608xf32, #tpu.memory_space<hbm>> -> memref<8388608xf32, #tpu.memory_space<hbm>>
    tpu.enqueue_indirect_dma source(%dma_start3A_68 : memref<8388608xf32, #tpu.memory_space<hbm>>) target(%dma_start3A_64 : memref<128xf32, #tpu.memory_space<vmem>>) offsets(%dma_start3A_66 : memref<128xi32, #tpu.memory_space<vmem>>) semaphore(%arg15 : memref<!tpu.dma_semaphore, #tpu.memory_space<semaphore_mem>>)
    %dma_start3A_69 = arith.constant 896 : i32
    %dma_start3A_70 = tpu.memref_slice %arg12[%dma_start3A_69] : memref<8192xf32, #tpu.memory_space<vmem>> -> memref<128xf32, #tpu.memory_space<vmem>>
    %dma_start3A_71 = arith.constant 896 : i32
    %dma_start3A_72 = tpu.memref_slice %arg11[%dma_start3A_71] : memref<8192xi32, #tpu.memory_space<vmem>> -> memref<128xi32, #tpu.memory_space<vmem>>
    %dma_start3A_73 = arith.constant 0 : i32
    %dma_start3A_74 = tpu.memref_slice %arg2[%dma_start3A_73] : memref<8388608xf32, #tpu.memory_space<hbm>> -> memref<8388608xf32, #tpu.memory_space<hbm>>
    tpu.enqueue_indirect_dma source(%dma_start3A_74 : memref<8388608xf32, #tpu.memory_space<hbm>>) target(%dma_start3A_70 : memref<128xf32, #tpu.memory_space<vmem>>) offsets(%dma_start3A_72 : memref<128xi32, #tpu.memory_space<vmem>>) semaphore(%arg15 : memref<!tpu.dma_semaphore, #tpu.memory_space<semaphore_mem>>)
    %scan3A_75 = arith.constant 0 : i32
    %scan3A_76 = arith.constant 64 : i32
    %scan3A_77 = arith.constant 64 : i32
    %scan3A_78 = arith.addi %scan3A_76, %scan3A_77 : i32
    %scan3A_79 = arith.constant 1 : i32
    %scan3A_80 = scf.for %scan3A_927 = %scan3A_76 to %scan3A_78 step %scan3A_79 iter_args(%scan3A_928 = %scan3A_75) -> (i32)  : i32 {
      %broadcast_in_dim3A_929 = vector.broadcast %scan3A_927 : i32 to vector<16xi32>
      %gather3A_930 = tpu.vector_load_idx %arg8[%broadcast_in_dim3A_929] : memref<500xi32, #tpu.memory_space<vmem>>[vector<16xi32>], vector<16xi32>,
      %add3A_931 = arith.addi %mul3A_9, %gather3A_930 : vector<16xi32>
      %mul3A_932 = arith.constant 16 : i32
      %mul3A_933 = arith.muli %scan3A_927, %mul3A_932 : i32
      %swap3A_934 = arith.index_cast %mul3A_933 : i32 to index
      %swap3A_935 = tpu.vector_load %arg11[%swap3A_934] {strides = array<i32>} : memref<8192xi32, #tpu.memory_space<vmem>>, vector<16xi32>,
      tpu.vector_store %arg11[%swap3A_934], %add3A_931 {strides = array<i32>} : memref<8192xi32, #tpu.memory_space<vmem>>, vector<16xi32>,
      %scan3A_936 = arith.constant 0 : i32
      scf.yield %scan3A_936 : i32
    }
    %scan3A_81 = arith.constant 64 : i32
    %dma_start3A_82 = arith.constant 1024 : i32
    %dma_start3A_83 = tpu.memref_slice %arg12[%dma_start3A_82] : memref<8192xf32, #tpu.memory_space<vmem>> -> memref<128xf32, #tpu.memory_space<vmem>>
    %dma_start3A_84 = arith.constant 1024 : i32
    %dma_start3A_85 = tpu.memref_slice %arg11[%dma_start3A_84] : memref<8192xi32, #tpu.memory_space<vmem>> -> memref<128xi32, #tpu.memory_space<vmem>>
    %dma_start3A_86 = arith.constant 0 : i32
    %dma_start3A_87 = tpu.memref_slice %arg2[%dma_start3A_86] : memref<8388608xf32, #tpu.memory_space<hbm>> -> memref<8388608xf32, #tpu.memory_space<hbm>>
    tpu.enqueue_indirect_dma source(%dma_start3A_87 : memref<8388608xf32, #tpu.memory_space<hbm>>) target(%dma_start3A_83 : memref<128xf32, #tpu.memory_space<vmem>>) offsets(%dma_start3A_85 : memref<128xi32, #tpu.memory_space<vmem>>) semaphore(%arg16 : memref<!tpu.dma_semaphore, #tpu.memory_space<semaphore_mem>>)
    %dma_start3A_88 = arith.constant 1152 : i32
    %dma_start3A_89 = tpu.memref_slice %arg12[%dma_start3A_88] : memref<8192xf32, #tpu.memory_space<vmem>> -> memref<128xf32, #tpu.memory_space<vmem>>
    %dma_start3A_90 = arith.constant 1152 : i32
    %dma_start3A_91 = tpu.memref_slice %arg11[%dma_start3A_90] : memref<8192xi32, #tpu.memory_space<vmem>> -> memref<128xi32, #tpu.memory_space<vmem>>
    %dma_start3A_92 = arith.constant 0 : i32
    %dma_start3A_93 = tpu.memref_slice %arg2[%dma_start3A_92] : memref<8388608xf32, #tpu.memory_space<hbm>> -> memref<8388608xf32, #tpu.memory_space<hbm>>
    tpu.enqueue_indirect_dma source(%dma_start3A_93 : memref<8388608xf32, #tpu.memory_space<hbm>>) target(%dma_start3A_89 : memref<128xf32, #tpu.memory_space<vmem>>) offsets(%dma_start3A_91 : memref<128xi32, #tpu.memory_space<vmem>>) semaphore(%arg16 : memref<!tpu.dma_semaphore, #tpu.memory_space<semaphore_mem>>)
    %dma_start3A_94 = arith.constant 1280 : i32
    %dma_start3A_95 = tpu.memref_slice %arg12[%dma_start3A_94] : memref<8192xf32, #tpu.memory_space<vmem>> -> memref<128xf32, #tpu.memory_space<vmem>>
    %dma_start3A_96 = arith.constant 1280 : i32
    %dma_start3A_97 = tpu.memref_slice %arg11[%dma_start3A_96] : memref<8192xi32, #tpu.memory_space<vmem>> -> memref<128xi32, #tpu.memory_space<vmem>>
    %dma_start3A_98 = arith.constant 0 : i32
    %dma_start3A_99 = tpu.memref_slice %arg2[%dma_start3A_98] : memref<8388608xf32, #tpu.memory_space<hbm>> -> memref<8388608xf32, #tpu.memory_space<hbm>>
    tpu.enqueue_indirect_dma source(%dma_start3A_99 : memref<8388608xf32, #tpu.memory_space<hbm>>) target(%dma_start3A_95 : memref<128xf32, #tpu.memory_space<vmem>>) offsets(%dma_start3A_97 : memref<128xi32, #tpu.memory_space<vmem>>) semaphore(%arg16 : memref<!tpu.dma_semaphore, #tpu.memory_space<semaphore_mem>>)
    %dma_start3A_100 = arith.constant 1408 : i32
    %dma_start3A_101 = tpu.memref_slice %arg12[%dma_start3A_100] : memref<8192xf32, #tpu.memory_space<vmem>> -> memref<128xf32, #tpu.memory_space<vmem>>
    %dma_start3A_102 = arith.constant 1408 : i32
    %dma_start3A_103 = tpu.memref_slice %arg11[%dma_start3A_102] : memref<8192xi32, #tpu.memory_space<vmem>> -> memref<128xi32, #tpu.memory_space<vmem>>
    %dma_start3A_104 = arith.constant 0 : i32
    %dma_start3A_105 = tpu.memref_slice %arg2[%dma_start3A_104] : memref<8388608xf32, #tpu.memory_space<hbm>> -> memref<8388608xf32, #tpu.memory_space<hbm>>
    tpu.enqueue_indirect_dma source(%dma_start3A_105 : memref<8388608xf32, #tpu.memory_space<hbm>>) target(%dma_start3A_101 : memref<128xf32, #tpu.memory_space<vmem>>) offsets(%dma_start3A_103 : memref<128xi32, #tpu.memory_space<vmem>>) semaphore(%arg16 : memref<!tpu.dma_semaphore, #tpu.memory_space<semaphore_mem>>)
    %dma_start3A_106 = arith.constant 1536 : i32
    %dma_start3A_107 = tpu.memref_slice %arg12[%dma_start3A_106] : memref<8192xf32, #tpu.memory_space<vmem>> -> memref<128xf32, #tpu.memory_space<vmem>>
    %dma_start3A_108 = arith.constant 1536 : i32
    %dma_start3A_109 = tpu.memref_slice %arg11[%dma_start3A_108] : memref<8192xi32, #tpu.memory_space<vmem>> -> memref<128xi32, #tpu.memory_space<vmem>>
    %dma_start3A_110 = arith.constant 0 : i32
    %dma_start3A_111 = tpu.memref_slice %arg2[%dma_start3A_110] : memref<8388608xf32, #tpu.memory_space<hbm>> -> memref<8388608xf32, #tpu.memory_space<hbm>>
    tpu.enqueue_indirect_dma source(%dma_start3A_111 : memref<8388608xf32, #tpu.memory_space<hbm>>) target(%dma_start3A_107 : memref<128xf32, #tpu.memory_space<vmem>>) offsets(%dma_start3A_109 : memref<128xi32, #tpu.memory_space<vmem>>) semaphore(%arg16 : memref<!tpu.dma_semaphore, #tpu.memory_space<semaphore_mem>>)
    %dma_start3A_112 = arith.constant 1664 : i32
    %dma_start3A_113 = tpu.memref_slice %arg12[%dma_start3A_112] : memref<8192xf32, #tpu.memory_space<vmem>> -> memref<128xf32, #tpu.memory_space<vmem>>
    %dma_start3A_114 = arith.constant 1664 : i32
    %dma_start3A_115 = tpu.memref_slice %arg11[%dma_start3A_114] : memref<8192xi32, #tpu.memory_space<vmem>> -> memref<128xi32, #tpu.memory_space<vmem>>
    %dma_start3A_116 = arith.constant 0 : i32
    %dma_start3A_117 = tpu.memref_slice %arg2[%dma_start3A_116] : memref<8388608xf32, #tpu.memory_space<hbm>> -> memref<8388608xf32, #tpu.memory_space<hbm>>
    tpu.enqueue_indirect_dma source(%dma_start3A_117 : memref<8388608xf32, #tpu.memory_space<hbm>>) target(%dma_start3A_113 : memref<128xf32, #tpu.memory_space<vmem>>) offsets(%dma_start3A_115 : memref<128xi32, #tpu.memory_space<vmem>>) semaphore(%arg16 : memref<!tpu.dma_semaphore, #tpu.memory_space<semaphore_mem>>)
    %dma_start3A_118 = arith.constant 1792 : i32
    %dma_start3A_119 = tpu.memref_slice %arg12[%dma_start3A_118] : memref<8192xf32, #tpu.memory_space<vmem>> -> memref<128xf32, #tpu.memory_space<vmem>>
    %dma_start3A_120 = arith.constant 1792 : i32
    %dma_start3A_121 = tpu.memref_slice %arg11[%dma_start3A_120] : memref<8192xi32, #tpu.memory_space<vmem>> -> memref<128xi32, #tpu.memory_space<vmem>>
    %dma_start3A_122 = arith.constant 0 : i32
    %dma_start3A_123 = tpu.memref_slice %arg2[%dma_start3A_122] : memref<8388608xf32, #tpu.memory_space<hbm>> -> memref<8388608xf32, #tpu.memory_space<hbm>>
    tpu.enqueue_indirect_dma source(%dma_start3A_123 : memref<8388608xf32, #tpu.memory_space<hbm>>) target(%dma_start3A_119 : memref<128xf32, #tpu.memory_space<vmem>>) offsets(%dma_start3A_121 : memref<128xi32, #tpu.memory_space<vmem>>) semaphore(%arg16 : memref<!tpu.dma_semaphore, #tpu.memory_space<semaphore_mem>>)
    %dma_start3A_124 = arith.constant 1920 : i32
    %dma_start3A_125 = tpu.memref_slice %arg12[%dma_start3A_124] : memref<8192xf32, #tpu.memory_space<vmem>> -> memref<128xf32, #tpu.memory_space<vmem>>
    %dma_start3A_126 = arith.constant 1920 : i32
    %dma_start3A_127 = tpu.memref_slice %arg11[%dma_start3A_126] : memref<8192xi32, #tpu.memory_space<vmem>> -> memref<128xi32, #tpu.memory_space<vmem>>
    %dma_start3A_128 = arith.constant 0 : i32
    %dma_start3A_129 = tpu.memref_slice %arg2[%dma_start3A_128] : memref<8388608xf32, #tpu.memory_space<hbm>> -> memref<8388608xf32, #tpu.memory_space<hbm>>
    tpu.enqueue_indirect_dma source(%dma_start3A_129 : memref<8388608xf32, #tpu.memory_space<hbm>>) target(%dma_start3A_125 : memref<128xf32, #tpu.memory_space<vmem>>) offsets(%dma_start3A_127 : memref<128xi32, #tpu.memory_space<vmem>>) semaphore(%arg16 : memref<!tpu.dma_semaphore, #tpu.memory_space<semaphore_mem>>)
    %scan3A_130 = arith.constant 0 : i32
    %scan3A_131 = arith.constant 128 : i32
    %scan3A_132 = arith.constant 64 : i32
    %scan3A_133 = arith.addi %scan3A_131, %scan3A_132 : i32
    %scan3A_134 = arith.constant 1 : i32
    %scan3A_135 = scf.for %scan3A_927 = %scan3A_131 to %scan3A_133 step %scan3A_134 iter_args(%scan3A_928 = %scan3A_130) -> (i32)  : i32 {
      %broadcast_in_dim3A_929 = vector.broadcast %scan3A_927 : i32 to vector<16xi32>
      %gather3A_930 = tpu.vector_load_idx %arg8[%broadcast_in_dim3A_929] : memref<500xi32, #tpu.memory_space<vmem>>[vector<16xi32>], vector<16xi32>,
      %add3A_931 = arith.addi %mul3A_9, %gather3A_930 : vector<16xi32>
      %mul3A_932 = arith.constant 16 : i32
      %mul3A_933 = arith.muli %scan3A_927, %mul3A_932 : i32
      %swap3A_934 = arith.index_cast %mul3A_933 : i32 to index
      %swap3A_935 = tpu.vector_load %arg11[%swap3A_934] {strides = array<i32>} : memref<8192xi32, #tpu.memory_space<vmem>>, vector<16xi32>,
      tpu.vector_store %arg11[%swap3A_934], %add3A_931 {strides = array<i32>} : memref<8192xi32, #tpu.memory_space<vmem>>, vector<16xi32>,
      %scan3A_936 = arith.constant 0 : i32
      scf.yield %scan3A_936 : i32
    }
    %scan3A_136 = arith.constant 64 : i32
    %dma_start3A_137 = arith.constant 2048 : i32
    %dma_start3A_138 = tpu.memref_slice %arg12[%dma_start3A_137] : memref<8192xf32, #tpu.memory_space<vmem>> -> memref<128xf32, #tpu.memory_space<vmem>>
    %dma_start3A_139 = arith.constant 2048 : i32
    %dma_start3A_140 = tpu.memref_slice %arg11[%dma_start3A_139] : memref<8192xi32, #tpu.memory_space<vmem>> -> memref<128xi32, #tpu.memory_space<vmem>>
    %dma_start3A_141 = arith.constant 0 : i32
    %dma_start3A_142 = tpu.memref_slice %arg2[%dma_start3A_141] : memref<8388608xf32, #tpu.memory_space<hbm>> -> memref<8388608xf32, #tpu.memory_space<hbm>>
    tpu.enqueue_indirect_dma source(%dma_start3A_142 : memref<8388608xf32, #tpu.memory_space<hbm>>) target(%dma_start3A_138 : memref<128xf32, #tpu.memory_space<vmem>>) offsets(%dma_start3A_140 : memref<128xi32, #tpu.memory_space<vmem>>) semaphore(%arg17 : memref<!tpu.dma_semaphore, #tpu.memory_space<semaphore_mem>>)
    %dma_start3A_143 = arith.constant 2176 : i32
    %dma_start3A_144 = tpu.memref_slice %arg12[%dma_start3A_143] : memref<8192xf32, #tpu.memory_space<vmem>> -> memref<128xf32, #tpu.memory_space<vmem>>
    %dma_start3A_145 = arith.constant 2176 : i32
    %dma_start3A_146 = tpu.memref_slice %arg11[%dma_start3A_145] : memref<8192xi32, #tpu.memory_space<vmem>> -> memref<128xi32, #tpu.memory_space<vmem>>
    %dma_start3A_147 = arith.constant 0 : i32
    %dma_start3A_148 = tpu.memref_slice %arg2[%dma_start3A_147] : memref<8388608xf32, #tpu.memory_space<hbm>> -> memref<8388608xf32, #tpu.memory_space<hbm>>
    tpu.enqueue_indirect_dma source(%dma_start3A_148 : memref<8388608xf32, #tpu.memory_space<hbm>>) target(%dma_start3A_144 : memref<128xf32, #tpu.memory_space<vmem>>) offsets(%dma_start3A_146 : memref<128xi32, #tpu.memory_space<vmem>>) semaphore(%arg17 : memref<!tpu.dma_semaphore, #tpu.memory_space<semaphore_mem>>)
    %dma_start3A_149 = arith.constant 2304 : i32
    %dma_start3A_150 = tpu.memref_slice %arg12[%dma_start3A_149] : memref<8192xf32, #tpu.memory_space<vmem>> -> memref<128xf32, #tpu.memory_space<vmem>>
    %dma_start3A_151 = arith.constant 2304 : i32
    %dma_start3A_152 = tpu.memref_slice %arg11[%dma_start3A_151] : memref<8192xi32, #tpu.memory_space<vmem>> -> memref<128xi32, #tpu.memory_space<vmem>>
    %dma_start3A_153 = arith.constant 0 : i32
    %dma_start3A_154 = tpu.memref_slice %arg2[%dma_start3A_153] : memref<8388608xf32, #tpu.memory_space<hbm>> -> memref<8388608xf32, #tpu.memory_space<hbm>>
    tpu.enqueue_indirect_dma source(%dma_start3A_154 : memref<8388608xf32, #tpu.memory_space<hbm>>) target(%dma_start3A_150 : memref<128xf32, #tpu.memory_space<vmem>>) offsets(%dma_start3A_152 : memref<128xi32, #tpu.memory_space<vmem>>) semaphore(%arg17 : memref<!tpu.dma_semaphore, #tpu.memory_space<semaphore_mem>>)
    %dma_start3A_155 = arith.constant 2432 : i32
    %dma_start3A_156 = tpu.memref_slice %arg12[%dma_start3A_155] : memref<8192xf32, #tpu.memory_space<vmem>> -> memref<128xf32, #tpu.memory_space<vmem>>
    %dma_start3A_157 = arith.constant 2432 : i32
    %dma_start3A_158 = tpu.memref_slice %arg11[%dma_start3A_157] : memref<8192xi32, #tpu.memory_space<vmem>> -> memref<128xi32, #tpu.memory_space<vmem>>
    %dma_start3A_159 = arith.constant 0 : i32
    %dma_start3A_160 = tpu.memref_slice %arg2[%dma_start3A_159] : memref<8388608xf32, #tpu.memory_space<hbm>> -> memref<8388608xf32, #tpu.memory_space<hbm>>
    tpu.enqueue_indirect_dma source(%dma_start3A_160 : memref<8388608xf32, #tpu.memory_space<hbm>>) target(%dma_start3A_156 : memref<128xf32, #tpu.memory_space<vmem>>) offsets(%dma_start3A_158 : memref<128xi32, #tpu.memory_space<vmem>>) semaphore(%arg17 : memref<!tpu.dma_semaphore, #tpu.memory_space<semaphore_mem>>)
    %dma_start3A_161 = arith.constant 2560 : i32
    %dma_start3A_162 = tpu.memref_slice %arg12[%dma_start3A_161] : memref<8192xf32, #tpu.memory_space<vmem>> -> memref<128xf32, #tpu.memory_space<vmem>>
    %dma_start3A_163 = arith.constant 2560 : i32
    %dma_start3A_164 = tpu.memref_slice %arg11[%dma_start3A_163] : memref<8192xi32, #tpu.memory_space<vmem>> -> memref<128xi32, #tpu.memory_space<vmem>>
    %dma_start3A_165 = arith.constant 0 : i32
    %dma_start3A_166 = tpu.memref_slice %arg2[%dma_start3A_165] : memref<8388608xf32, #tpu.memory_space<hbm>> -> memref<8388608xf32, #tpu.memory_space<hbm>>
    tpu.enqueue_indirect_dma source(%dma_start3A_166 : memref<8388608xf32, #tpu.memory_space<hbm>>) target(%dma_start3A_162 : memref<128xf32, #tpu.memory_space<vmem>>) offsets(%dma_start3A_164 : memref<128xi32, #tpu.memory_space<vmem>>) semaphore(%arg17 : memref<!tpu.dma_semaphore, #tpu.memory_space<semaphore_mem>>)
    %dma_start3A_167 = arith.constant 2688 : i32
    %dma_start3A_168 = tpu.memref_slice %arg12[%dma_start3A_167] : memref<8192xf32, #tpu.memory_space<vmem>> -> memref<128xf32, #tpu.memory_space<vmem>>
    %dma_start3A_169 = arith.constant 2688 : i32
    %dma_start3A_170 = tpu.memref_slice %arg11[%dma_start3A_169] : memref<8192xi32, #tpu.memory_space<vmem>> -> memref<128xi32, #tpu.memory_space<vmem>>
    %dma_start3A_171 = arith.constant 0 : i32
    %dma_start3A_172 = tpu.memref_slice %arg2[%dma_start3A_171] : memref<8388608xf32, #tpu.memory_space<hbm>> -> memref<8388608xf32, #tpu.memory_space<hbm>>
    tpu.enqueue_indirect_dma source(%dma_start3A_172 : memref<8388608xf32, #tpu.memory_space<hbm>>) target(%dma_start3A_168 : memref<128xf32, #tpu.memory_space<vmem>>) offsets(%dma_start3A_170 : memref<128xi32, #tpu.memory_space<vmem>>) semaphore(%arg17 : memref<!tpu.dma_semaphore, #tpu.memory_space<semaphore_mem>>)
    %dma_start3A_173 = arith.constant 2816 : i32
    %dma_start3A_174 = tpu.memref_slice %arg12[%dma_start3A_173] : memref<8192xf32, #tpu.memory_space<vmem>> -> memref<128xf32, #tpu.memory_space<vmem>>
    %dma_start3A_175 = arith.constant 2816 : i32
    %dma_start3A_176 = tpu.memref_slice %arg11[%dma_start3A_175] : memref<8192xi32, #tpu.memory_space<vmem>> -> memref<128xi32, #tpu.memory_space<vmem>>
    %dma_start3A_177 = arith.constant 0 : i32
    %dma_start3A_178 = tpu.memref_slice %arg2[%dma_start3A_177] : memref<8388608xf32, #tpu.memory_space<hbm>> -> memref<8388608xf32, #tpu.memory_space<hbm>>
    tpu.enqueue_indirect_dma source(%dma_start3A_178 : memref<8388608xf32, #tpu.memory_space<hbm>>) target(%dma_start3A_174 : memref<128xf32, #tpu.memory_space<vmem>>) offsets(%dma_start3A_176 : memref<128xi32, #tpu.memory_space<vmem>>) semaphore(%arg17 : memref<!tpu.dma_semaphore, #tpu.memory_space<semaphore_mem>>)
    %dma_start3A_179 = arith.constant 2944 : i32
    %dma_start3A_180 = tpu.memref_slice %arg12[%dma_start3A_179] : memref<8192xf32, #tpu.memory_space<vmem>> -> memref<128xf32, #tpu.memory_space<vmem>>
    %dma_start3A_181 = arith.constant 2944 : i32
    %dma_start3A_182 = tpu.memref_slice %arg11[%dma_start3A_181] : memref<8192xi32, #tpu.memory_space<vmem>> -> memref<128xi32, #tpu.memory_space<vmem>>
    %dma_start3A_183 = arith.constant 0 : i32
    %dma_start3A_184 = tpu.memref_slice %arg2[%dma_start3A_183] : memref<8388608xf32, #tpu.memory_space<hbm>> -> memref<8388608xf32, #tpu.memory_space<hbm>>
    tpu.enqueue_indirect_dma source(%dma_start3A_184 : memref<8388608xf32, #tpu.memory_space<hbm>>) target(%dma_start3A_180 : memref<128xf32, #tpu.memory_space<vmem>>) offsets(%dma_start3A_182 : memref<128xi32, #tpu.memory_space<vmem>>) semaphore(%arg17 : memref<!tpu.dma_semaphore, #tpu.memory_space<semaphore_mem>>)
    %scan3A_185 = arith.constant 0 : i32
    %scan3A_186 = arith.constant 192 : i32
    %scan3A_187 = arith.constant 64 : i32
    %scan3A_188 = arith.addi %scan3A_186, %scan3A_187 : i32
    %scan3A_189 = arith.constant 1 : i32
    %scan3A_190 = scf.for %scan3A_927 = %scan3A_186 to %scan3A_188 step %scan3A_189 iter_args(%scan3A_928 = %scan3A_185) -> (i32)  : i32 {
      %broadcast_in_dim3A_929 = vector.broadcast %scan3A_927 : i32 to vector<16xi32>
      %gather3A_930 = tpu.vector_load_idx %arg8[%broadcast_in_dim3A_929] : memref<500xi32, #tpu.memory_space<vmem>>[vector<16xi32>], vector<16xi32>,
      %add3A_931 = arith.addi %mul3A_9, %gather3A_930 : vector<16xi32>
      %mul3A_932 = arith.constant 16 : i32
      %mul3A_933 = arith.muli %scan3A_927, %mul3A_932 : i32
      %swap3A_934 = arith.index_cast %mul3A_933 : i32 to index
      %swap3A_935 = tpu.vector_load %arg11[%swap3A_934] {strides = array<i32>} : memref<8192xi32, #tpu.memory_space<vmem>>, vector<16xi32>,
      tpu.vector_store %arg11[%swap3A_934], %add3A_931 {strides = array<i32>} : memref<8192xi32, #tpu.memory_space<vmem>>, vector<16xi32>,
      %scan3A_936 = arith.constant 0 : i32
      scf.yield %scan3A_936 : i32
    }
    %scan3A_191 = arith.constant 64 : i32
    %dma_start3A_192 = arith.constant 3072 : i32
    %dma_start3A_193 = tpu.memref_slice %arg12[%dma_start3A_192] : memref<8192xf32, #tpu.memory_space<vmem>> -> memref<128xf32, #tpu.memory_space<vmem>>
    %dma_start3A_194 = arith.constant 3072 : i32
    %dma_start3A_195 = tpu.memref_slice %arg11[%dma_start3A_194] : memref<8192xi32, #tpu.memory_space<vmem>> -> memref<128xi32, #tpu.memory_space<vmem>>
    %dma_start3A_196 = arith.constant 0 : i32
    %dma_start3A_197 = tpu.memref_slice %arg2[%dma_start3A_196] : memref<8388608xf32, #tpu.memory_space<hbm>> -> memref<8388608xf32, #tpu.memory_space<hbm>>
    tpu.enqueue_indirect_dma source(%dma_start3A_197 : memref<8388608xf32, #tpu.memory_space<hbm>>) target(%dma_start3A_193 : memref<128xf32, #tpu.memory_space<vmem>>) offsets(%dma_start3A_195 : memref<128xi32, #tpu.memory_space<vmem>>) semaphore(%arg18 : memref<!tpu.dma_semaphore, #tpu.memory_space<semaphore_mem>>)
    %dma_start3A_198 = arith.constant 3200 : i32
    %dma_start3A_199 = tpu.memref_slice %arg12[%dma_start3A_198] : memref<8192xf32, #tpu.memory_space<vmem>> -> memref<128xf32, #tpu.memory_space<vmem>>
    %dma_start3A_200 = arith.constant 3200 : i32
    %dma_start3A_201 = tpu.memref_slice %arg11[%dma_start3A_200] : memref<8192xi32, #tpu.memory_space<vmem>> -> memref<128xi32, #tpu.memory_space<vmem>>
    %dma_start3A_202 = arith.constant 0 : i32
    %dma_start3A_203 = tpu.memref_slice %arg2[%dma_start3A_202] : memref<8388608xf32, #tpu.memory_space<hbm>> -> memref<8388608xf32, #tpu.memory_space<hbm>>
    tpu.enqueue_indirect_dma source(%dma_start3A_203 : memref<8388608xf32, #tpu.memory_space<hbm>>) target(%dma_start3A_199 : memref<128xf32, #tpu.memory_space<vmem>>) offsets(%dma_start3A_201 : memref<128xi32, #tpu.memory_space<vmem>>) semaphore(%arg18 : memref<!tpu.dma_semaphore, #tpu.memory_space<semaphore_mem>>)
    %dma_start3A_204 = arith.constant 3328 : i32
    %dma_start3A_205 = tpu.memref_slice %arg12[%dma_start3A_204] : memref<8192xf32, #tpu.memory_space<vmem>> -> memref<128xf32, #tpu.memory_space<vmem>>
    %dma_start3A_206 = arith.constant 3328 : i32
    %dma_start3A_207 = tpu.memref_slice %arg11[%dma_start3A_206] : memref<8192xi32, #tpu.memory_space<vmem>> -> memref<128xi32, #tpu.memory_space<vmem>>
    %dma_start3A_208 = arith.constant 0 : i32
    %dma_start3A_209 = tpu.memref_slice %arg2[%dma_start3A_208] : memref<8388608xf32, #tpu.memory_space<hbm>> -> memref<8388608xf32, #tpu.memory_space<hbm>>
    tpu.enqueue_indirect_dma source(%dma_start3A_209 : memref<8388608xf32, #tpu.memory_space<hbm>>) target(%dma_start3A_205 : memref<128xf32, #tpu.memory_space<vmem>>) offsets(%dma_start3A_207 : memref<128xi32, #tpu.memory_space<vmem>>) semaphore(%arg18 : memref<!tpu.dma_semaphore, #tpu.memory_space<semaphore_mem>>)
    %dma_start3A_210 = arith.constant 3456 : i32
    %dma_start3A_211 = tpu.memref_slice %arg12[%dma_start3A_210] : memref<8192xf32, #tpu.memory_space<vmem>> -> memref<128xf32, #tpu.memory_space<vmem>>
    %dma_start3A_212 = arith.constant 3456 : i32
    %dma_start3A_213 = tpu.memref_slice %arg11[%dma_start3A_212] : memref<8192xi32, #tpu.memory_space<vmem>> -> memref<128xi32, #tpu.memory_space<vmem>>
    %dma_start3A_214 = arith.constant 0 : i32
    %dma_start3A_215 = tpu.memref_slice %arg2[%dma_start3A_214] : memref<8388608xf32, #tpu.memory_space<hbm>> -> memref<8388608xf32, #tpu.memory_space<hbm>>
    tpu.enqueue_indirect_dma source(%dma_start3A_215 : memref<8388608xf32, #tpu.memory_space<hbm>>) target(%dma_start3A_211 : memref<128xf32, #tpu.memory_space<vmem>>) offsets(%dma_start3A_213 : memref<128xi32, #tpu.memory_space<vmem>>) semaphore(%arg18 : memref<!tpu.dma_semaphore, #tpu.memory_space<semaphore_mem>>)
    %dma_start3A_216 = arith.constant 3584 : i32
    %dma_start3A_217 = tpu.memref_slice %arg12[%dma_start3A_216] : memref<8192xf32, #tpu.memory_space<vmem>> -> memref<128xf32, #tpu.memory_space<vmem>>
    %dma_start3A_218 = arith.constant 3584 : i32
    %dma_start3A_219 = tpu.memref_slice %arg11[%dma_start3A_218] : memref<8192xi32, #tpu.memory_space<vmem>> -> memref<128xi32, #tpu.memory_space<vmem>>
    %dma_start3A_220 = arith.constant 0 : i32
    %dma_start3A_221 = tpu.memref_slice %arg2[%dma_start3A_220] : memref<8388608xf32, #tpu.memory_space<hbm>> -> memref<8388608xf32, #tpu.memory_space<hbm>>
    tpu.enqueue_indirect_dma source(%dma_start3A_221 : memref<8388608xf32, #tpu.memory_space<hbm>>) target(%dma_start3A_217 : memref<128xf32, #tpu.memory_space<vmem>>) offsets(%dma_start3A_219 : memref<128xi32, #tpu.memory_space<vmem>>) semaphore(%arg18 : memref<!tpu.dma_semaphore, #tpu.memory_space<semaphore_mem>>)
    %dma_start3A_222 = arith.constant 3712 : i32
    %dma_start3A_223 = tpu.memref_slice %arg12[%dma_start3A_222] : memref<8192xf32, #tpu.memory_space<vmem>> -> memref<128xf32, #tpu.memory_space<vmem>>
    %dma_start3A_224 = arith.constant 3712 : i32
    %dma_start3A_225 = tpu.memref_slice %arg11[%dma_start3A_224] : memref<8192xi32, #tpu.memory_space<vmem>> -> memref<128xi32, #tpu.memory_space<vmem>>
    %dma_start3A_226 = arith.constant 0 : i32
    %dma_start3A_227 = tpu.memref_slice %arg2[%dma_start3A_226] : memref<8388608xf32, #tpu.memory_space<hbm>> -> memref<8388608xf32, #tpu.memory_space<hbm>>
    tpu.enqueue_indirect_dma source(%dma_start3A_227 : memref<8388608xf32, #tpu.memory_space<hbm>>) target(%dma_start3A_223 : memref<128xf32, #tpu.memory_space<vmem>>) offsets(%dma_start3A_225 : memref<128xi32, #tpu.memory_space<vmem>>) semaphore(%arg18 : memref<!tpu.dma_semaphore, #tpu.memory_space<semaphore_mem>>)
    %dma_start3A_228 = arith.constant 3840 : i32
    %dma_start3A_229 = tpu.memref_slice %arg12[%dma_start3A_228] : memref<8192xf32, #tpu.memory_space<vmem>> -> memref<128xf32, #tpu.memory_space<vmem>>
    %dma_start3A_230 = arith.constant 3840 : i32
    %dma_start3A_231 = tpu.memref_slice %arg11[%dma_start3A_230] : memref<8192xi32, #tpu.memory_space<vmem>> -> memref<128xi32, #tpu.memory_space<vmem>>
    %dma_start3A_232 = arith.constant 0 : i32
    %dma_start3A_233 = tpu.memref_slice %arg2[%dma_start3A_232] : memref<8388608xf32, #tpu.memory_space<hbm>> -> memref<8388608xf32, #tpu.memory_space<hbm>>
    tpu.enqueue_indirect_dma source(%dma_start3A_233 : memref<8388608xf32, #tpu.memory_space<hbm>>) target(%dma_start3A_229 : memref<128xf32, #tpu.memory_space<vmem>>) offsets(%dma_start3A_231 : memref<128xi32, #tpu.memory_space<vmem>>) semaphore(%arg18 : memref<!tpu.dma_semaphore, #tpu.memory_space<semaphore_mem>>)
    %dma_start3A_234 = arith.constant 3968 : i32
    %dma_start3A_235 = tpu.memref_slice %arg12[%dma_start3A_234] : memref<8192xf32, #tpu.memory_space<vmem>> -> memref<128xf32, #tpu.memory_space<vmem>>
    %dma_start3A_236 = arith.constant 3968 : i32
    %dma_start3A_237 = tpu.memref_slice %arg11[%dma_start3A_236] : memref<8192xi32, #tpu.memory_space<vmem>> -> memref<128xi32, #tpu.memory_space<vmem>>
    %dma_start3A_238 = arith.constant 0 : i32
    %dma_start3A_239 = tpu.memref_slice %arg2[%dma_start3A_238] : memref<8388608xf32, #tpu.memory_space<hbm>> -> memref<8388608xf32, #tpu.memory_space<hbm>>
    tpu.enqueue_indirect_dma source(%dma_start3A_239 : memref<8388608xf32, #tpu.memory_space<hbm>>) target(%dma_start3A_235 : memref<128xf32, #tpu.memory_space<vmem>>) offsets(%dma_start3A_237 : memref<128xi32, #tpu.memory_space<vmem>>) semaphore(%arg18 : memref<!tpu.dma_semaphore, #tpu.memory_space<semaphore_mem>>)
    %scan3A_240 = arith.constant 0 : i32
    %scan3A_241 = arith.constant 256 : i32
    %scan3A_242 = arith.constant 64 : i32
    %scan3A_243 = arith.addi %scan3A_241, %scan3A_242 : i32
    %scan3A_244 = arith.constant 1 : i32
    %scan3A_245 = scf.for %scan3A_927 = %scan3A_241 to %scan3A_243 step %scan3A_244 iter_args(%scan3A_928 = %scan3A_240) -> (i32)  : i32 {
      %broadcast_in_dim3A_929 = vector.broadcast %scan3A_927 : i32 to vector<16xi32>
      %gather3A_930 = tpu.vector_load_idx %arg8[%broadcast_in_dim3A_929] : memref<500xi32, #tpu.memory_space<vmem>>[vector<16xi32>], vector<16xi32>,
      %add3A_931 = arith.addi %mul3A_9, %gather3A_930 : vector<16xi32>
      %mul3A_932 = arith.constant 16 : i32
      %mul3A_933 = arith.muli %scan3A_927, %mul3A_932 : i32
      %swap3A_934 = arith.index_cast %mul3A_933 : i32 to index
      %swap3A_935 = tpu.vector_load %arg11[%swap3A_934] {strides = array<i32>} : memref<8192xi32, #tpu.memory_space<vmem>>, vector<16xi32>,
      tpu.vector_store %arg11[%swap3A_934], %add3A_931 {strides = array<i32>} : memref<8192xi32, #tpu.memory_space<vmem>>, vector<16xi32>,
      %scan3A_936 = arith.constant 0 : i32
      scf.yield %scan3A_936 : i32
    }
    %scan3A_246 = arith.constant 64 : i32
    %dma_start3A_247 = arith.constant 4096 : i32
    %dma_start3A_248 = tpu.memref_slice %arg12[%dma_start3A_247] : memref<8192xf32, #tpu.memory_space<vmem>> -> memref<128xf32, #tpu.memory_space<vmem>>
    %dma_start3A_249 = arith.constant 4096 : i32
    %dma_start3A_250 = tpu.memref_slice %arg11[%dma_start3A_249] : memref<8192xi32, #tpu.memory_space<vmem>> -> memref<128xi32, #tpu.memory_space<vmem>>
    %dma_start3A_251 = arith.constant 0 : i32
    %dma_start3A_252 = tpu.memref_slice %arg2[%dma_start3A_251] : memref<8388608xf32, #tpu.memory_space<hbm>> -> memref<8388608xf32, #tpu.memory_space<hbm>>
    tpu.enqueue_indirect_dma source(%dma_start3A_252 : memref<8388608xf32, #tpu.memory_space<hbm>>) target(%dma_start3A_248 : memref<128xf32, #tpu.memory_space<vmem>>) offsets(%dma_start3A_250 : memref<128xi32, #tpu.memory_space<vmem>>) semaphore(%arg19 : memref<!tpu.dma_semaphore, #tpu.memory_space<semaphore_mem>>)
    %dma_start3A_253 = arith.constant 4224 : i32
    %dma_start3A_254 = tpu.memref_slice %arg12[%dma_start3A_253] : memref<8192xf32, #tpu.memory_space<vmem>> -> memref<128xf32, #tpu.memory_space<vmem>>
    %dma_start3A_255 = arith.constant 4224 : i32
    %dma_start3A_256 = tpu.memref_slice %arg11[%dma_start3A_255] : memref<8192xi32, #tpu.memory_space<vmem>> -> memref<128xi32, #tpu.memory_space<vmem>>
    %dma_start3A_257 = arith.constant 0 : i32
    %dma_start3A_258 = tpu.memref_slice %arg2[%dma_start3A_257] : memref<8388608xf32, #tpu.memory_space<hbm>> -> memref<8388608xf32, #tpu.memory_space<hbm>>
    tpu.enqueue_indirect_dma source(%dma_start3A_258 : memref<8388608xf32, #tpu.memory_space<hbm>>) target(%dma_start3A_254 : memref<128xf32, #tpu.memory_space<vmem>>) offsets(%dma_start3A_256 : memref<128xi32, #tpu.memory_space<vmem>>) semaphore(%arg19 : memref<!tpu.dma_semaphore, #tpu.memory_space<semaphore_mem>>)
    %dma_start3A_259 = arith.constant 4352 : i32
    %dma_start3A_260 = tpu.memref_slice %arg12[%dma_start3A_259] : memref<8192xf32, #tpu.memory_space<vmem>> -> memref<128xf32, #tpu.memory_space<vmem>>
    %dma_start3A_261 = arith.constant 4352 : i32
    %dma_start3A_262 = tpu.memref_slice %arg11[%dma_start3A_261] : memref<8192xi32, #tpu.memory_space<vmem>> -> memref<128xi32, #tpu.memory_space<vmem>>
    %dma_start3A_263 = arith.constant 0 : i32
    %dma_start3A_264 = tpu.memref_slice %arg2[%dma_start3A_263] : memref<8388608xf32, #tpu.memory_space<hbm>> -> memref<8388608xf32, #tpu.memory_space<hbm>>
    tpu.enqueue_indirect_dma source(%dma_start3A_264 : memref<8388608xf32, #tpu.memory_space<hbm>>) target(%dma_start3A_260 : memref<128xf32, #tpu.memory_space<vmem>>) offsets(%dma_start3A_262 : memref<128xi32, #tpu.memory_space<vmem>>) semaphore(%arg19 : memref<!tpu.dma_semaphore, #tpu.memory_space<semaphore_mem>>)
    %dma_start3A_265 = arith.constant 4480 : i32
    %dma_start3A_266 = tpu.memref_slice %arg12[%dma_start3A_265] : memref<8192xf32, #tpu.memory_space<vmem>> -> memref<128xf32, #tpu.memory_space<vmem>>
    %dma_start3A_267 = arith.constant 4480 : i32
    %dma_start3A_268 = tpu.memref_slice %arg11[%dma_start3A_267] : memref<8192xi32, #tpu.memory_space<vmem>> -> memref<128xi32, #tpu.memory_space<vmem>>
    %dma_start3A_269 = arith.constant 0 : i32
    %dma_start3A_270 = tpu.memref_slice %arg2[%dma_start3A_269] : memref<8388608xf32, #tpu.memory_space<hbm>> -> memref<8388608xf32, #tpu.memory_space<hbm>>
    tpu.enqueue_indirect_dma source(%dma_start3A_270 : memref<8388608xf32, #tpu.memory_space<hbm>>) target(%dma_start3A_266 : memref<128xf32, #tpu.memory_space<vmem>>) offsets(%dma_start3A_268 : memref<128xi32, #tpu.memory_space<vmem>>) semaphore(%arg19 : memref<!tpu.dma_semaphore, #tpu.memory_space<semaphore_mem>>)
    %dma_start3A_271 = arith.constant 4608 : i32
    %dma_start3A_272 = tpu.memref_slice %arg12[%dma_start3A_271] : memref<8192xf32, #tpu.memory_space<vmem>> -> memref<128xf32, #tpu.memory_space<vmem>>
    %dma_start3A_273 = arith.constant 4608 : i32
    %dma_start3A_274 = tpu.memref_slice %arg11[%dma_start3A_273] : memref<8192xi32, #tpu.memory_space<vmem>> -> memref<128xi32, #tpu.memory_space<vmem>>
    %dma_start3A_275 = arith.constant 0 : i32
    %dma_start3A_276 = tpu.memref_slice %arg2[%dma_start3A_275] : memref<8388608xf32, #tpu.memory_space<hbm>> -> memref<8388608xf32, #tpu.memory_space<hbm>>
    tpu.enqueue_indirect_dma source(%dma_start3A_276 : memref<8388608xf32, #tpu.memory_space<hbm>>) target(%dma_start3A_272 : memref<128xf32, #tpu.memory_space<vmem>>) offsets(%dma_start3A_274 : memref<128xi32, #tpu.memory_space<vmem>>) semaphore(%arg19 : memref<!tpu.dma_semaphore, #tpu.memory_space<semaphore_mem>>)
    %dma_start3A_277 = arith.constant 4736 : i32
    %dma_start3A_278 = tpu.memref_slice %arg12[%dma_start3A_277] : memref<8192xf32, #tpu.memory_space<vmem>> -> memref<128xf32, #tpu.memory_space<vmem>>
    %dma_start3A_279 = arith.constant 4736 : i32
    %dma_start3A_280 = tpu.memref_slice %arg11[%dma_start3A_279] : memref<8192xi32, #tpu.memory_space<vmem>> -> memref<128xi32, #tpu.memory_space<vmem>>
    %dma_start3A_281 = arith.constant 0 : i32
    %dma_start3A_282 = tpu.memref_slice %arg2[%dma_start3A_281] : memref<8388608xf32, #tpu.memory_space<hbm>> -> memref<8388608xf32, #tpu.memory_space<hbm>>
    tpu.enqueue_indirect_dma source(%dma_start3A_282 : memref<8388608xf32, #tpu.memory_space<hbm>>) target(%dma_start3A_278 : memref<128xf32, #tpu.memory_space<vmem>>) offsets(%dma_start3A_280 : memref<128xi32, #tpu.memory_space<vmem>>) semaphore(%arg19 : memref<!tpu.dma_semaphore, #tpu.memory_space<semaphore_mem>>)
    %dma_start3A_283 = arith.constant 4864 : i32
    %dma_start3A_284 = tpu.memref_slice %arg12[%dma_start3A_283] : memref<8192xf32, #tpu.memory_space<vmem>> -> memref<128xf32, #tpu.memory_space<vmem>>
    %dma_start3A_285 = arith.constant 4864 : i32
    %dma_start3A_286 = tpu.memref_slice %arg11[%dma_start3A_285] : memref<8192xi32, #tpu.memory_space<vmem>> -> memref<128xi32, #tpu.memory_space<vmem>>
    %dma_start3A_287 = arith.constant 0 : i32
    %dma_start3A_288 = tpu.memref_slice %arg2[%dma_start3A_287] : memref<8388608xf32, #tpu.memory_space<hbm>> -> memref<8388608xf32, #tpu.memory_space<hbm>>
    tpu.enqueue_indirect_dma source(%dma_start3A_288 : memref<8388608xf32, #tpu.memory_space<hbm>>) target(%dma_start3A_284 : memref<128xf32, #tpu.memory_space<vmem>>) offsets(%dma_start3A_286 : memref<128xi32, #tpu.memory_space<vmem>>) semaphore(%arg19 : memref<!tpu.dma_semaphore, #tpu.memory_space<semaphore_mem>>)
    %dma_start3A_289 = arith.constant 4992 : i32
    %dma_start3A_290 = tpu.memref_slice %arg12[%dma_start3A_289] : memref<8192xf32, #tpu.memory_space<vmem>> -> memref<128xf32, #tpu.memory_space<vmem>>
    %dma_start3A_291 = arith.constant 4992 : i32
    %dma_start3A_292 = tpu.memref_slice %arg11[%dma_start3A_291] : memref<8192xi32, #tpu.memory_space<vmem>> -> memref<128xi32, #tpu.memory_space<vmem>>
    %dma_start3A_293 = arith.constant 0 : i32
    %dma_start3A_294 = tpu.memref_slice %arg2[%dma_start3A_293] : memref<8388608xf32, #tpu.memory_space<hbm>> -> memref<8388608xf32, #tpu.memory_space<hbm>>
    tpu.enqueue_indirect_dma source(%dma_start3A_294 : memref<8388608xf32, #tpu.memory_space<hbm>>) target(%dma_start3A_290 : memref<128xf32, #tpu.memory_space<vmem>>) offsets(%dma_start3A_292 : memref<128xi32, #tpu.memory_space<vmem>>) semaphore(%arg19 : memref<!tpu.dma_semaphore, #tpu.memory_space<semaphore_mem>>)
    %scan3A_295 = arith.constant 0 : i32
    %scan3A_296 = arith.constant 320 : i32
    %scan3A_297 = arith.constant 64 : i32
    %scan3A_298 = arith.addi %scan3A_296, %scan3A_297 : i32
    %scan3A_299 = arith.constant 1 : i32
    %scan3A_300 = scf.for %scan3A_927 = %scan3A_296 to %scan3A_298 step %scan3A_299 iter_args(%scan3A_928 = %scan3A_295) -> (i32)  : i32 {
      %broadcast_in_dim3A_929 = vector.broadcast %scan3A_927 : i32 to vector<16xi32>
      %gather3A_930 = tpu.vector_load_idx %arg8[%broadcast_in_dim3A_929] : memref<500xi32, #tpu.memory_space<vmem>>[vector<16xi32>], vector<16xi32>,
      %add3A_931 = arith.addi %mul3A_9, %gather3A_930 : vector<16xi32>
      %mul3A_932 = arith.constant 16 : i32
      %mul3A_933 = arith.muli %scan3A_927, %mul3A_932 : i32
      %swap3A_934 = arith.index_cast %mul3A_933 : i32 to index
      %swap3A_935 = tpu.vector_load %arg11[%swap3A_934] {strides = array<i32>} : memref<8192xi32, #tpu.memory_space<vmem>>, vector<16xi32>,
      tpu.vector_store %arg11[%swap3A_934], %add3A_931 {strides = array<i32>} : memref<8192xi32, #tpu.memory_space<vmem>>, vector<16xi32>,
      %scan3A_936 = arith.constant 0 : i32
      scf.yield %scan3A_936 : i32
    }
    %scan3A_301 = arith.constant 64 : i32
    %dma_start3A_302 = arith.constant 5120 : i32
    %dma_start3A_303 = tpu.memref_slice %arg12[%dma_start3A_302] : memref<8192xf32, #tpu.memory_space<vmem>> -> memref<128xf32, #tpu.memory_space<vmem>>
    %dma_start3A_304 = arith.constant 5120 : i32
    %dma_start3A_305 = tpu.memref_slice %arg11[%dma_start3A_304] : memref<8192xi32, #tpu.memory_space<vmem>> -> memref<128xi32, #tpu.memory_space<vmem>>
    %dma_start3A_306 = arith.constant 0 : i32
    %dma_start3A_307 = tpu.memref_slice %arg2[%dma_start3A_306] : memref<8388608xf32, #tpu.memory_space<hbm>> -> memref<8388608xf32, #tpu.memory_space<hbm>>
    tpu.enqueue_indirect_dma source(%dma_start3A_307 : memref<8388608xf32, #tpu.memory_space<hbm>>) target(%dma_start3A_303 : memref<128xf32, #tpu.memory_space<vmem>>) offsets(%dma_start3A_305 : memref<128xi32, #tpu.memory_space<vmem>>) semaphore(%arg20 : memref<!tpu.dma_semaphore, #tpu.memory_space<semaphore_mem>>)
    %dma_start3A_308 = arith.constant 5248 : i32
    %dma_start3A_309 = tpu.memref_slice %arg12[%dma_start3A_308] : memref<8192xf32, #tpu.memory_space<vmem>> -> memref<128xf32, #tpu.memory_space<vmem>>
    %dma_start3A_310 = arith.constant 5248 : i32
    %dma_start3A_311 = tpu.memref_slice %arg11[%dma_start3A_310] : memref<8192xi32, #tpu.memory_space<vmem>> -> memref<128xi32, #tpu.memory_space<vmem>>
    %dma_start3A_312 = arith.constant 0 : i32
    %dma_start3A_313 = tpu.memref_slice %arg2[%dma_start3A_312] : memref<8388608xf32, #tpu.memory_space<hbm>> -> memref<8388608xf32, #tpu.memory_space<hbm>>
    tpu.enqueue_indirect_dma source(%dma_start3A_313 : memref<8388608xf32, #tpu.memory_space<hbm>>) target(%dma_start3A_309 : memref<128xf32, #tpu.memory_space<vmem>>) offsets(%dma_start3A_311 : memref<128xi32, #tpu.memory_space<vmem>>) semaphore(%arg20 : memref<!tpu.dma_semaphore, #tpu.memory_space<semaphore_mem>>)
    %dma_start3A_314 = arith.constant 5376 : i32
    %dma_start3A_315 = tpu.memref_slice %arg12[%dma_start3A_314] : memref<8192xf32, #tpu.memory_space<vmem>> -> memref<128xf32, #tpu.memory_space<vmem>>
    %dma_start3A_316 = arith.constant 5376 : i32
    %dma_start3A_317 = tpu.memref_slice %arg11[%dma_start3A_316] : memref<8192xi32, #tpu.memory_space<vmem>> -> memref<128xi32, #tpu.memory_space<vmem>>
    %dma_start3A_318 = arith.constant 0 : i32
    %dma_start3A_319 = tpu.memref_slice %arg2[%dma_start3A_318] : memref<8388608xf32, #tpu.memory_space<hbm>> -> memref<8388608xf32, #tpu.memory_space<hbm>>
    tpu.enqueue_indirect_dma source(%dma_start3A_319 : memref<8388608xf32, #tpu.memory_space<hbm>>) target(%dma_start3A_315 : memref<128xf32, #tpu.memory_space<vmem>>) offsets(%dma_start3A_317 : memref<128xi32, #tpu.memory_space<vmem>>) semaphore(%arg20 : memref<!tpu.dma_semaphore, #tpu.memory_space<semaphore_mem>>)
    %dma_start3A_320 = arith.constant 5504 : i32
    %dma_start3A_321 = tpu.memref_slice %arg12[%dma_start3A_320] : memref<8192xf32, #tpu.memory_space<vmem>> -> memref<128xf32, #tpu.memory_space<vmem>>
    %dma_start3A_322 = arith.constant 5504 : i32
    %dma_start3A_323 = tpu.memref_slice %arg11[%dma_start3A_322] : memref<8192xi32, #tpu.memory_space<vmem>> -> memref<128xi32, #tpu.memory_space<vmem>>
    %dma_start3A_324 = arith.constant 0 : i32
    %dma_start3A_325 = tpu.memref_slice %arg2[%dma_start3A_324] : memref<8388608xf32, #tpu.memory_space<hbm>> -> memref<8388608xf32, #tpu.memory_space<hbm>>
    tpu.enqueue_indirect_dma source(%dma_start3A_325 : memref<8388608xf32, #tpu.memory_space<hbm>>) target(%dma_start3A_321 : memref<128xf32, #tpu.memory_space<vmem>>) offsets(%dma_start3A_323 : memref<128xi32, #tpu.memory_space<vmem>>) semaphore(%arg20 : memref<!tpu.dma_semaphore, #tpu.memory_space<semaphore_mem>>)
    %dma_start3A_326 = arith.constant 5632 : i32
    %dma_start3A_327 = tpu.memref_slice %arg12[%dma_start3A_326] : memref<8192xf32, #tpu.memory_space<vmem>> -> memref<128xf32, #tpu.memory_space<vmem>>
    %dma_start3A_328 = arith.constant 5632 : i32
    %dma_start3A_329 = tpu.memref_slice %arg11[%dma_start3A_328] : memref<8192xi32, #tpu.memory_space<vmem>> -> memref<128xi32, #tpu.memory_space<vmem>>
    %dma_start3A_330 = arith.constant 0 : i32
    %dma_start3A_331 = tpu.memref_slice %arg2[%dma_start3A_330] : memref<8388608xf32, #tpu.memory_space<hbm>> -> memref<8388608xf32, #tpu.memory_space<hbm>>
    tpu.enqueue_indirect_dma source(%dma_start3A_331 : memref<8388608xf32, #tpu.memory_space<hbm>>) target(%dma_start3A_327 : memref<128xf32, #tpu.memory_space<vmem>>) offsets(%dma_start3A_329 : memref<128xi32, #tpu.memory_space<vmem>>) semaphore(%arg20 : memref<!tpu.dma_semaphore, #tpu.memory_space<semaphore_mem>>)
    %dma_start3A_332 = arith.constant 5760 : i32
    %dma_start3A_333 = tpu.memref_slice %arg12[%dma_start3A_332] : memref<8192xf32, #tpu.memory_space<vmem>> -> memref<128xf32, #tpu.memory_space<vmem>>
    %dma_start3A_334 = arith.constant 5760 : i32
    %dma_start3A_335 = tpu.memref_slice %arg11[%dma_start3A_334] : memref<8192xi32, #tpu.memory_space<vmem>> -> memref<128xi32, #tpu.memory_space<vmem>>
    %dma_start3A_336 = arith.constant 0 : i32
    %dma_start3A_337 = tpu.memref_slice %arg2[%dma_start3A_336] : memref<8388608xf32, #tpu.memory_space<hbm>> -> memref<8388608xf32, #tpu.memory_space<hbm>>
    tpu.enqueue_indirect_dma source(%dma_start3A_337 : memref<8388608xf32, #tpu.memory_space<hbm>>) target(%dma_start3A_333 : memref<128xf32, #tpu.memory_space<vmem>>) offsets(%dma_start3A_335 : memref<128xi32, #tpu.memory_space<vmem>>) semaphore(%arg20 : memref<!tpu.dma_semaphore, #tpu.memory_space<semaphore_mem>>)
    %dma_start3A_338 = arith.constant 5888 : i32
    %dma_start3A_339 = tpu.memref_slice %arg12[%dma_start3A_338] : memref<8192xf32, #tpu.memory_space<vmem>> -> memref<128xf32, #tpu.memory_space<vmem>>
    %dma_start3A_340 = arith.constant 5888 : i32
    %dma_start3A_341 = tpu.memref_slice %arg11[%dma_start3A_340] : memref<8192xi32, #tpu.memory_space<vmem>> -> memref<128xi32, #tpu.memory_space<vmem>>
    %dma_start3A_342 = arith.constant 0 : i32
    %dma_start3A_343 = tpu.memref_slice %arg2[%dma_start3A_342] : memref<8388608xf32, #tpu.memory_space<hbm>> -> memref<8388608xf32, #tpu.memory_space<hbm>>
    tpu.enqueue_indirect_dma source(%dma_start3A_343 : memref<8388608xf32, #tpu.memory_space<hbm>>) target(%dma_start3A_339 : memref<128xf32, #tpu.memory_space<vmem>>) offsets(%dma_start3A_341 : memref<128xi32, #tpu.memory_space<vmem>>) semaphore(%arg20 : memref<!tpu.dma_semaphore, #tpu.memory_space<semaphore_mem>>)
    %dma_start3A_344 = arith.constant 6016 : i32
    %dma_start3A_345 = tpu.memref_slice %arg12[%dma_start3A_344] : memref<8192xf32, #tpu.memory_space<vmem>> -> memref<128xf32, #tpu.memory_space<vmem>>
    %dma_start3A_346 = arith.constant 6016 : i32
    %dma_start3A_347 = tpu.memref_slice %arg11[%dma_start3A_346] : memref<8192xi32, #tpu.memory_space<vmem>> -> memref<128xi32, #tpu.memory_space<vmem>>
    %dma_start3A_348 = arith.constant 0 : i32
    %dma_start3A_349 = tpu.memref_slice %arg2[%dma_start3A_348] : memref<8388608xf32, #tpu.memory_space<hbm>> -> memref<8388608xf32, #tpu.memory_space<hbm>>
    tpu.enqueue_indirect_dma source(%dma_start3A_349 : memref<8388608xf32, #tpu.memory_space<hbm>>) target(%dma_start3A_345 : memref<128xf32, #tpu.memory_space<vmem>>) offsets(%dma_start3A_347 : memref<128xi32, #tpu.memory_space<vmem>>) semaphore(%arg20 : memref<!tpu.dma_semaphore, #tpu.memory_space<semaphore_mem>>)
    %scan3A_350 = arith.constant 0 : i32
    %scan3A_351 = arith.constant 384 : i32
    %scan3A_352 = arith.constant 64 : i32
    %scan3A_353 = arith.addi %scan3A_351, %scan3A_352 : i32
    %scan3A_354 = arith.constant 1 : i32
    %scan3A_355 = scf.for %scan3A_927 = %scan3A_351 to %scan3A_353 step %scan3A_354 iter_args(%scan3A_928 = %scan3A_350) -> (i32)  : i32 {
      %broadcast_in_dim3A_929 = vector.broadcast %scan3A_927 : i32 to vector<16xi32>
      %gather3A_930 = tpu.vector_load_idx %arg8[%broadcast_in_dim3A_929] : memref<500xi32, #tpu.memory_space<vmem>>[vector<16xi32>], vector<16xi32>,
      %add3A_931 = arith.addi %mul3A_9, %gather3A_930 : vector<16xi32>
      %mul3A_932 = arith.constant 16 : i32
      %mul3A_933 = arith.muli %scan3A_927, %mul3A_932 : i32
      %swap3A_934 = arith.index_cast %mul3A_933 : i32 to index
      %swap3A_935 = tpu.vector_load %arg11[%swap3A_934] {strides = array<i32>} : memref<8192xi32, #tpu.memory_space<vmem>>, vector<16xi32>,
      tpu.vector_store %arg11[%swap3A_934], %add3A_931 {strides = array<i32>} : memref<8192xi32, #tpu.memory_space<vmem>>, vector<16xi32>,
      %scan3A_936 = arith.constant 0 : i32
      scf.yield %scan3A_936 : i32
    }
    %scan3A_356 = arith.constant 64 : i32
    %dma_start3A_357 = arith.constant 6144 : i32
    %dma_start3A_358 = tpu.memref_slice %arg12[%dma_start3A_357] : memref<8192xf32, #tpu.memory_space<vmem>> -> memref<128xf32, #tpu.memory_space<vmem>>
    %dma_start3A_359 = arith.constant 6144 : i32
    %dma_start3A_360 = tpu.memref_slice %arg11[%dma_start3A_359] : memref<8192xi32, #tpu.memory_space<vmem>> -> memref<128xi32, #tpu.memory_space<vmem>>
    %dma_start3A_361 = arith.constant 0 : i32
    %dma_start3A_362 = tpu.memref_slice %arg2[%dma_start3A_361] : memref<8388608xf32, #tpu.memory_space<hbm>> -> memref<8388608xf32, #tpu.memory_space<hbm>>
    tpu.enqueue_indirect_dma source(%dma_start3A_362 : memref<8388608xf32, #tpu.memory_space<hbm>>) target(%dma_start3A_358 : memref<128xf32, #tpu.memory_space<vmem>>) offsets(%dma_start3A_360 : memref<128xi32, #tpu.memory_space<vmem>>) semaphore(%arg21 : memref<!tpu.dma_semaphore, #tpu.memory_space<semaphore_mem>>)
    %dma_start3A_363 = arith.constant 6272 : i32
    %dma_start3A_364 = tpu.memref_slice %arg12[%dma_start3A_363] : memref<8192xf32, #tpu.memory_space<vmem>> -> memref<128xf32, #tpu.memory_space<vmem>>
    %dma_start3A_365 = arith.constant 6272 : i32
    %dma_start3A_366 = tpu.memref_slice %arg11[%dma_start3A_365] : memref<8192xi32, #tpu.memory_space<vmem>> -> memref<128xi32, #tpu.memory_space<vmem>>
    %dma_start3A_367 = arith.constant 0 : i32
    %dma_start3A_368 = tpu.memref_slice %arg2[%dma_start3A_367] : memref<8388608xf32, #tpu.memory_space<hbm>> -> memref<8388608xf32, #tpu.memory_space<hbm>>
    tpu.enqueue_indirect_dma source(%dma_start3A_368 : memref<8388608xf32, #tpu.memory_space<hbm>>) target(%dma_start3A_364 : memref<128xf32, #tpu.memory_space<vmem>>) offsets(%dma_start3A_366 : memref<128xi32, #tpu.memory_space<vmem>>) semaphore(%arg21 : memref<!tpu.dma_semaphore, #tpu.memory_space<semaphore_mem>>)
    %dma_start3A_369 = arith.constant 6400 : i32
    %dma_start3A_370 = tpu.memref_slice %arg12[%dma_start3A_369] : memref<8192xf32, #tpu.memory_space<vmem>> -> memref<128xf32, #tpu.memory_space<vmem>>
    %dma_start3A_371 = arith.constant 6400 : i32
    %dma_start3A_372 = tpu.memref_slice %arg11[%dma_start3A_371] : memref<8192xi32, #tpu.memory_space<vmem>> -> memref<128xi32, #tpu.memory_space<vmem>>
    %dma_start3A_373 = arith.constant 0 : i32
    %dma_start3A_374 = tpu.memref_slice %arg2[%dma_start3A_373] : memref<8388608xf32, #tpu.memory_space<hbm>> -> memref<8388608xf32, #tpu.memory_space<hbm>>
    tpu.enqueue_indirect_dma source(%dma_start3A_374 : memref<8388608xf32, #tpu.memory_space<hbm>>) target(%dma_start3A_370 : memref<128xf32, #tpu.memory_space<vmem>>) offsets(%dma_start3A_372 : memref<128xi32, #tpu.memory_space<vmem>>) semaphore(%arg21 : memref<!tpu.dma_semaphore, #tpu.memory_space<semaphore_mem>>)
    %dma_start3A_375 = arith.constant 6528 : i32
    %dma_start3A_376 = tpu.memref_slice %arg12[%dma_start3A_375] : memref<8192xf32, #tpu.memory_space<vmem>> -> memref<128xf32, #tpu.memory_space<vmem>>
    %dma_start3A_377 = arith.constant 6528 : i32
    %dma_start3A_378 = tpu.memref_slice %arg11[%dma_start3A_377] : memref<8192xi32, #tpu.memory_space<vmem>> -> memref<128xi32, #tpu.memory_space<vmem>>
    %dma_start3A_379 = arith.constant 0 : i32
    %dma_start3A_380 = tpu.memref_slice %arg2[%dma_start3A_379] : memref<8388608xf32, #tpu.memory_space<hbm>> -> memref<8388608xf32, #tpu.memory_space<hbm>>
    tpu.enqueue_indirect_dma source(%dma_start3A_380 : memref<8388608xf32, #tpu.memory_space<hbm>>) target(%dma_start3A_376 : memref<128xf32, #tpu.memory_space<vmem>>) offsets(%dma_start3A_378 : memref<128xi32, #tpu.memory_space<vmem>>) semaphore(%arg21 : memref<!tpu.dma_semaphore, #tpu.memory_space<semaphore_mem>>)
    %dma_start3A_381 = arith.constant 6656 : i32
    %dma_start3A_382 = tpu.memref_slice %arg12[%dma_start3A_381] : memref<8192xf32, #tpu.memory_space<vmem>> -> memref<128xf32, #tpu.memory_space<vmem>>
    %dma_start3A_383 = arith.constant 6656 : i32
    %dma_start3A_384 = tpu.memref_slice %arg11[%dma_start3A_383] : memref<8192xi32, #tpu.memory_space<vmem>> -> memref<128xi32, #tpu.memory_space<vmem>>
    %dma_start3A_385 = arith.constant 0 : i32
    %dma_start3A_386 = tpu.memref_slice %arg2[%dma_start3A_385] : memref<8388608xf32, #tpu.memory_space<hbm>> -> memref<8388608xf32, #tpu.memory_space<hbm>>
    tpu.enqueue_indirect_dma source(%dma_start3A_386 : memref<8388608xf32, #tpu.memory_space<hbm>>) target(%dma_start3A_382 : memref<128xf32, #tpu.memory_space<vmem>>) offsets(%dma_start3A_384 : memref<128xi32, #tpu.memory_space<vmem>>) semaphore(%arg21 : memref<!tpu.dma_semaphore, #tpu.memory_space<semaphore_mem>>)
    %dma_start3A_387 = arith.constant 6784 : i32
    %dma_start3A_388 = tpu.memref_slice %arg12[%dma_start3A_387] : memref<8192xf32, #tpu.memory_space<vmem>> -> memref<128xf32, #tpu.memory_space<vmem>>
    %dma_start3A_389 = arith.constant 6784 : i32
    %dma_start3A_390 = tpu.memref_slice %arg11[%dma_start3A_389] : memref<8192xi32, #tpu.memory_space<vmem>> -> memref<128xi32, #tpu.memory_space<vmem>>
    %dma_start3A_391 = arith.constant 0 : i32
    %dma_start3A_392 = tpu.memref_slice %arg2[%dma_start3A_391] : memref<8388608xf32, #tpu.memory_space<hbm>> -> memref<8388608xf32, #tpu.memory_space<hbm>>
    tpu.enqueue_indirect_dma source(%dma_start3A_392 : memref<8388608xf32, #tpu.memory_space<hbm>>) target(%dma_start3A_388 : memref<128xf32, #tpu.memory_space<vmem>>) offsets(%dma_start3A_390 : memref<128xi32, #tpu.memory_space<vmem>>) semaphore(%arg21 : memref<!tpu.dma_semaphore, #tpu.memory_space<semaphore_mem>>)
    %dma_start3A_393 = arith.constant 6912 : i32
    %dma_start3A_394 = tpu.memref_slice %arg12[%dma_start3A_393] : memref<8192xf32, #tpu.memory_space<vmem>> -> memref<128xf32, #tpu.memory_space<vmem>>
    %dma_start3A_395 = arith.constant 6912 : i32
    %dma_start3A_396 = tpu.memref_slice %arg11[%dma_start3A_395] : memref<8192xi32, #tpu.memory_space<vmem>> -> memref<128xi32, #tpu.memory_space<vmem>>
    %dma_start3A_397 = arith.constant 0 : i32
    %dma_start3A_398 = tpu.memref_slice %arg2[%dma_start3A_397] : memref<8388608xf32, #tpu.memory_space<hbm>> -> memref<8388608xf32, #tpu.memory_space<hbm>>
    tpu.enqueue_indirect_dma source(%dma_start3A_398 : memref<8388608xf32, #tpu.memory_space<hbm>>) target(%dma_start3A_394 : memref<128xf32, #tpu.memory_space<vmem>>) offsets(%dma_start3A_396 : memref<128xi32, #tpu.memory_space<vmem>>) semaphore(%arg21 : memref<!tpu.dma_semaphore, #tpu.memory_space<semaphore_mem>>)
    %dma_start3A_399 = arith.constant 7040 : i32
    %dma_start3A_400 = tpu.memref_slice %arg12[%dma_start3A_399] : memref<8192xf32, #tpu.memory_space<vmem>> -> memref<128xf32, #tpu.memory_space<vmem>>
    %dma_start3A_401 = arith.constant 7040 : i32
    %dma_start3A_402 = tpu.memref_slice %arg11[%dma_start3A_401] : memref<8192xi32, #tpu.memory_space<vmem>> -> memref<128xi32, #tpu.memory_space<vmem>>
    %dma_start3A_403 = arith.constant 0 : i32
    %dma_start3A_404 = tpu.memref_slice %arg2[%dma_start3A_403] : memref<8388608xf32, #tpu.memory_space<hbm>> -> memref<8388608xf32, #tpu.memory_space<hbm>>
    tpu.enqueue_indirect_dma source(%dma_start3A_404 : memref<8388608xf32, #tpu.memory_space<hbm>>) target(%dma_start3A_400 : memref<128xf32, #tpu.memory_space<vmem>>) offsets(%dma_start3A_402 : memref<128xi32, #tpu.memory_space<vmem>>) semaphore(%arg21 : memref<!tpu.dma_semaphore, #tpu.memory_space<semaphore_mem>>)
    %scan3A_405 = arith.constant 0 : i32
    %scan3A_406 = arith.constant 448 : i32
    %scan3A_407 = arith.constant 52 : i32
    %scan3A_408 = arith.addi %scan3A_406, %scan3A_407 : i32
    %scan3A_409 = arith.constant 1 : i32
    %scan3A_410 = scf.for %scan3A_927 = %scan3A_406 to %scan3A_408 step %scan3A_409 iter_args(%scan3A_928 = %scan3A_405) -> (i32)  : i32 {
      %broadcast_in_dim3A_929 = vector.broadcast %scan3A_927 : i32 to vector<16xi32>
      %gather3A_930 = tpu.vector_load_idx %arg8[%broadcast_in_dim3A_929] : memref<500xi32, #tpu.memory_space<vmem>>[vector<16xi32>], vector<16xi32>,
      %add3A_931 = arith.addi %mul3A_9, %gather3A_930 : vector<16xi32>
      %mul3A_932 = arith.constant 16 : i32
      %mul3A_933 = arith.muli %scan3A_927, %mul3A_932 : i32
      %swap3A_934 = arith.index_cast %mul3A_933 : i32 to index
      %swap3A_935 = tpu.vector_load %arg11[%swap3A_934] {strides = array<i32>} : memref<8192xi32, #tpu.memory_space<vmem>>, vector<16xi32>,
      tpu.vector_store %arg11[%swap3A_934], %add3A_931 {strides = array<i32>} : memref<8192xi32, #tpu.memory_space<vmem>>, vector<16xi32>,
      %scan3A_936 = arith.constant 0 : i32
      scf.yield %scan3A_936 : i32
    }
    %scan3A_411 = arith.constant 52 : i32
    %scan3A_412 = arith.constant 0 : i32
    %scan3A_413 = arith.constant 500 : i32
    %scan3A_414 = arith.constant 12 : i32
    %scan3A_415 = arith.addi %scan3A_413, %scan3A_414 : i32
    %scan3A_416 = arith.constant 1 : i32
    %scan3A_417 = scf.for %scan3A_927 = %scan3A_413 to %scan3A_415 step %scan3A_416 iter_args(%scan3A_928 = %scan3A_412) -> (i32)  : i32 {
      %mul3A_929 = arith.constant 16 : i32
      %mul3A_930 = arith.muli %scan3A_927, %mul3A_929 : i32
      %swap3A_931 = arith.index_cast %mul3A_930 : i32 to index
      %swap3A_932 = tpu.vector_load %arg11[%swap3A_931] {strides = array<i32>} : memref<8192xi32, #tpu.memory_space<vmem>>, vector<16xi32>,
      tpu.vector_store %arg11[%swap3A_931], %mul3A_9 {strides = array<i32>} : memref<8192xi32, #tpu.memory_space<vmem>>, vector<16xi32>,
      %scan3A_933 = arith.constant 0 : i32
      scf.yield %scan3A_933 : i32
    }
    %scan3A_418 = arith.constant 12 : i32
    %dma_start3A_419 = arith.constant 7168 : i32
    %dma_start3A_420 = tpu.memref_slice %arg12[%dma_start3A_419] : memref<8192xf32, #tpu.memory_space<vmem>> -> memref<128xf32, #tpu.memory_space<vmem>>
    %dma_start3A_421 = arith.constant 7168 : i32
    %dma_start3A_422 = tpu.memref_slice %arg11[%dma_start3A_421] : memref<8192xi32, #tpu.memory_space<vmem>> -> memref<128xi32, #tpu.memory_space<vmem>>
    %dma_start3A_423 = arith.constant 0 : i32
    %dma_start3A_424 = tpu.memref_slice %arg2[%dma_start3A_423] : memref<8388608xf32, #tpu.memory_space<hbm>> -> memref<8388608xf32, #tpu.memory_space<hbm>>
    tpu.enqueue_indirect_dma source(%dma_start3A_424 : memref<8388608xf32, #tpu.memory_space<hbm>>) target(%dma_start3A_420 : memref<128xf32, #tpu.memory_space<vmem>>) offsets(%dma_start3A_422 : memref<128xi32, #tpu.memory_space<vmem>>) semaphore(%arg22 : memref<!tpu.dma_semaphore, #tpu.memory_space<semaphore_mem>>)
    %dma_start3A_425 = arith.constant 7296 : i32
    %dma_start3A_426 = tpu.memref_slice %arg12[%dma_start3A_425] : memref<8192xf32, #tpu.memory_space<vmem>> -> memref<128xf32, #tpu.memory_space<vmem>>
    %dma_start3A_427 = arith.constant 7296 : i32
    %dma_start3A_428 = tpu.memref_slice %arg11[%dma_start3A_427] : memref<8192xi32, #tpu.memory_space<vmem>> -> memref<128xi32, #tpu.memory_space<vmem>>
    %dma_start3A_429 = arith.constant 0 : i32
    %dma_start3A_430 = tpu.memref_slice %arg2[%dma_start3A_429] : memref<8388608xf32, #tpu.memory_space<hbm>> -> memref<8388608xf32, #tpu.memory_space<hbm>>
    tpu.enqueue_indirect_dma source(%dma_start3A_430 : memref<8388608xf32, #tpu.memory_space<hbm>>) target(%dma_start3A_426 : memref<128xf32, #tpu.memory_space<vmem>>) offsets(%dma_start3A_428 : memref<128xi32, #tpu.memory_space<vmem>>) semaphore(%arg22 : memref<!tpu.dma_semaphore, #tpu.memory_space<semaphore_mem>>)
    %dma_start3A_431 = arith.constant 7424 : i32
    %dma_start3A_432 = tpu.memref_slice %arg12[%dma_start3A_431] : memref<8192xf32, #tpu.memory_space<vmem>> -> memref<128xf32, #tpu.memory_space<vmem>>
    %dma_start3A_433 = arith.constant 7424 : i32
    %dma_start3A_434 = tpu.memref_slice %arg11[%dma_start3A_433] : memref<8192xi32, #tpu.memory_space<vmem>> -> memref<128xi32, #tpu.memory_space<vmem>>
    %dma_start3A_435 = arith.constant 0 : i32
    %dma_start3A_436 = tpu.memref_slice %arg2[%dma_start3A_435] : memref<8388608xf32, #tpu.memory_space<hbm>> -> memref<8388608xf32, #tpu.memory_space<hbm>>
    tpu.enqueue_indirect_dma source(%dma_start3A_436 : memref<8388608xf32, #tpu.memory_space<hbm>>) target(%dma_start3A_432 : memref<128xf32, #tpu.memory_space<vmem>>) offsets(%dma_start3A_434 : memref<128xi32, #tpu.memory_space<vmem>>) semaphore(%arg22 : memref<!tpu.dma_semaphore, #tpu.memory_space<semaphore_mem>>)
    %dma_start3A_437 = arith.constant 7552 : i32
    %dma_start3A_438 = tpu.memref_slice %arg12[%dma_start3A_437] : memref<8192xf32, #tpu.memory_space<vmem>> -> memref<128xf32, #tpu.memory_space<vmem>>
    %dma_start3A_439 = arith.constant 7552 : i32
    %dma_start3A_440 = tpu.memref_slice %arg11[%dma_start3A_439] : memref<8192xi32, #tpu.memory_space<vmem>> -> memref<128xi32, #tpu.memory_space<vmem>>
    %dma_start3A_441 = arith.constant 0 : i32
    %dma_start3A_442 = tpu.memref_slice %arg2[%dma_start3A_441] : memref<8388608xf32, #tpu.memory_space<hbm>> -> memref<8388608xf32, #tpu.memory_space<hbm>>
    tpu.enqueue_indirect_dma source(%dma_start3A_442 : memref<8388608xf32, #tpu.memory_space<hbm>>) target(%dma_start3A_438 : memref<128xf32, #tpu.memory_space<vmem>>) offsets(%dma_start3A_440 : memref<128xi32, #tpu.memory_space<vmem>>) semaphore(%arg22 : memref<!tpu.dma_semaphore, #tpu.memory_space<semaphore_mem>>)
    %dma_start3A_443 = arith.constant 7680 : i32
    %dma_start3A_444 = tpu.memref_slice %arg12[%dma_start3A_443] : memref<8192xf32, #tpu.memory_space<vmem>> -> memref<128xf32, #tpu.memory_space<vmem>>
    %dma_start3A_445 = arith.constant 7680 : i32
    %dma_start3A_446 = tpu.memref_slice %arg11[%dma_start3A_445] : memref<8192xi32, #tpu.memory_space<vmem>> -> memref<128xi32, #tpu.memory_space<vmem>>
    %dma_start3A_447 = arith.constant 0 : i32
    %dma_start3A_448 = tpu.memref_slice %arg2[%dma_start3A_447] : memref<8388608xf32, #tpu.memory_space<hbm>> -> memref<8388608xf32, #tpu.memory_space<hbm>>
    tpu.enqueue_indirect_dma source(%dma_start3A_448 : memref<8388608xf32, #tpu.memory_space<hbm>>) target(%dma_start3A_444 : memref<128xf32, #tpu.memory_space<vmem>>) offsets(%dma_start3A_446 : memref<128xi32, #tpu.memory_space<vmem>>) semaphore(%arg22 : memref<!tpu.dma_semaphore, #tpu.memory_space<semaphore_mem>>)
    %dma_start3A_449 = arith.constant 7808 : i32
    %dma_start3A_450 = tpu.memref_slice %arg12[%dma_start3A_449] : memref<8192xf32, #tpu.memory_space<vmem>> -> memref<128xf32, #tpu.memory_space<vmem>>
    %dma_start3A_451 = arith.constant 7808 : i32
    %dma_start3A_452 = tpu.memref_slice %arg11[%dma_start3A_451] : memref<8192xi32, #tpu.memory_space<vmem>> -> memref<128xi32, #tpu.memory_space<vmem>>
    %dma_start3A_453 = arith.constant 0 : i32
    %dma_start3A_454 = tpu.memref_slice %arg2[%dma_start3A_453] : memref<8388608xf32, #tpu.memory_space<hbm>> -> memref<8388608xf32, #tpu.memory_space<hbm>>
    tpu.enqueue_indirect_dma source(%dma_start3A_454 : memref<8388608xf32, #tpu.memory_space<hbm>>) target(%dma_start3A_450 : memref<128xf32, #tpu.memory_space<vmem>>) offsets(%dma_start3A_452 : memref<128xi32, #tpu.memory_space<vmem>>) semaphore(%arg22 : memref<!tpu.dma_semaphore, #tpu.memory_space<semaphore_mem>>)
    %dma_start3A_455 = arith.constant 7936 : i32
    %dma_start3A_456 = tpu.memref_slice %arg12[%dma_start3A_455] : memref<8192xf32, #tpu.memory_space<vmem>> -> memref<128xf32, #tpu.memory_space<vmem>>
    %dma_start3A_457 = arith.constant 7936 : i32
    %dma_start3A_458 = tpu.memref_slice %arg11[%dma_start3A_457] : memref<8192xi32, #tpu.memory_space<vmem>> -> memref<128xi32, #tpu.memory_space<vmem>>
    %dma_start3A_459 = arith.constant 0 : i32
    %dma_start3A_460 = tpu.memref_slice %arg2[%dma_start3A_459] : memref<8388608xf32, #tpu.memory_space<hbm>> -> memref<8388608xf32, #tpu.memory_space<hbm>>
    tpu.enqueue_indirect_dma source(%dma_start3A_460 : memref<8388608xf32, #tpu.memory_space<hbm>>) target(%dma_start3A_456 : memref<128xf32, #tpu.memory_space<vmem>>) offsets(%dma_start3A_458 : memref<128xi32, #tpu.memory_space<vmem>>) semaphore(%arg22 : memref<!tpu.dma_semaphore, #tpu.memory_space<semaphore_mem>>)
    %dma_start3A_461 = arith.constant 8064 : i32
    %dma_start3A_462 = tpu.memref_slice %arg12[%dma_start3A_461] : memref<8192xf32, #tpu.memory_space<vmem>> -> memref<128xf32, #tpu.memory_space<vmem>>
    %dma_start3A_463 = arith.constant 8064 : i32
    %dma_start3A_464 = tpu.memref_slice %arg11[%dma_start3A_463] : memref<8192xi32, #tpu.memory_space<vmem>> -> memref<128xi32, #tpu.memory_space<vmem>>
    %dma_start3A_465 = arith.constant 0 : i32
    %dma_start3A_466 = tpu.memref_slice %arg2[%dma_start3A_465] : memref<8388608xf32, #tpu.memory_space<hbm>> -> memref<8388608xf32, #tpu.memory_space<hbm>>
    tpu.enqueue_indirect_dma source(%dma_start3A_466 : memref<8388608xf32, #tpu.memory_space<hbm>>) target(%dma_start3A_462 : memref<128xf32, #tpu.memory_space<vmem>>) offsets(%dma_start3A_464 : memref<128xi32, #tpu.memory_space<vmem>>) semaphore(%arg22 : memref<!tpu.dma_semaphore, #tpu.memory_space<semaphore_mem>>)
    %dma_wait3A = arith.constant 0 : i32
    %dma_wait3A_467 = tpu.memref_slice %arg5[%add3A, %dma_wait3A] : memref<32x500xf32, #tpu.memory_space<hbm>> -> memref<1x500xf32, #tpu.memory_space<hbm>>
    %dma_wait3A_468 = tpu.memref_squeeze %dma_wait3A_467 : memref<1x500xf32, #tpu.memory_space<hbm>> -> memref<500xf32, #tpu.memory_space<hbm>>
    %dma_wait3A_469 = arith.constant 0 : i32
    %dma_wait3A_470 = tpu.memref_slice %arg5[%add3A, %dma_wait3A_469] : memref<32x500xf32, #tpu.memory_space<hbm>> -> memref<1x500xf32, #tpu.memory_space<hbm>>
    %dma_wait3A_471 = tpu.memref_squeeze %dma_wait3A_470 : memref<1x500xf32, #tpu.memory_space<hbm>> -> memref<500xf32, #tpu.memory_space<hbm>>
    tpu.wait_dma2 semaphore(%arg24 : memref<!tpu.dma_semaphore, #tpu.memory_space<semaphore_mem>>) src(%dma_wait3A_471 : memref<500xf32, #tpu.memory_space<hbm>>) dst(%arg10 : memref<500xf32, #tpu.memory_space<vmem>>)
    %broadcast_in_dim3A = arith.constant 0.000000e+00 : f32
    %broadcast_in_dim3A_472 = vector.broadcast %broadcast_in_dim3A : f32 to vector<16xf32>
    %scan3A_473 = arith.constant 0 : i32
    %scan3A_474 = arith.constant 31 : i32
    %scan3A_475 = arith.addi %scan3A_473, %scan3A_474 : i32
    %scan3A_476 = arith.constant 1 : i32
    %scan3A_477 = scf.for %scan3A_927 = %scan3A_473 to %scan3A_475 step %scan3A_476 iter_args(%scan3A_928 = %broadcast_in_dim3A_472) -> (vector<16xf32>)  : i32 {
      %mul3A_929 = arith.constant 16 : i32
      %mul3A_930 = arith.muli %scan3A_927, %mul3A_929 : i32
      %get3A = arith.index_cast %mul3A_930 : i32 to index
      %get3A_931 = tpu.vector_load %arg10[%get3A] {strides = array<i32>} : memref<500xf32, #tpu.memory_space<vmem>>, vector<16xf32>,
      %add3A_932 = arith.addf %scan3A_928, %get3A_931 : vector<16xf32>
      scf.yield %add3A_932 : vector<16xf32>
    }
    %scan3A_478 = arith.constant 31 : i32
    %add3A_479 = arith.constant 496 : i32
    %add3A_480 = vector.broadcast %add3A_479 : i32 to vector<16xi32>
    %add3A_481 = arith.addi %add3A_480, %iota3A : vector<16xi32>
    %gather3A = tpu.vector_load_idx %arg10[%add3A_481] masked %lt3A_2 : memref<500xf32, #tpu.memory_space<vmem>>[vector<16xi32>], vector<16xf32>, vector<16xi1>
    %jit3A = arith.constant 0.000000e+00 : f32
    %broadcast_in_dim3A_482 = vector.broadcast %jit3A : f32 to vector<16xf32>
    %select_n3A = arith.select %lt3A_2, %gather3A, %broadcast_in_dim3A_482 : vector<16xi1>, vector<16xf32>
    %add3A_483 = arith.addf %scan3A_477, %select_n3A : vector<16xf32>
    %swap3A = arith.constant 0 : index
    %swap3A_484 = tpu.vector_load %arg14[%swap3A] {strides = array<i32>} : memref<16xf32, #tpu.memory_space<vmem>>, vector<16xf32>,
    tpu.vector_store %arg14[%swap3A], %add3A_483 {strides = array<i32>} : memref<16xf32, #tpu.memory_space<vmem>>, vector<16xf32>,
    "tpu.region"() ({
      %run_scoped3A = tpu.sem_alloc : memref<!tpu.dma_semaphore, #tpu.memory_space<semaphore_mem>>
      %dma_start3A_927 = arith.constant 0 : i32
      %dma_start3A_928 = tpu.memref_slice %arg7[%add3A, %dma_start3A_927] : memref<32x16xf32, #tpu.memory_space<hbm>> -> memref<1x16xf32, #tpu.memory_space<hbm>>
      %dma_start3A_929 = tpu.memref_squeeze %dma_start3A_928 : memref<1x16xf32, #tpu.memory_space<hbm>> -> memref<16xf32, #tpu.memory_space<hbm>>
      %dma_start3A_930 = arith.constant 0 : i32
      %dma_start3A_931 = tpu.memref_slice %arg7[%add3A, %dma_start3A_930] : memref<32x16xf32, #tpu.memory_space<hbm>> -> memref<1x16xf32, #tpu.memory_space<hbm>>
      %dma_start3A_932 = tpu.memref_squeeze %dma_start3A_931 : memref<1x16xf32, #tpu.memory_space<hbm>> -> memref<16xf32, #tpu.memory_space<hbm>>
      tpu.enqueue_dma source(%arg14 : memref<16xf32, #tpu.memory_space<vmem>>) target(%dma_start3A_932 : memref<16xf32, #tpu.memory_space<hbm>>) target_semaphore(%run_scoped3A : memref<!tpu.dma_semaphore, #tpu.memory_space<semaphore_mem>>)
      %dma_wait3A_933 = arith.constant 0 : i32
      %dma_wait3A_934 = tpu.memref_slice %arg7[%add3A, %dma_wait3A_933] : memref<32x16xf32, #tpu.memory_space<hbm>> -> memref<1x16xf32, #tpu.memory_space<hbm>>
      %dma_wait3A_935 = tpu.memref_squeeze %dma_wait3A_934 : memref<1x16xf32, #tpu.memory_space<hbm>> -> memref<16xf32, #tpu.memory_space<hbm>>
      %dma_wait3A_936 = arith.constant 0 : i32
      %dma_wait3A_937 = tpu.memref_slice %arg7[%add3A, %dma_wait3A_936] : memref<32x16xf32, #tpu.memory_space<hbm>> -> memref<1x16xf32, #tpu.memory_space<hbm>>
      %dma_wait3A_938 = tpu.memref_squeeze %dma_wait3A_937 : memref<1x16xf32, #tpu.memory_space<hbm>> -> memref<16xf32, #tpu.memory_space<hbm>>
      tpu.wait_dma2 semaphore(%run_scoped3A : memref<!tpu.dma_semaphore, #tpu.memory_space<semaphore_mem>>) src(%arg14 : memref<16xf32, #tpu.memory_space<vmem>>) dst(%dma_wait3A_938 : memref<16xf32, #tpu.memory_space<hbm>>)
      tpu.yield
    }) : () -> ()
    %dma_wait3A_485 = arith.constant 0 : i32
    %dma_wait3A_486 = tpu.memref_slice %arg4[%add3A, %dma_wait3A_485] : memref<32x8000xf32, #tpu.memory_space<hbm>> -> memref<1x8000xf32, #tpu.memory_space<hbm>>
    %dma_wait3A_487 = tpu.memref_squeeze %dma_wait3A_486 : memref<1x8000xf32, #tpu.memory_space<hbm>> -> memref<8000xf32, #tpu.memory_space<hbm>>
    %dma_wait3A_488 = arith.constant 0 : i32
    %dma_wait3A_489 = tpu.memref_slice %arg4[%add3A, %dma_wait3A_488] : memref<32x8000xf32, #tpu.memory_space<hbm>> -> memref<1x8000xf32, #tpu.memory_space<hbm>>
    %dma_wait3A_490 = tpu.memref_squeeze %dma_wait3A_489 : memref<1x8000xf32, #tpu.memory_space<hbm>> -> memref<8000xf32, #tpu.memory_space<hbm>>
    tpu.wait_dma2 semaphore(%arg23 : memref<!tpu.dma_semaphore, #tpu.memory_space<semaphore_mem>>) src(%dma_wait3A_490 : memref<8000xf32, #tpu.memory_space<hbm>>) dst(%arg9 : memref<8000xf32, #tpu.memory_space<vmem>>)
    %broadcast_in_dim3A_491 = arith.constant 0.000000e+00 : f32
    %broadcast_in_dim3A_492 = vector.broadcast %broadcast_in_dim3A_491 : f32 to vector<16xf32>
    %dma_wait3A_493 = arith.constant 0 : i32
    %dma_wait3A_494 = tpu.memref_slice %arg12[%dma_wait3A_493] : memref<8192xf32, #tpu.memory_space<vmem>> -> memref<128xf32, #tpu.memory_space<vmem>>
    %dma_wait3A_495 = arith.constant 0 : i32
    %dma_wait3A_496 = tpu.memref_slice %arg11[%dma_wait3A_495] : memref<8192xi32, #tpu.memory_space<vmem>> -> memref<128xi32, #tpu.memory_space<vmem>>
    %dma_wait3A_497 = arith.constant 0 : i32
    %dma_wait3A_498 = tpu.memref_slice %arg2[%dma_wait3A_497] : memref<8388608xf32, #tpu.memory_space<hbm>> -> memref<8388608xf32, #tpu.memory_space<hbm>>
    tpu.wait_indirect_dma semaphore(%arg15 : memref<!tpu.dma_semaphore, #tpu.memory_space<semaphore_mem>>) src(%dma_wait3A_498 : memref<8388608xf32, #tpu.memory_space<hbm>>) dst(%dma_wait3A_494 : memref<128xf32, #tpu.memory_space<vmem>>)
    %dma_wait3A_499 = arith.constant 128 : i32
    %dma_wait3A_500 = tpu.memref_slice %arg12[%dma_wait3A_499] : memref<8192xf32, #tpu.memory_space<vmem>> -> memref<128xf32, #tpu.memory_space<vmem>>
    %dma_wait3A_501 = arith.constant 128 : i32
    %dma_wait3A_502 = tpu.memref_slice %arg11[%dma_wait3A_501] : memref<8192xi32, #tpu.memory_space<vmem>> -> memref<128xi32, #tpu.memory_space<vmem>>
    %dma_wait3A_503 = arith.constant 0 : i32
    %dma_wait3A_504 = tpu.memref_slice %arg2[%dma_wait3A_503] : memref<8388608xf32, #tpu.memory_space<hbm>> -> memref<8388608xf32, #tpu.memory_space<hbm>>
    tpu.wait_indirect_dma semaphore(%arg15 : memref<!tpu.dma_semaphore, #tpu.memory_space<semaphore_mem>>) src(%dma_wait3A_504 : memref<8388608xf32, #tpu.memory_space<hbm>>) dst(%dma_wait3A_500 : memref<128xf32, #tpu.memory_space<vmem>>)
    %dma_wait3A_505 = arith.constant 256 : i32
    %dma_wait3A_506 = tpu.memref_slice %arg12[%dma_wait3A_505] : memref<8192xf32, #tpu.memory_space<vmem>> -> memref<128xf32, #tpu.memory_space<vmem>>
    %dma_wait3A_507 = arith.constant 256 : i32
    %dma_wait3A_508 = tpu.memref_slice %arg11[%dma_wait3A_507] : memref<8192xi32, #tpu.memory_space<vmem>> -> memref<128xi32, #tpu.memory_space<vmem>>
    %dma_wait3A_509 = arith.constant 0 : i32
    %dma_wait3A_510 = tpu.memref_slice %arg2[%dma_wait3A_509] : memref<8388608xf32, #tpu.memory_space<hbm>> -> memref<8388608xf32, #tpu.memory_space<hbm>>
    tpu.wait_indirect_dma semaphore(%arg15 : memref<!tpu.dma_semaphore, #tpu.memory_space<semaphore_mem>>) src(%dma_wait3A_510 : memref<8388608xf32, #tpu.memory_space<hbm>>) dst(%dma_wait3A_506 : memref<128xf32, #tpu.memory_space<vmem>>)
    %dma_wait3A_511 = arith.constant 384 : i32
    %dma_wait3A_512 = tpu.memref_slice %arg12[%dma_wait3A_511] : memref<8192xf32, #tpu.memory_space<vmem>> -> memref<128xf32, #tpu.memory_space<vmem>>
    %dma_wait3A_513 = arith.constant 384 : i32
    %dma_wait3A_514 = tpu.memref_slice %arg11[%dma_wait3A_513] : memref<8192xi32, #tpu.memory_space<vmem>> -> memref<128xi32, #tpu.memory_space<vmem>>
    %dma_wait3A_515 = arith.constant 0 : i32
    %dma_wait3A_516 = tpu.memref_slice %arg2[%dma_wait3A_515] : memref<8388608xf32, #tpu.memory_space<hbm>> -> memref<8388608xf32, #tpu.memory_space<hbm>>
    tpu.wait_indirect_dma semaphore(%arg15 : memref<!tpu.dma_semaphore, #tpu.memory_space<semaphore_mem>>) src(%dma_wait3A_516 : memref<8388608xf32, #tpu.memory_space<hbm>>) dst(%dma_wait3A_512 : memref<128xf32, #tpu.memory_space<vmem>>)
    %dma_wait3A_517 = arith.constant 512 : i32
    %dma_wait3A_518 = tpu.memref_slice %arg12[%dma_wait3A_517] : memref<8192xf32, #tpu.memory_space<vmem>> -> memref<128xf32, #tpu.memory_space<vmem>>
    %dma_wait3A_519 = arith.constant 512 : i32
    %dma_wait3A_520 = tpu.memref_slice %arg11[%dma_wait3A_519] : memref<8192xi32, #tpu.memory_space<vmem>> -> memref<128xi32, #tpu.memory_space<vmem>>
    %dma_wait3A_521 = arith.constant 0 : i32
    %dma_wait3A_522 = tpu.memref_slice %arg2[%dma_wait3A_521] : memref<8388608xf32, #tpu.memory_space<hbm>> -> memref<8388608xf32, #tpu.memory_space<hbm>>
    tpu.wait_indirect_dma semaphore(%arg15 : memref<!tpu.dma_semaphore, #tpu.memory_space<semaphore_mem>>) src(%dma_wait3A_522 : memref<8388608xf32, #tpu.memory_space<hbm>>) dst(%dma_wait3A_518 : memref<128xf32, #tpu.memory_space<vmem>>)
    %dma_wait3A_523 = arith.constant 640 : i32
    %dma_wait3A_524 = tpu.memref_slice %arg12[%dma_wait3A_523] : memref<8192xf32, #tpu.memory_space<vmem>> -> memref<128xf32, #tpu.memory_space<vmem>>
    %dma_wait3A_525 = arith.constant 640 : i32
    %dma_wait3A_526 = tpu.memref_slice %arg11[%dma_wait3A_525] : memref<8192xi32, #tpu.memory_space<vmem>> -> memref<128xi32, #tpu.memory_space<vmem>>
    %dma_wait3A_527 = arith.constant 0 : i32
    %dma_wait3A_528 = tpu.memref_slice %arg2[%dma_wait3A_527] : memref<8388608xf32, #tpu.memory_space<hbm>> -> memref<8388608xf32, #tpu.memory_space<hbm>>
    tpu.wait_indirect_dma semaphore(%arg15 : memref<!tpu.dma_semaphore, #tpu.memory_space<semaphore_mem>>) src(%dma_wait3A_528 : memref<8388608xf32, #tpu.memory_space<hbm>>) dst(%dma_wait3A_524 : memref<128xf32, #tpu.memory_space<vmem>>)
    %dma_wait3A_529 = arith.constant 768 : i32
    %dma_wait3A_530 = tpu.memref_slice %arg12[%dma_wait3A_529] : memref<8192xf32, #tpu.memory_space<vmem>> -> memref<128xf32, #tpu.memory_space<vmem>>
    %dma_wait3A_531 = arith.constant 768 : i32
    %dma_wait3A_532 = tpu.memref_slice %arg11[%dma_wait3A_531] : memref<8192xi32, #tpu.memory_space<vmem>> -> memref<128xi32, #tpu.memory_space<vmem>>
    %dma_wait3A_533 = arith.constant 0 : i32
    %dma_wait3A_534 = tpu.memref_slice %arg2[%dma_wait3A_533] : memref<8388608xf32, #tpu.memory_space<hbm>> -> memref<8388608xf32, #tpu.memory_space<hbm>>
    tpu.wait_indirect_dma semaphore(%arg15 : memref<!tpu.dma_semaphore, #tpu.memory_space<semaphore_mem>>) src(%dma_wait3A_534 : memref<8388608xf32, #tpu.memory_space<hbm>>) dst(%dma_wait3A_530 : memref<128xf32, #tpu.memory_space<vmem>>)
    %dma_wait3A_535 = arith.constant 896 : i32
    %dma_wait3A_536 = tpu.memref_slice %arg12[%dma_wait3A_535] : memref<8192xf32, #tpu.memory_space<vmem>> -> memref<128xf32, #tpu.memory_space<vmem>>
    %dma_wait3A_537 = arith.constant 896 : i32
    %dma_wait3A_538 = tpu.memref_slice %arg11[%dma_wait3A_537] : memref<8192xi32, #tpu.memory_space<vmem>> -> memref<128xi32, #tpu.memory_space<vmem>>
    %dma_wait3A_539 = arith.constant 0 : i32
    %dma_wait3A_540 = tpu.memref_slice %arg2[%dma_wait3A_539] : memref<8388608xf32, #tpu.memory_space<hbm>> -> memref<8388608xf32, #tpu.memory_space<hbm>>
    tpu.wait_indirect_dma semaphore(%arg15 : memref<!tpu.dma_semaphore, #tpu.memory_space<semaphore_mem>>) src(%dma_wait3A_540 : memref<8388608xf32, #tpu.memory_space<hbm>>) dst(%dma_wait3A_536 : memref<128xf32, #tpu.memory_space<vmem>>)
    %scan3A_541 = arith.constant 0 : i32
    %scan3A_542 = arith.constant 64 : i32
    %scan3A_543 = arith.addi %scan3A_541, %scan3A_542 : i32
    %scan3A_544 = arith.constant 1 : i32
    %scan3A_545 = scf.for %scan3A_927 = %scan3A_541 to %scan3A_543 step %scan3A_544 iter_args(%scan3A_928 = %broadcast_in_dim3A_492) -> (vector<16xf32>)  : i32 {
      %mul3A_929 = arith.constant 16 : i32
      %mul3A_930 = arith.muli %scan3A_927, %mul3A_929 : i32
      %get3A = arith.index_cast %mul3A_930 : i32 to index
      %get3A_931 = tpu.vector_load %arg12[%get3A] {strides = array<i32>} : memref<8192xf32, #tpu.memory_space<vmem>>, vector<16xf32>,
      %mul3A_932 = arith.constant 16 : i32
      %mul3A_933 = arith.muli %scan3A_927, %mul3A_932 : i32
      %get3A_934 = arith.index_cast %mul3A_933 : i32 to index
      %get3A_935 = tpu.vector_load %arg9[%get3A_934] {strides = array<i32>} : memref<8000xf32, #tpu.memory_space<vmem>>, vector<16xf32>,
      %sub3A = arith.subf %get3A_931, %get3A_935 : vector<16xf32>
      %abs3A = math.absf %sub3A : vector<16xf32>
      %add3A_936 = arith.addf %scan3A_928, %abs3A : vector<16xf32>
      scf.yield %add3A_936 : vector<16xf32>
    }
    %scan3A_546 = arith.constant 64 : i32
    %dma_wait3A_547 = arith.constant 1024 : i32
    %dma_wait3A_548 = tpu.memref_slice %arg12[%dma_wait3A_547] : memref<8192xf32, #tpu.memory_space<vmem>> -> memref<128xf32, #tpu.memory_space<vmem>>
    %dma_wait3A_549 = arith.constant 1024 : i32
    %dma_wait3A_550 = tpu.memref_slice %arg11[%dma_wait3A_549] : memref<8192xi32, #tpu.memory_space<vmem>> -> memref<128xi32, #tpu.memory_space<vmem>>
    %dma_wait3A_551 = arith.constant 0 : i32
    %dma_wait3A_552 = tpu.memref_slice %arg2[%dma_wait3A_551] : memref<8388608xf32, #tpu.memory_space<hbm>> -> memref<8388608xf32, #tpu.memory_space<hbm>>
    tpu.wait_indirect_dma semaphore(%arg16 : memref<!tpu.dma_semaphore, #tpu.memory_space<semaphore_mem>>) src(%dma_wait3A_552 : memref<8388608xf32, #tpu.memory_space<hbm>>) dst(%dma_wait3A_548 : memref<128xf32, #tpu.memory_space<vmem>>)
    %dma_wait3A_553 = arith.constant 1152 : i32
    %dma_wait3A_554 = tpu.memref_slice %arg12[%dma_wait3A_553] : memref<8192xf32, #tpu.memory_space<vmem>> -> memref<128xf32, #tpu.memory_space<vmem>>
    %dma_wait3A_555 = arith.constant 1152 : i32
    %dma_wait3A_556 = tpu.memref_slice %arg11[%dma_wait3A_555] : memref<8192xi32, #tpu.memory_space<vmem>> -> memref<128xi32, #tpu.memory_space<vmem>>
    %dma_wait3A_557 = arith.constant 0 : i32
    %dma_wait3A_558 = tpu.memref_slice %arg2[%dma_wait3A_557] : memref<8388608xf32, #tpu.memory_space<hbm>> -> memref<8388608xf32, #tpu.memory_space<hbm>>
    tpu.wait_indirect_dma semaphore(%arg16 : memref<!tpu.dma_semaphore, #tpu.memory_space<semaphore_mem>>) src(%dma_wait3A_558 : memref<8388608xf32, #tpu.memory_space<hbm>>) dst(%dma_wait3A_554 : memref<128xf32, #tpu.memory_space<vmem>>)
    %dma_wait3A_559 = arith.constant 1280 : i32
    %dma_wait3A_560 = tpu.memref_slice %arg12[%dma_wait3A_559] : memref<8192xf32, #tpu.memory_space<vmem>> -> memref<128xf32, #tpu.memory_space<vmem>>
    %dma_wait3A_561 = arith.constant 1280 : i32
    %dma_wait3A_562 = tpu.memref_slice %arg11[%dma_wait3A_561] : memref<8192xi32, #tpu.memory_space<vmem>> -> memref<128xi32, #tpu.memory_space<vmem>>
    %dma_wait3A_563 = arith.constant 0 : i32
    %dma_wait3A_564 = tpu.memref_slice %arg2[%dma_wait3A_563] : memref<8388608xf32, #tpu.memory_space<hbm>> -> memref<8388608xf32, #tpu.memory_space<hbm>>
    tpu.wait_indirect_dma semaphore(%arg16 : memref<!tpu.dma_semaphore, #tpu.memory_space<semaphore_mem>>) src(%dma_wait3A_564 : memref<8388608xf32, #tpu.memory_space<hbm>>) dst(%dma_wait3A_560 : memref<128xf32, #tpu.memory_space<vmem>>)
    %dma_wait3A_565 = arith.constant 1408 : i32
    %dma_wait3A_566 = tpu.memref_slice %arg12[%dma_wait3A_565] : memref<8192xf32, #tpu.memory_space<vmem>> -> memref<128xf32, #tpu.memory_space<vmem>>
    %dma_wait3A_567 = arith.constant 1408 : i32
    %dma_wait3A_568 = tpu.memref_slice %arg11[%dma_wait3A_567] : memref<8192xi32, #tpu.memory_space<vmem>> -> memref<128xi32, #tpu.memory_space<vmem>>
    %dma_wait3A_569 = arith.constant 0 : i32
    %dma_wait3A_570 = tpu.memref_slice %arg2[%dma_wait3A_569] : memref<8388608xf32, #tpu.memory_space<hbm>> -> memref<8388608xf32, #tpu.memory_space<hbm>>
    tpu.wait_indirect_dma semaphore(%arg16 : memref<!tpu.dma_semaphore, #tpu.memory_space<semaphore_mem>>) src(%dma_wait3A_570 : memref<8388608xf32, #tpu.memory_space<hbm>>) dst(%dma_wait3A_566 : memref<128xf32, #tpu.memory_space<vmem>>)
    %dma_wait3A_571 = arith.constant 1536 : i32
    %dma_wait3A_572 = tpu.memref_slice %arg12[%dma_wait3A_571] : memref<8192xf32, #tpu.memory_space<vmem>> -> memref<128xf32, #tpu.memory_space<vmem>>
    %dma_wait3A_573 = arith.constant 1536 : i32
    %dma_wait3A_574 = tpu.memref_slice %arg11[%dma_wait3A_573] : memref<8192xi32, #tpu.memory_space<vmem>> -> memref<128xi32, #tpu.memory_space<vmem>>
    %dma_wait3A_575 = arith.constant 0 : i32
    %dma_wait3A_576 = tpu.memref_slice %arg2[%dma_wait3A_575] : memref<8388608xf32, #tpu.memory_space<hbm>> -> memref<8388608xf32, #tpu.memory_space<hbm>>
    tpu.wait_indirect_dma semaphore(%arg16 : memref<!tpu.dma_semaphore, #tpu.memory_space<semaphore_mem>>) src(%dma_wait3A_576 : memref<8388608xf32, #tpu.memory_space<hbm>>) dst(%dma_wait3A_572 : memref<128xf32, #tpu.memory_space<vmem>>)
    %dma_wait3A_577 = arith.constant 1664 : i32
    %dma_wait3A_578 = tpu.memref_slice %arg12[%dma_wait3A_577] : memref<8192xf32, #tpu.memory_space<vmem>> -> memref<128xf32, #tpu.memory_space<vmem>>
    %dma_wait3A_579 = arith.constant 1664 : i32
    %dma_wait3A_580 = tpu.memref_slice %arg11[%dma_wait3A_579] : memref<8192xi32, #tpu.memory_space<vmem>> -> memref<128xi32, #tpu.memory_space<vmem>>
    %dma_wait3A_581 = arith.constant 0 : i32
    %dma_wait3A_582 = tpu.memref_slice %arg2[%dma_wait3A_581] : memref<8388608xf32, #tpu.memory_space<hbm>> -> memref<8388608xf32, #tpu.memory_space<hbm>>
    tpu.wait_indirect_dma semaphore(%arg16 : memref<!tpu.dma_semaphore, #tpu.memory_space<semaphore_mem>>) src(%dma_wait3A_582 : memref<8388608xf32, #tpu.memory_space<hbm>>) dst(%dma_wait3A_578 : memref<128xf32, #tpu.memory_space<vmem>>)
    %dma_wait3A_583 = arith.constant 1792 : i32
    %dma_wait3A_584 = tpu.memref_slice %arg12[%dma_wait3A_583] : memref<8192xf32, #tpu.memory_space<vmem>> -> memref<128xf32, #tpu.memory_space<vmem>>
    %dma_wait3A_585 = arith.constant 1792 : i32
    %dma_wait3A_586 = tpu.memref_slice %arg11[%dma_wait3A_585] : memref<8192xi32, #tpu.memory_space<vmem>> -> memref<128xi32, #tpu.memory_space<vmem>>
    %dma_wait3A_587 = arith.constant 0 : i32
    %dma_wait3A_588 = tpu.memref_slice %arg2[%dma_wait3A_587] : memref<8388608xf32, #tpu.memory_space<hbm>> -> memref<8388608xf32, #tpu.memory_space<hbm>>
    tpu.wait_indirect_dma semaphore(%arg16 : memref<!tpu.dma_semaphore, #tpu.memory_space<semaphore_mem>>) src(%dma_wait3A_588 : memref<8388608xf32, #tpu.memory_space<hbm>>) dst(%dma_wait3A_584 : memref<128xf32, #tpu.memory_space<vmem>>)
    %dma_wait3A_589 = arith.constant 1920 : i32
    %dma_wait3A_590 = tpu.memref_slice %arg12[%dma_wait3A_589] : memref<8192xf32, #tpu.memory_space<vmem>> -> memref<128xf32, #tpu.memory_space<vmem>>
    %dma_wait3A_591 = arith.constant 1920 : i32
    %dma_wait3A_592 = tpu.memref_slice %arg11[%dma_wait3A_591] : memref<8192xi32, #tpu.memory_space<vmem>> -> memref<128xi32, #tpu.memory_space<vmem>>
    %dma_wait3A_593 = arith.constant 0 : i32
    %dma_wait3A_594 = tpu.memref_slice %arg2[%dma_wait3A_593] : memref<8388608xf32, #tpu.memory_space<hbm>> -> memref<8388608xf32, #tpu.memory_space<hbm>>
    tpu.wait_indirect_dma semaphore(%arg16 : memref<!tpu.dma_semaphore, #tpu.memory_space<semaphore_mem>>) src(%dma_wait3A_594 : memref<8388608xf32, #tpu.memory_space<hbm>>) dst(%dma_wait3A_590 : memref<128xf32, #tpu.memory_space<vmem>>)
    %scan3A_595 = arith.constant 64 : i32
    %scan3A_596 = arith.constant 64 : i32
    %scan3A_597 = arith.addi %scan3A_595, %scan3A_596 : i32
    %scan3A_598 = arith.constant 1 : i32
    %scan3A_599 = scf.for %scan3A_927 = %scan3A_595 to %scan3A_597 step %scan3A_598 iter_args(%scan3A_928 = %scan3A_545) -> (vector<16xf32>)  : i32 {
      %mul3A_929 = arith.constant 16 : i32
      %mul3A_930 = arith.muli %scan3A_927, %mul3A_929 : i32
      %get3A = arith.index_cast %mul3A_930 : i32 to index
      %get3A_931 = tpu.vector_load %arg12[%get3A] {strides = array<i32>} : memref<8192xf32, #tpu.memory_space<vmem>>, vector<16xf32>,
      %mul3A_932 = arith.constant 16 : i32
      %mul3A_933 = arith.muli %scan3A_927, %mul3A_932 : i32
      %get3A_934 = arith.index_cast %mul3A_933 : i32 to index
      %get3A_935 = tpu.vector_load %arg9[%get3A_934] {strides = array<i32>} : memref<8000xf32, #tpu.memory_space<vmem>>, vector<16xf32>,
      %sub3A = arith.subf %get3A_931, %get3A_935 : vector<16xf32>
      %abs3A = math.absf %sub3A : vector<16xf32>
      %add3A_936 = arith.addf %scan3A_928, %abs3A : vector<16xf32>
      scf.yield %add3A_936 : vector<16xf32>
    }
    %scan3A_600 = arith.constant 64 : i32
    %dma_wait3A_601 = arith.constant 2048 : i32
    %dma_wait3A_602 = tpu.memref_slice %arg12[%dma_wait3A_601] : memref<8192xf32, #tpu.memory_space<vmem>> -> memref<128xf32, #tpu.memory_space<vmem>>
    %dma_wait3A_603 = arith.constant 2048 : i32
    %dma_wait3A_604 = tpu.memref_slice %arg11[%dma_wait3A_603] : memref<8192xi32, #tpu.memory_space<vmem>> -> memref<128xi32, #tpu.memory_space<vmem>>
    %dma_wait3A_605 = arith.constant 0 : i32
    %dma_wait3A_606 = tpu.memref_slice %arg2[%dma_wait3A_605] : memref<8388608xf32, #tpu.memory_space<hbm>> -> memref<8388608xf32, #tpu.memory_space<hbm>>
    tpu.wait_indirect_dma semaphore(%arg17 : memref<!tpu.dma_semaphore, #tpu.memory_space<semaphore_mem>>) src(%dma_wait3A_606 : memref<8388608xf32, #tpu.memory_space<hbm>>) dst(%dma_wait3A_602 : memref<128xf32, #tpu.memory_space<vmem>>)
    %dma_wait3A_607 = arith.constant 2176 : i32
    %dma_wait3A_608 = tpu.memref_slice %arg12[%dma_wait3A_607] : memref<8192xf32, #tpu.memory_space<vmem>> -> memref<128xf32, #tpu.memory_space<vmem>>
    %dma_wait3A_609 = arith.constant 2176 : i32
    %dma_wait3A_610 = tpu.memref_slice %arg11[%dma_wait3A_609] : memref<8192xi32, #tpu.memory_space<vmem>> -> memref<128xi32, #tpu.memory_space<vmem>>
    %dma_wait3A_611 = arith.constant 0 : i32
    %dma_wait3A_612 = tpu.memref_slice %arg2[%dma_wait3A_611] : memref<8388608xf32, #tpu.memory_space<hbm>> -> memref<8388608xf32, #tpu.memory_space<hbm>>
    tpu.wait_indirect_dma semaphore(%arg17 : memref<!tpu.dma_semaphore, #tpu.memory_space<semaphore_mem>>) src(%dma_wait3A_612 : memref<8388608xf32, #tpu.memory_space<hbm>>) dst(%dma_wait3A_608 : memref<128xf32, #tpu.memory_space<vmem>>)
    %dma_wait3A_613 = arith.constant 2304 : i32
    %dma_wait3A_614 = tpu.memref_slice %arg12[%dma_wait3A_613] : memref<8192xf32, #tpu.memory_space<vmem>> -> memref<128xf32, #tpu.memory_space<vmem>>
    %dma_wait3A_615 = arith.constant 2304 : i32
    %dma_wait3A_616 = tpu.memref_slice %arg11[%dma_wait3A_615] : memref<8192xi32, #tpu.memory_space<vmem>> -> memref<128xi32, #tpu.memory_space<vmem>>
    %dma_wait3A_617 = arith.constant 0 : i32
    %dma_wait3A_618 = tpu.memref_slice %arg2[%dma_wait3A_617] : memref<8388608xf32, #tpu.memory_space<hbm>> -> memref<8388608xf32, #tpu.memory_space<hbm>>
    tpu.wait_indirect_dma semaphore(%arg17 : memref<!tpu.dma_semaphore, #tpu.memory_space<semaphore_mem>>) src(%dma_wait3A_618 : memref<8388608xf32, #tpu.memory_space<hbm>>) dst(%dma_wait3A_614 : memref<128xf32, #tpu.memory_space<vmem>>)
    %dma_wait3A_619 = arith.constant 2432 : i32
    %dma_wait3A_620 = tpu.memref_slice %arg12[%dma_wait3A_619] : memref<8192xf32, #tpu.memory_space<vmem>> -> memref<128xf32, #tpu.memory_space<vmem>>
    %dma_wait3A_621 = arith.constant 2432 : i32
    %dma_wait3A_622 = tpu.memref_slice %arg11[%dma_wait3A_621] : memref<8192xi32, #tpu.memory_space<vmem>> -> memref<128xi32, #tpu.memory_space<vmem>>
    %dma_wait3A_623 = arith.constant 0 : i32
    %dma_wait3A_624 = tpu.memref_slice %arg2[%dma_wait3A_623] : memref<8388608xf32, #tpu.memory_space<hbm>> -> memref<8388608xf32, #tpu.memory_space<hbm>>
    tpu.wait_indirect_dma semaphore(%arg17 : memref<!tpu.dma_semaphore, #tpu.memory_space<semaphore_mem>>) src(%dma_wait3A_624 : memref<8388608xf32, #tpu.memory_space<hbm>>) dst(%dma_wait3A_620 : memref<128xf32, #tpu.memory_space<vmem>>)
    %dma_wait3A_625 = arith.constant 2560 : i32
    %dma_wait3A_626 = tpu.memref_slice %arg12[%dma_wait3A_625] : memref<8192xf32, #tpu.memory_space<vmem>> -> memref<128xf32, #tpu.memory_space<vmem>>
    %dma_wait3A_627 = arith.constant 2560 : i32
    %dma_wait3A_628 = tpu.memref_slice %arg11[%dma_wait3A_627] : memref<8192xi32, #tpu.memory_space<vmem>> -> memref<128xi32, #tpu.memory_space<vmem>>
    %dma_wait3A_629 = arith.constant 0 : i32
    %dma_wait3A_630 = tpu.memref_slice %arg2[%dma_wait3A_629] : memref<8388608xf32, #tpu.memory_space<hbm>> -> memref<8388608xf32, #tpu.memory_space<hbm>>
    tpu.wait_indirect_dma semaphore(%arg17 : memref<!tpu.dma_semaphore, #tpu.memory_space<semaphore_mem>>) src(%dma_wait3A_630 : memref<8388608xf32, #tpu.memory_space<hbm>>) dst(%dma_wait3A_626 : memref<128xf32, #tpu.memory_space<vmem>>)
    %dma_wait3A_631 = arith.constant 2688 : i32
    %dma_wait3A_632 = tpu.memref_slice %arg12[%dma_wait3A_631] : memref<8192xf32, #tpu.memory_space<vmem>> -> memref<128xf32, #tpu.memory_space<vmem>>
    %dma_wait3A_633 = arith.constant 2688 : i32
    %dma_wait3A_634 = tpu.memref_slice %arg11[%dma_wait3A_633] : memref<8192xi32, #tpu.memory_space<vmem>> -> memref<128xi32, #tpu.memory_space<vmem>>
    %dma_wait3A_635 = arith.constant 0 : i32
    %dma_wait3A_636 = tpu.memref_slice %arg2[%dma_wait3A_635] : memref<8388608xf32, #tpu.memory_space<hbm>> -> memref<8388608xf32, #tpu.memory_space<hbm>>
    tpu.wait_indirect_dma semaphore(%arg17 : memref<!tpu.dma_semaphore, #tpu.memory_space<semaphore_mem>>) src(%dma_wait3A_636 : memref<8388608xf32, #tpu.memory_space<hbm>>) dst(%dma_wait3A_632 : memref<128xf32, #tpu.memory_space<vmem>>)
    %dma_wait3A_637 = arith.constant 2816 : i32
    %dma_wait3A_638 = tpu.memref_slice %arg12[%dma_wait3A_637] : memref<8192xf32, #tpu.memory_space<vmem>> -> memref<128xf32, #tpu.memory_space<vmem>>
    %dma_wait3A_639 = arith.constant 2816 : i32
    %dma_wait3A_640 = tpu.memref_slice %arg11[%dma_wait3A_639] : memref<8192xi32, #tpu.memory_space<vmem>> -> memref<128xi32, #tpu.memory_space<vmem>>
    %dma_wait3A_641 = arith.constant 0 : i32
    %dma_wait3A_642 = tpu.memref_slice %arg2[%dma_wait3A_641] : memref<8388608xf32, #tpu.memory_space<hbm>> -> memref<8388608xf32, #tpu.memory_space<hbm>>
    tpu.wait_indirect_dma semaphore(%arg17 : memref<!tpu.dma_semaphore, #tpu.memory_space<semaphore_mem>>) src(%dma_wait3A_642 : memref<8388608xf32, #tpu.memory_space<hbm>>) dst(%dma_wait3A_638 : memref<128xf32, #tpu.memory_space<vmem>>)
    %dma_wait3A_643 = arith.constant 2944 : i32
    %dma_wait3A_644 = tpu.memref_slice %arg12[%dma_wait3A_643] : memref<8192xf32, #tpu.memory_space<vmem>> -> memref<128xf32, #tpu.memory_space<vmem>>
    %dma_wait3A_645 = arith.constant 2944 : i32
    %dma_wait3A_646 = tpu.memref_slice %arg11[%dma_wait3A_645] : memref<8192xi32, #tpu.memory_space<vmem>> -> memref<128xi32, #tpu.memory_space<vmem>>
    %dma_wait3A_647 = arith.constant 0 : i32
    %dma_wait3A_648 = tpu.memref_slice %arg2[%dma_wait3A_647] : memref<8388608xf32, #tpu.memory_space<hbm>> -> memref<8388608xf32, #tpu.memory_space<hbm>>
    tpu.wait_indirect_dma semaphore(%arg17 : memref<!tpu.dma_semaphore, #tpu.memory_space<semaphore_mem>>) src(%dma_wait3A_648 : memref<8388608xf32, #tpu.memory_space<hbm>>) dst(%dma_wait3A_644 : memref<128xf32, #tpu.memory_space<vmem>>)
    %scan3A_649 = arith.constant 128 : i32
    %scan3A_650 = arith.constant 64 : i32
    %scan3A_651 = arith.addi %scan3A_649, %scan3A_650 : i32
    %scan3A_652 = arith.constant 1 : i32
    %scan3A_653 = scf.for %scan3A_927 = %scan3A_649 to %scan3A_651 step %scan3A_652 iter_args(%scan3A_928 = %scan3A_599) -> (vector<16xf32>)  : i32 {
      %mul3A_929 = arith.constant 16 : i32
      %mul3A_930 = arith.muli %scan3A_927, %mul3A_929 : i32
      %get3A = arith.index_cast %mul3A_930 : i32 to index
      %get3A_931 = tpu.vector_load %arg12[%get3A] {strides = array<i32>} : memref<8192xf32, #tpu.memory_space<vmem>>, vector<16xf32>,
      %mul3A_932 = arith.constant 16 : i32
      %mul3A_933 = arith.muli %scan3A_927, %mul3A_932 : i32
      %get3A_934 = arith.index_cast %mul3A_933 : i32 to index
      %get3A_935 = tpu.vector_load %arg9[%get3A_934] {strides = array<i32>} : memref<8000xf32, #tpu.memory_space<vmem>>, vector<16xf32>,
      %sub3A = arith.subf %get3A_931, %get3A_935 : vector<16xf32>
      %abs3A = math.absf %sub3A : vector<16xf32>
      %add3A_936 = arith.addf %scan3A_928, %abs3A : vector<16xf32>
      scf.yield %add3A_936 : vector<16xf32>
    }
    %scan3A_654 = arith.constant 64 : i32
    %dma_wait3A_655 = arith.constant 3072 : i32
    %dma_wait3A_656 = tpu.memref_slice %arg12[%dma_wait3A_655] : memref<8192xf32, #tpu.memory_space<vmem>> -> memref<128xf32, #tpu.memory_space<vmem>>
    %dma_wait3A_657 = arith.constant 3072 : i32
    %dma_wait3A_658 = tpu.memref_slice %arg11[%dma_wait3A_657] : memref<8192xi32, #tpu.memory_space<vmem>> -> memref<128xi32, #tpu.memory_space<vmem>>
    %dma_wait3A_659 = arith.constant 0 : i32
    %dma_wait3A_660 = tpu.memref_slice %arg2[%dma_wait3A_659] : memref<8388608xf32, #tpu.memory_space<hbm>> -> memref<8388608xf32, #tpu.memory_space<hbm>>
    tpu.wait_indirect_dma semaphore(%arg18 : memref<!tpu.dma_semaphore, #tpu.memory_space<semaphore_mem>>) src(%dma_wait3A_660 : memref<8388608xf32, #tpu.memory_space<hbm>>) dst(%dma_wait3A_656 : memref<128xf32, #tpu.memory_space<vmem>>)
    %dma_wait3A_661 = arith.constant 3200 : i32
    %dma_wait3A_662 = tpu.memref_slice %arg12[%dma_wait3A_661] : memref<8192xf32, #tpu.memory_space<vmem>> -> memref<128xf32, #tpu.memory_space<vmem>>
    %dma_wait3A_663 = arith.constant 3200 : i32
    %dma_wait3A_664 = tpu.memref_slice %arg11[%dma_wait3A_663] : memref<8192xi32, #tpu.memory_space<vmem>> -> memref<128xi32, #tpu.memory_space<vmem>>
    %dma_wait3A_665 = arith.constant 0 : i32
    %dma_wait3A_666 = tpu.memref_slice %arg2[%dma_wait3A_665] : memref<8388608xf32, #tpu.memory_space<hbm>> -> memref<8388608xf32, #tpu.memory_space<hbm>>
    tpu.wait_indirect_dma semaphore(%arg18 : memref<!tpu.dma_semaphore, #tpu.memory_space<semaphore_mem>>) src(%dma_wait3A_666 : memref<8388608xf32, #tpu.memory_space<hbm>>) dst(%dma_wait3A_662 : memref<128xf32, #tpu.memory_space<vmem>>)
    %dma_wait3A_667 = arith.constant 3328 : i32
    %dma_wait3A_668 = tpu.memref_slice %arg12[%dma_wait3A_667] : memref<8192xf32, #tpu.memory_space<vmem>> -> memref<128xf32, #tpu.memory_space<vmem>>
    %dma_wait3A_669 = arith.constant 3328 : i32
    %dma_wait3A_670 = tpu.memref_slice %arg11[%dma_wait3A_669] : memref<8192xi32, #tpu.memory_space<vmem>> -> memref<128xi32, #tpu.memory_space<vmem>>
    %dma_wait3A_671 = arith.constant 0 : i32
    %dma_wait3A_672 = tpu.memref_slice %arg2[%dma_wait3A_671] : memref<8388608xf32, #tpu.memory_space<hbm>> -> memref<8388608xf32, #tpu.memory_space<hbm>>
    tpu.wait_indirect_dma semaphore(%arg18 : memref<!tpu.dma_semaphore, #tpu.memory_space<semaphore_mem>>) src(%dma_wait3A_672 : memref<8388608xf32, #tpu.memory_space<hbm>>) dst(%dma_wait3A_668 : memref<128xf32, #tpu.memory_space<vmem>>)
    %dma_wait3A_673 = arith.constant 3456 : i32
    %dma_wait3A_674 = tpu.memref_slice %arg12[%dma_wait3A_673] : memref<8192xf32, #tpu.memory_space<vmem>> -> memref<128xf32, #tpu.memory_space<vmem>>
    %dma_wait3A_675 = arith.constant 3456 : i32
    %dma_wait3A_676 = tpu.memref_slice %arg11[%dma_wait3A_675] : memref<8192xi32, #tpu.memory_space<vmem>> -> memref<128xi32, #tpu.memory_space<vmem>>
    %dma_wait3A_677 = arith.constant 0 : i32
    %dma_wait3A_678 = tpu.memref_slice %arg2[%dma_wait3A_677] : memref<8388608xf32, #tpu.memory_space<hbm>> -> memref<8388608xf32, #tpu.memory_space<hbm>>
    tpu.wait_indirect_dma semaphore(%arg18 : memref<!tpu.dma_semaphore, #tpu.memory_space<semaphore_mem>>) src(%dma_wait3A_678 : memref<8388608xf32, #tpu.memory_space<hbm>>) dst(%dma_wait3A_674 : memref<128xf32, #tpu.memory_space<vmem>>)
    %dma_wait3A_679 = arith.constant 3584 : i32
    %dma_wait3A_680 = tpu.memref_slice %arg12[%dma_wait3A_679] : memref<8192xf32, #tpu.memory_space<vmem>> -> memref<128xf32, #tpu.memory_space<vmem>>
    %dma_wait3A_681 = arith.constant 3584 : i32
    %dma_wait3A_682 = tpu.memref_slice %arg11[%dma_wait3A_681] : memref<8192xi32, #tpu.memory_space<vmem>> -> memref<128xi32, #tpu.memory_space<vmem>>
    %dma_wait3A_683 = arith.constant 0 : i32
    %dma_wait3A_684 = tpu.memref_slice %arg2[%dma_wait3A_683] : memref<8388608xf32, #tpu.memory_space<hbm>> -> memref<8388608xf32, #tpu.memory_space<hbm>>
    tpu.wait_indirect_dma semaphore(%arg18 : memref<!tpu.dma_semaphore, #tpu.memory_space<semaphore_mem>>) src(%dma_wait3A_684 : memref<8388608xf32, #tpu.memory_space<hbm>>) dst(%dma_wait3A_680 : memref<128xf32, #tpu.memory_space<vmem>>)
    %dma_wait3A_685 = arith.constant 3712 : i32
    %dma_wait3A_686 = tpu.memref_slice %arg12[%dma_wait3A_685] : memref<8192xf32, #tpu.memory_space<vmem>> -> memref<128xf32, #tpu.memory_space<vmem>>
    %dma_wait3A_687 = arith.constant 3712 : i32
    %dma_wait3A_688 = tpu.memref_slice %arg11[%dma_wait3A_687] : memref<8192xi32, #tpu.memory_space<vmem>> -> memref<128xi32, #tpu.memory_space<vmem>>
    %dma_wait3A_689 = arith.constant 0 : i32
    %dma_wait3A_690 = tpu.memref_slice %arg2[%dma_wait3A_689] : memref<8388608xf32, #tpu.memory_space<hbm>> -> memref<8388608xf32, #tpu.memory_space<hbm>>
    tpu.wait_indirect_dma semaphore(%arg18 : memref<!tpu.dma_semaphore, #tpu.memory_space<semaphore_mem>>) src(%dma_wait3A_690 : memref<8388608xf32, #tpu.memory_space<hbm>>) dst(%dma_wait3A_686 : memref<128xf32, #tpu.memory_space<vmem>>)
    %dma_wait3A_691 = arith.constant 3840 : i32
    %dma_wait3A_692 = tpu.memref_slice %arg12[%dma_wait3A_691] : memref<8192xf32, #tpu.memory_space<vmem>> -> memref<128xf32, #tpu.memory_space<vmem>>
    %dma_wait3A_693 = arith.constant 3840 : i32
    %dma_wait3A_694 = tpu.memref_slice %arg11[%dma_wait3A_693] : memref<8192xi32, #tpu.memory_space<vmem>> -> memref<128xi32, #tpu.memory_space<vmem>>
    %dma_wait3A_695 = arith.constant 0 : i32
    %dma_wait3A_696 = tpu.memref_slice %arg2[%dma_wait3A_695] : memref<8388608xf32, #tpu.memory_space<hbm>> -> memref<8388608xf32, #tpu.memory_space<hbm>>
    tpu.wait_indirect_dma semaphore(%arg18 : memref<!tpu.dma_semaphore, #tpu.memory_space<semaphore_mem>>) src(%dma_wait3A_696 : memref<8388608xf32, #tpu.memory_space<hbm>>) dst(%dma_wait3A_692 : memref<128xf32, #tpu.memory_space<vmem>>)
    %dma_wait3A_697 = arith.constant 3968 : i32
    %dma_wait3A_698 = tpu.memref_slice %arg12[%dma_wait3A_697] : memref<8192xf32, #tpu.memory_space<vmem>> -> memref<128xf32, #tpu.memory_space<vmem>>
    %dma_wait3A_699 = arith.constant 3968 : i32
    %dma_wait3A_700 = tpu.memref_slice %arg11[%dma_wait3A_699] : memref<8192xi32, #tpu.memory_space<vmem>> -> memref<128xi32, #tpu.memory_space<vmem>>
    %dma_wait3A_701 = arith.constant 0 : i32
    %dma_wait3A_702 = tpu.memref_slice %arg2[%dma_wait3A_701] : memref<8388608xf32, #tpu.memory_space<hbm>> -> memref<8388608xf32, #tpu.memory_space<hbm>>
    tpu.wait_indirect_dma semaphore(%arg18 : memref<!tpu.dma_semaphore, #tpu.memory_space<semaphore_mem>>) src(%dma_wait3A_702 : memref<8388608xf32, #tpu.memory_space<hbm>>) dst(%dma_wait3A_698 : memref<128xf32, #tpu.memory_space<vmem>>)
    %scan3A_703 = arith.constant 192 : i32
    %scan3A_704 = arith.constant 64 : i32
    %scan3A_705 = arith.addi %scan3A_703, %scan3A_704 : i32
    %scan3A_706 = arith.constant 1 : i32
    %scan3A_707 = scf.for %scan3A_927 = %scan3A_703 to %scan3A_705 step %scan3A_706 iter_args(%scan3A_928 = %scan3A_653) -> (vector<16xf32>)  : i32 {
      %mul3A_929 = arith.constant 16 : i32
      %mul3A_930 = arith.muli %scan3A_927, %mul3A_929 : i32
      %get3A = arith.index_cast %mul3A_930 : i32 to index
      %get3A_931 = tpu.vector_load %arg12[%get3A] {strides = array<i32>} : memref<8192xf32, #tpu.memory_space<vmem>>, vector<16xf32>,
      %mul3A_932 = arith.constant 16 : i32
      %mul3A_933 = arith.muli %scan3A_927, %mul3A_932 : i32
      %get3A_934 = arith.index_cast %mul3A_933 : i32 to index
      %get3A_935 = tpu.vector_load %arg9[%get3A_934] {strides = array<i32>} : memref<8000xf32, #tpu.memory_space<vmem>>, vector<16xf32>,
      %sub3A = arith.subf %get3A_931, %get3A_935 : vector<16xf32>
      %abs3A = math.absf %sub3A : vector<16xf32>
      %add3A_936 = arith.addf %scan3A_928, %abs3A : vector<16xf32>
      scf.yield %add3A_936 : vector<16xf32>
    }
    %scan3A_708 = arith.constant 64 : i32
    %dma_wait3A_709 = arith.constant 4096 : i32
    %dma_wait3A_710 = tpu.memref_slice %arg12[%dma_wait3A_709] : memref<8192xf32, #tpu.memory_space<vmem>> -> memref<128xf32, #tpu.memory_space<vmem>>
    %dma_wait3A_711 = arith.constant 4096 : i32
    %dma_wait3A_712 = tpu.memref_slice %arg11[%dma_wait3A_711] : memref<8192xi32, #tpu.memory_space<vmem>> -> memref<128xi32, #tpu.memory_space<vmem>>
    %dma_wait3A_713 = arith.constant 0 : i32
    %dma_wait3A_714 = tpu.memref_slice %arg2[%dma_wait3A_713] : memref<8388608xf32, #tpu.memory_space<hbm>> -> memref<8388608xf32, #tpu.memory_space<hbm>>
    tpu.wait_indirect_dma semaphore(%arg19 : memref<!tpu.dma_semaphore, #tpu.memory_space<semaphore_mem>>) src(%dma_wait3A_714 : memref<8388608xf32, #tpu.memory_space<hbm>>) dst(%dma_wait3A_710 : memref<128xf32, #tpu.memory_space<vmem>>)
    %dma_wait3A_715 = arith.constant 4224 : i32
    %dma_wait3A_716 = tpu.memref_slice %arg12[%dma_wait3A_715] : memref<8192xf32, #tpu.memory_space<vmem>> -> memref<128xf32, #tpu.memory_space<vmem>>
    %dma_wait3A_717 = arith.constant 4224 : i32
    %dma_wait3A_718 = tpu.memref_slice %arg11[%dma_wait3A_717] : memref<8192xi32, #tpu.memory_space<vmem>> -> memref<128xi32, #tpu.memory_space<vmem>>
    %dma_wait3A_719 = arith.constant 0 : i32
    %dma_wait3A_720 = tpu.memref_slice %arg2[%dma_wait3A_719] : memref<8388608xf32, #tpu.memory_space<hbm>> -> memref<8388608xf32, #tpu.memory_space<hbm>>
    tpu.wait_indirect_dma semaphore(%arg19 : memref<!tpu.dma_semaphore, #tpu.memory_space<semaphore_mem>>) src(%dma_wait3A_720 : memref<8388608xf32, #tpu.memory_space<hbm>>) dst(%dma_wait3A_716 : memref<128xf32, #tpu.memory_space<vmem>>)
    %dma_wait3A_721 = arith.constant 4352 : i32
    %dma_wait3A_722 = tpu.memref_slice %arg12[%dma_wait3A_721] : memref<8192xf32, #tpu.memory_space<vmem>> -> memref<128xf32, #tpu.memory_space<vmem>>
    %dma_wait3A_723 = arith.constant 4352 : i32
    %dma_wait3A_724 = tpu.memref_slice %arg11[%dma_wait3A_723] : memref<8192xi32, #tpu.memory_space<vmem>> -> memref<128xi32, #tpu.memory_space<vmem>>
    %dma_wait3A_725 = arith.constant 0 : i32
    %dma_wait3A_726 = tpu.memref_slice %arg2[%dma_wait3A_725] : memref<8388608xf32, #tpu.memory_space<hbm>> -> memref<8388608xf32, #tpu.memory_space<hbm>>
    tpu.wait_indirect_dma semaphore(%arg19 : memref<!tpu.dma_semaphore, #tpu.memory_space<semaphore_mem>>) src(%dma_wait3A_726 : memref<8388608xf32, #tpu.memory_space<hbm>>) dst(%dma_wait3A_722 : memref<128xf32, #tpu.memory_space<vmem>>)
    %dma_wait3A_727 = arith.constant 4480 : i32
    %dma_wait3A_728 = tpu.memref_slice %arg12[%dma_wait3A_727] : memref<8192xf32, #tpu.memory_space<vmem>> -> memref<128xf32, #tpu.memory_space<vmem>>
    %dma_wait3A_729 = arith.constant 4480 : i32
    %dma_wait3A_730 = tpu.memref_slice %arg11[%dma_wait3A_729] : memref<8192xi32, #tpu.memory_space<vmem>> -> memref<128xi32, #tpu.memory_space<vmem>>
    %dma_wait3A_731 = arith.constant 0 : i32
    %dma_wait3A_732 = tpu.memref_slice %arg2[%dma_wait3A_731] : memref<8388608xf32, #tpu.memory_space<hbm>> -> memref<8388608xf32, #tpu.memory_space<hbm>>
    tpu.wait_indirect_dma semaphore(%arg19 : memref<!tpu.dma_semaphore, #tpu.memory_space<semaphore_mem>>) src(%dma_wait3A_732 : memref<8388608xf32, #tpu.memory_space<hbm>>) dst(%dma_wait3A_728 : memref<128xf32, #tpu.memory_space<vmem>>)
    %dma_wait3A_733 = arith.constant 4608 : i32
    %dma_wait3A_734 = tpu.memref_slice %arg12[%dma_wait3A_733] : memref<8192xf32, #tpu.memory_space<vmem>> -> memref<128xf32, #tpu.memory_space<vmem>>
    %dma_wait3A_735 = arith.constant 4608 : i32
    %dma_wait3A_736 = tpu.memref_slice %arg11[%dma_wait3A_735] : memref<8192xi32, #tpu.memory_space<vmem>> -> memref<128xi32, #tpu.memory_space<vmem>>
    %dma_wait3A_737 = arith.constant 0 : i32
    %dma_wait3A_738 = tpu.memref_slice %arg2[%dma_wait3A_737] : memref<8388608xf32, #tpu.memory_space<hbm>> -> memref<8388608xf32, #tpu.memory_space<hbm>>
    tpu.wait_indirect_dma semaphore(%arg19 : memref<!tpu.dma_semaphore, #tpu.memory_space<semaphore_mem>>) src(%dma_wait3A_738 : memref<8388608xf32, #tpu.memory_space<hbm>>) dst(%dma_wait3A_734 : memref<128xf32, #tpu.memory_space<vmem>>)
    %dma_wait3A_739 = arith.constant 4736 : i32
    %dma_wait3A_740 = tpu.memref_slice %arg12[%dma_wait3A_739] : memref<8192xf32, #tpu.memory_space<vmem>> -> memref<128xf32, #tpu.memory_space<vmem>>
    %dma_wait3A_741 = arith.constant 4736 : i32
    %dma_wait3A_742 = tpu.memref_slice %arg11[%dma_wait3A_741] : memref<8192xi32, #tpu.memory_space<vmem>> -> memref<128xi32, #tpu.memory_space<vmem>>
    %dma_wait3A_743 = arith.constant 0 : i32
    %dma_wait3A_744 = tpu.memref_slice %arg2[%dma_wait3A_743] : memref<8388608xf32, #tpu.memory_space<hbm>> -> memref<8388608xf32, #tpu.memory_space<hbm>>
    tpu.wait_indirect_dma semaphore(%arg19 : memref<!tpu.dma_semaphore, #tpu.memory_space<semaphore_mem>>) src(%dma_wait3A_744 : memref<8388608xf32, #tpu.memory_space<hbm>>) dst(%dma_wait3A_740 : memref<128xf32, #tpu.memory_space<vmem>>)
    %dma_wait3A_745 = arith.constant 4864 : i32
    %dma_wait3A_746 = tpu.memref_slice %arg12[%dma_wait3A_745] : memref<8192xf32, #tpu.memory_space<vmem>> -> memref<128xf32, #tpu.memory_space<vmem>>
    %dma_wait3A_747 = arith.constant 4864 : i32
    %dma_wait3A_748 = tpu.memref_slice %arg11[%dma_wait3A_747] : memref<8192xi32, #tpu.memory_space<vmem>> -> memref<128xi32, #tpu.memory_space<vmem>>
    %dma_wait3A_749 = arith.constant 0 : i32
    %dma_wait3A_750 = tpu.memref_slice %arg2[%dma_wait3A_749] : memref<8388608xf32, #tpu.memory_space<hbm>> -> memref<8388608xf32, #tpu.memory_space<hbm>>
    tpu.wait_indirect_dma semaphore(%arg19 : memref<!tpu.dma_semaphore, #tpu.memory_space<semaphore_mem>>) src(%dma_wait3A_750 : memref<8388608xf32, #tpu.memory_space<hbm>>) dst(%dma_wait3A_746 : memref<128xf32, #tpu.memory_space<vmem>>)
    %dma_wait3A_751 = arith.constant 4992 : i32
    %dma_wait3A_752 = tpu.memref_slice %arg12[%dma_wait3A_751] : memref<8192xf32, #tpu.memory_space<vmem>> -> memref<128xf32, #tpu.memory_space<vmem>>
    %dma_wait3A_753 = arith.constant 4992 : i32
    %dma_wait3A_754 = tpu.memref_slice %arg11[%dma_wait3A_753] : memref<8192xi32, #tpu.memory_space<vmem>> -> memref<128xi32, #tpu.memory_space<vmem>>
    %dma_wait3A_755 = arith.constant 0 : i32
    %dma_wait3A_756 = tpu.memref_slice %arg2[%dma_wait3A_755] : memref<8388608xf32, #tpu.memory_space<hbm>> -> memref<8388608xf32, #tpu.memory_space<hbm>>
    tpu.wait_indirect_dma semaphore(%arg19 : memref<!tpu.dma_semaphore, #tpu.memory_space<semaphore_mem>>) src(%dma_wait3A_756 : memref<8388608xf32, #tpu.memory_space<hbm>>) dst(%dma_wait3A_752 : memref<128xf32, #tpu.memory_space<vmem>>)
    %scan3A_757 = arith.constant 256 : i32
    %scan3A_758 = arith.constant 64 : i32
    %scan3A_759 = arith.addi %scan3A_757, %scan3A_758 : i32
    %scan3A_760 = arith.constant 1 : i32
    %scan3A_761 = scf.for %scan3A_927 = %scan3A_757 to %scan3A_759 step %scan3A_760 iter_args(%scan3A_928 = %scan3A_707) -> (vector<16xf32>)  : i32 {
      %mul3A_929 = arith.constant 16 : i32
      %mul3A_930 = arith.muli %scan3A_927, %mul3A_929 : i32
      %get3A = arith.index_cast %mul3A_930 : i32 to index
      %get3A_931 = tpu.vector_load %arg12[%get3A] {strides = array<i32>} : memref<8192xf32, #tpu.memory_space<vmem>>, vector<16xf32>,
      %mul3A_932 = arith.constant 16 : i32
      %mul3A_933 = arith.muli %scan3A_927, %mul3A_932 : i32
      %get3A_934 = arith.index_cast %mul3A_933 : i32 to index
      %get3A_935 = tpu.vector_load %arg9[%get3A_934] {strides = array<i32>} : memref<8000xf32, #tpu.memory_space<vmem>>, vector<16xf32>,
      %sub3A = arith.subf %get3A_931, %get3A_935 : vector<16xf32>
      %abs3A = math.absf %sub3A : vector<16xf32>
      %add3A_936 = arith.addf %scan3A_928, %abs3A : vector<16xf32>
      scf.yield %add3A_936 : vector<16xf32>
    }
    %scan3A_762 = arith.constant 64 : i32
    %dma_wait3A_763 = arith.constant 5120 : i32
    %dma_wait3A_764 = tpu.memref_slice %arg12[%dma_wait3A_763] : memref<8192xf32, #tpu.memory_space<vmem>> -> memref<128xf32, #tpu.memory_space<vmem>>
    %dma_wait3A_765 = arith.constant 5120 : i32
    %dma_wait3A_766 = tpu.memref_slice %arg11[%dma_wait3A_765] : memref<8192xi32, #tpu.memory_space<vmem>> -> memref<128xi32, #tpu.memory_space<vmem>>
    %dma_wait3A_767 = arith.constant 0 : i32
    %dma_wait3A_768 = tpu.memref_slice %arg2[%dma_wait3A_767] : memref<8388608xf32, #tpu.memory_space<hbm>> -> memref<8388608xf32, #tpu.memory_space<hbm>>
    tpu.wait_indirect_dma semaphore(%arg20 : memref<!tpu.dma_semaphore, #tpu.memory_space<semaphore_mem>>) src(%dma_wait3A_768 : memref<8388608xf32, #tpu.memory_space<hbm>>) dst(%dma_wait3A_764 : memref<128xf32, #tpu.memory_space<vmem>>)
    %dma_wait3A_769 = arith.constant 5248 : i32
    %dma_wait3A_770 = tpu.memref_slice %arg12[%dma_wait3A_769] : memref<8192xf32, #tpu.memory_space<vmem>> -> memref<128xf32, #tpu.memory_space<vmem>>
    %dma_wait3A_771 = arith.constant 5248 : i32
    %dma_wait3A_772 = tpu.memref_slice %arg11[%dma_wait3A_771] : memref<8192xi32, #tpu.memory_space<vmem>> -> memref<128xi32, #tpu.memory_space<vmem>>
    %dma_wait3A_773 = arith.constant 0 : i32
    %dma_wait3A_774 = tpu.memref_slice %arg2[%dma_wait3A_773] : memref<8388608xf32, #tpu.memory_space<hbm>> -> memref<8388608xf32, #tpu.memory_space<hbm>>
    tpu.wait_indirect_dma semaphore(%arg20 : memref<!tpu.dma_semaphore, #tpu.memory_space<semaphore_mem>>) src(%dma_wait3A_774 : memref<8388608xf32, #tpu.memory_space<hbm>>) dst(%dma_wait3A_770 : memref<128xf32, #tpu.memory_space<vmem>>)
    %dma_wait3A_775 = arith.constant 5376 : i32
    %dma_wait3A_776 = tpu.memref_slice %arg12[%dma_wait3A_775] : memref<8192xf32, #tpu.memory_space<vmem>> -> memref<128xf32, #tpu.memory_space<vmem>>
    %dma_wait3A_777 = arith.constant 5376 : i32
    %dma_wait3A_778 = tpu.memref_slice %arg11[%dma_wait3A_777] : memref<8192xi32, #tpu.memory_space<vmem>> -> memref<128xi32, #tpu.memory_space<vmem>>
    %dma_wait3A_779 = arith.constant 0 : i32
    %dma_wait3A_780 = tpu.memref_slice %arg2[%dma_wait3A_779] : memref<8388608xf32, #tpu.memory_space<hbm>> -> memref<8388608xf32, #tpu.memory_space<hbm>>
    tpu.wait_indirect_dma semaphore(%arg20 : memref<!tpu.dma_semaphore, #tpu.memory_space<semaphore_mem>>) src(%dma_wait3A_780 : memref<8388608xf32, #tpu.memory_space<hbm>>) dst(%dma_wait3A_776 : memref<128xf32, #tpu.memory_space<vmem>>)
    %dma_wait3A_781 = arith.constant 5504 : i32
    %dma_wait3A_782 = tpu.memref_slice %arg12[%dma_wait3A_781] : memref<8192xf32, #tpu.memory_space<vmem>> -> memref<128xf32, #tpu.memory_space<vmem>>
    %dma_wait3A_783 = arith.constant 5504 : i32
    %dma_wait3A_784 = tpu.memref_slice %arg11[%dma_wait3A_783] : memref<8192xi32, #tpu.memory_space<vmem>> -> memref<128xi32, #tpu.memory_space<vmem>>
    %dma_wait3A_785 = arith.constant 0 : i32
    %dma_wait3A_786 = tpu.memref_slice %arg2[%dma_wait3A_785] : memref<8388608xf32, #tpu.memory_space<hbm>> -> memref<8388608xf32, #tpu.memory_space<hbm>>
    tpu.wait_indirect_dma semaphore(%arg20 : memref<!tpu.dma_semaphore, #tpu.memory_space<semaphore_mem>>) src(%dma_wait3A_786 : memref<8388608xf32, #tpu.memory_space<hbm>>) dst(%dma_wait3A_782 : memref<128xf32, #tpu.memory_space<vmem>>)
    %dma_wait3A_787 = arith.constant 5632 : i32
    %dma_wait3A_788 = tpu.memref_slice %arg12[%dma_wait3A_787] : memref<8192xf32, #tpu.memory_space<vmem>> -> memref<128xf32, #tpu.memory_space<vmem>>
    %dma_wait3A_789 = arith.constant 5632 : i32
    %dma_wait3A_790 = tpu.memref_slice %arg11[%dma_wait3A_789] : memref<8192xi32, #tpu.memory_space<vmem>> -> memref<128xi32, #tpu.memory_space<vmem>>
    %dma_wait3A_791 = arith.constant 0 : i32
    %dma_wait3A_792 = tpu.memref_slice %arg2[%dma_wait3A_791] : memref<8388608xf32, #tpu.memory_space<hbm>> -> memref<8388608xf32, #tpu.memory_space<hbm>>
    tpu.wait_indirect_dma semaphore(%arg20 : memref<!tpu.dma_semaphore, #tpu.memory_space<semaphore_mem>>) src(%dma_wait3A_792 : memref<8388608xf32, #tpu.memory_space<hbm>>) dst(%dma_wait3A_788 : memref<128xf32, #tpu.memory_space<vmem>>)
    %dma_wait3A_793 = arith.constant 5760 : i32
    %dma_wait3A_794 = tpu.memref_slice %arg12[%dma_wait3A_793] : memref<8192xf32, #tpu.memory_space<vmem>> -> memref<128xf32, #tpu.memory_space<vmem>>
    %dma_wait3A_795 = arith.constant 5760 : i32
    %dma_wait3A_796 = tpu.memref_slice %arg11[%dma_wait3A_795] : memref<8192xi32, #tpu.memory_space<vmem>> -> memref<128xi32, #tpu.memory_space<vmem>>
    %dma_wait3A_797 = arith.constant 0 : i32
    %dma_wait3A_798 = tpu.memref_slice %arg2[%dma_wait3A_797] : memref<8388608xf32, #tpu.memory_space<hbm>> -> memref<8388608xf32, #tpu.memory_space<hbm>>
    tpu.wait_indirect_dma semaphore(%arg20 : memref<!tpu.dma_semaphore, #tpu.memory_space<semaphore_mem>>) src(%dma_wait3A_798 : memref<8388608xf32, #tpu.memory_space<hbm>>) dst(%dma_wait3A_794 : memref<128xf32, #tpu.memory_space<vmem>>)
    %dma_wait3A_799 = arith.constant 5888 : i32
    %dma_wait3A_800 = tpu.memref_slice %arg12[%dma_wait3A_799] : memref<8192xf32, #tpu.memory_space<vmem>> -> memref<128xf32, #tpu.memory_space<vmem>>
    %dma_wait3A_801 = arith.constant 5888 : i32
    %dma_wait3A_802 = tpu.memref_slice %arg11[%dma_wait3A_801] : memref<8192xi32, #tpu.memory_space<vmem>> -> memref<128xi32, #tpu.memory_space<vmem>>
    %dma_wait3A_803 = arith.constant 0 : i32
    %dma_wait3A_804 = tpu.memref_slice %arg2[%dma_wait3A_803] : memref<8388608xf32, #tpu.memory_space<hbm>> -> memref<8388608xf32, #tpu.memory_space<hbm>>
    tpu.wait_indirect_dma semaphore(%arg20 : memref<!tpu.dma_semaphore, #tpu.memory_space<semaphore_mem>>) src(%dma_wait3A_804 : memref<8388608xf32, #tpu.memory_space<hbm>>) dst(%dma_wait3A_800 : memref<128xf32, #tpu.memory_space<vmem>>)
    %dma_wait3A_805 = arith.constant 6016 : i32
    %dma_wait3A_806 = tpu.memref_slice %arg12[%dma_wait3A_805] : memref<8192xf32, #tpu.memory_space<vmem>> -> memref<128xf32, #tpu.memory_space<vmem>>
    %dma_wait3A_807 = arith.constant 6016 : i32
    %dma_wait3A_808 = tpu.memref_slice %arg11[%dma_wait3A_807] : memref<8192xi32, #tpu.memory_space<vmem>> -> memref<128xi32, #tpu.memory_space<vmem>>
    %dma_wait3A_809 = arith.constant 0 : i32
    %dma_wait3A_810 = tpu.memref_slice %arg2[%dma_wait3A_809] : memref<8388608xf32, #tpu.memory_space<hbm>> -> memref<8388608xf32, #tpu.memory_space<hbm>>
    tpu.wait_indirect_dma semaphore(%arg20 : memref<!tpu.dma_semaphore, #tpu.memory_space<semaphore_mem>>) src(%dma_wait3A_810 : memref<8388608xf32, #tpu.memory_space<hbm>>) dst(%dma_wait3A_806 : memref<128xf32, #tpu.memory_space<vmem>>)
    %scan3A_811 = arith.constant 320 : i32
    %scan3A_812 = arith.constant 64 : i32
    %scan3A_813 = arith.addi %scan3A_811, %scan3A_812 : i32
    %scan3A_814 = arith.constant 1 : i32
    %scan3A_815 = scf.for %scan3A_927 = %scan3A_811 to %scan3A_813 step %scan3A_814 iter_args(%scan3A_928 = %scan3A_761) -> (vector<16xf32>)  : i32 {
      %mul3A_929 = arith.constant 16 : i32
      %mul3A_930 = arith.muli %scan3A_927, %mul3A_929 : i32
      %get3A = arith.index_cast %mul3A_930 : i32 to index
      %get3A_931 = tpu.vector_load %arg12[%get3A] {strides = array<i32>} : memref<8192xf32, #tpu.memory_space<vmem>>, vector<16xf32>,
      %mul3A_932 = arith.constant 16 : i32
      %mul3A_933 = arith.muli %scan3A_927, %mul3A_932 : i32
      %get3A_934 = arith.index_cast %mul3A_933 : i32 to index
      %get3A_935 = tpu.vector_load %arg9[%get3A_934] {strides = array<i32>} : memref<8000xf32, #tpu.memory_space<vmem>>, vector<16xf32>,
      %sub3A = arith.subf %get3A_931, %get3A_935 : vector<16xf32>
      %abs3A = math.absf %sub3A : vector<16xf32>
      %add3A_936 = arith.addf %scan3A_928, %abs3A : vector<16xf32>
      scf.yield %add3A_936 : vector<16xf32>
    }
    %scan3A_816 = arith.constant 64 : i32
    %dma_wait3A_817 = arith.constant 6144 : i32
    %dma_wait3A_818 = tpu.memref_slice %arg12[%dma_wait3A_817] : memref<8192xf32, #tpu.memory_space<vmem>> -> memref<128xf32, #tpu.memory_space<vmem>>
    %dma_wait3A_819 = arith.constant 6144 : i32
    %dma_wait3A_820 = tpu.memref_slice %arg11[%dma_wait3A_819] : memref<8192xi32, #tpu.memory_space<vmem>> -> memref<128xi32, #tpu.memory_space<vmem>>
    %dma_wait3A_821 = arith.constant 0 : i32
    %dma_wait3A_822 = tpu.memref_slice %arg2[%dma_wait3A_821] : memref<8388608xf32, #tpu.memory_space<hbm>> -> memref<8388608xf32, #tpu.memory_space<hbm>>
    tpu.wait_indirect_dma semaphore(%arg21 : memref<!tpu.dma_semaphore, #tpu.memory_space<semaphore_mem>>) src(%dma_wait3A_822 : memref<8388608xf32, #tpu.memory_space<hbm>>) dst(%dma_wait3A_818 : memref<128xf32, #tpu.memory_space<vmem>>)
    %dma_wait3A_823 = arith.constant 6272 : i32
    %dma_wait3A_824 = tpu.memref_slice %arg12[%dma_wait3A_823] : memref<8192xf32, #tpu.memory_space<vmem>> -> memref<128xf32, #tpu.memory_space<vmem>>
    %dma_wait3A_825 = arith.constant 6272 : i32
    %dma_wait3A_826 = tpu.memref_slice %arg11[%dma_wait3A_825] : memref<8192xi32, #tpu.memory_space<vmem>> -> memref<128xi32, #tpu.memory_space<vmem>>
    %dma_wait3A_827 = arith.constant 0 : i32
    %dma_wait3A_828 = tpu.memref_slice %arg2[%dma_wait3A_827] : memref<8388608xf32, #tpu.memory_space<hbm>> -> memref<8388608xf32, #tpu.memory_space<hbm>>
    tpu.wait_indirect_dma semaphore(%arg21 : memref<!tpu.dma_semaphore, #tpu.memory_space<semaphore_mem>>) src(%dma_wait3A_828 : memref<8388608xf32, #tpu.memory_space<hbm>>) dst(%dma_wait3A_824 : memref<128xf32, #tpu.memory_space<vmem>>)
    %dma_wait3A_829 = arith.constant 6400 : i32
    %dma_wait3A_830 = tpu.memref_slice %arg12[%dma_wait3A_829] : memref<8192xf32, #tpu.memory_space<vmem>> -> memref<128xf32, #tpu.memory_space<vmem>>
    %dma_wait3A_831 = arith.constant 6400 : i32
    %dma_wait3A_832 = tpu.memref_slice %arg11[%dma_wait3A_831] : memref<8192xi32, #tpu.memory_space<vmem>> -> memref<128xi32, #tpu.memory_space<vmem>>
    %dma_wait3A_833 = arith.constant 0 : i32
    %dma_wait3A_834 = tpu.memref_slice %arg2[%dma_wait3A_833] : memref<8388608xf32, #tpu.memory_space<hbm>> -> memref<8388608xf32, #tpu.memory_space<hbm>>
    tpu.wait_indirect_dma semaphore(%arg21 : memref<!tpu.dma_semaphore, #tpu.memory_space<semaphore_mem>>) src(%dma_wait3A_834 : memref<8388608xf32, #tpu.memory_space<hbm>>) dst(%dma_wait3A_830 : memref<128xf32, #tpu.memory_space<vmem>>)
    %dma_wait3A_835 = arith.constant 6528 : i32
    %dma_wait3A_836 = tpu.memref_slice %arg12[%dma_wait3A_835] : memref<8192xf32, #tpu.memory_space<vmem>> -> memref<128xf32, #tpu.memory_space<vmem>>
    %dma_wait3A_837 = arith.constant 6528 : i32
    %dma_wait3A_838 = tpu.memref_slice %arg11[%dma_wait3A_837] : memref<8192xi32, #tpu.memory_space<vmem>> -> memref<128xi32, #tpu.memory_space<vmem>>
    %dma_wait3A_839 = arith.constant 0 : i32
    %dma_wait3A_840 = tpu.memref_slice %arg2[%dma_wait3A_839] : memref<8388608xf32, #tpu.memory_space<hbm>> -> memref<8388608xf32, #tpu.memory_space<hbm>>
    tpu.wait_indirect_dma semaphore(%arg21 : memref<!tpu.dma_semaphore, #tpu.memory_space<semaphore_mem>>) src(%dma_wait3A_840 : memref<8388608xf32, #tpu.memory_space<hbm>>) dst(%dma_wait3A_836 : memref<128xf32, #tpu.memory_space<vmem>>)
    %dma_wait3A_841 = arith.constant 6656 : i32
    %dma_wait3A_842 = tpu.memref_slice %arg12[%dma_wait3A_841] : memref<8192xf32, #tpu.memory_space<vmem>> -> memref<128xf32, #tpu.memory_space<vmem>>
    %dma_wait3A_843 = arith.constant 6656 : i32
    %dma_wait3A_844 = tpu.memref_slice %arg11[%dma_wait3A_843] : memref<8192xi32, #tpu.memory_space<vmem>> -> memref<128xi32, #tpu.memory_space<vmem>>
    %dma_wait3A_845 = arith.constant 0 : i32
    %dma_wait3A_846 = tpu.memref_slice %arg2[%dma_wait3A_845] : memref<8388608xf32, #tpu.memory_space<hbm>> -> memref<8388608xf32, #tpu.memory_space<hbm>>
    tpu.wait_indirect_dma semaphore(%arg21 : memref<!tpu.dma_semaphore, #tpu.memory_space<semaphore_mem>>) src(%dma_wait3A_846 : memref<8388608xf32, #tpu.memory_space<hbm>>) dst(%dma_wait3A_842 : memref<128xf32, #tpu.memory_space<vmem>>)
    %dma_wait3A_847 = arith.constant 6784 : i32
    %dma_wait3A_848 = tpu.memref_slice %arg12[%dma_wait3A_847] : memref<8192xf32, #tpu.memory_space<vmem>> -> memref<128xf32, #tpu.memory_space<vmem>>
    %dma_wait3A_849 = arith.constant 6784 : i32
    %dma_wait3A_850 = tpu.memref_slice %arg11[%dma_wait3A_849] : memref<8192xi32, #tpu.memory_space<vmem>> -> memref<128xi32, #tpu.memory_space<vmem>>
    %dma_wait3A_851 = arith.constant 0 : i32
    %dma_wait3A_852 = tpu.memref_slice %arg2[%dma_wait3A_851] : memref<8388608xf32, #tpu.memory_space<hbm>> -> memref<8388608xf32, #tpu.memory_space<hbm>>
    tpu.wait_indirect_dma semaphore(%arg21 : memref<!tpu.dma_semaphore, #tpu.memory_space<semaphore_mem>>) src(%dma_wait3A_852 : memref<8388608xf32, #tpu.memory_space<hbm>>) dst(%dma_wait3A_848 : memref<128xf32, #tpu.memory_space<vmem>>)
    %dma_wait3A_853 = arith.constant 6912 : i32
    %dma_wait3A_854 = tpu.memref_slice %arg12[%dma_wait3A_853] : memref<8192xf32, #tpu.memory_space<vmem>> -> memref<128xf32, #tpu.memory_space<vmem>>
    %dma_wait3A_855 = arith.constant 6912 : i32
    %dma_wait3A_856 = tpu.memref_slice %arg11[%dma_wait3A_855] : memref<8192xi32, #tpu.memory_space<vmem>> -> memref<128xi32, #tpu.memory_space<vmem>>
    %dma_wait3A_857 = arith.constant 0 : i32
    %dma_wait3A_858 = tpu.memref_slice %arg2[%dma_wait3A_857] : memref<8388608xf32, #tpu.memory_space<hbm>> -> memref<8388608xf32, #tpu.memory_space<hbm>>
    tpu.wait_indirect_dma semaphore(%arg21 : memref<!tpu.dma_semaphore, #tpu.memory_space<semaphore_mem>>) src(%dma_wait3A_858 : memref<8388608xf32, #tpu.memory_space<hbm>>) dst(%dma_wait3A_854 : memref<128xf32, #tpu.memory_space<vmem>>)
    %dma_wait3A_859 = arith.constant 7040 : i32
    %dma_wait3A_860 = tpu.memref_slice %arg12[%dma_wait3A_859] : memref<8192xf32, #tpu.memory_space<vmem>> -> memref<128xf32, #tpu.memory_space<vmem>>
    %dma_wait3A_861 = arith.constant 7040 : i32
    %dma_wait3A_862 = tpu.memref_slice %arg11[%dma_wait3A_861] : memref<8192xi32, #tpu.memory_space<vmem>> -> memref<128xi32, #tpu.memory_space<vmem>>
    %dma_wait3A_863 = arith.constant 0 : i32
    %dma_wait3A_864 = tpu.memref_slice %arg2[%dma_wait3A_863] : memref<8388608xf32, #tpu.memory_space<hbm>> -> memref<8388608xf32, #tpu.memory_space<hbm>>
    tpu.wait_indirect_dma semaphore(%arg21 : memref<!tpu.dma_semaphore, #tpu.memory_space<semaphore_mem>>) src(%dma_wait3A_864 : memref<8388608xf32, #tpu.memory_space<hbm>>) dst(%dma_wait3A_860 : memref<128xf32, #tpu.memory_space<vmem>>)
    %scan3A_865 = arith.constant 384 : i32
    %scan3A_866 = arith.constant 64 : i32
    %scan3A_867 = arith.addi %scan3A_865, %scan3A_866 : i32
    %scan3A_868 = arith.constant 1 : i32
    %scan3A_869 = scf.for %scan3A_927 = %scan3A_865 to %scan3A_867 step %scan3A_868 iter_args(%scan3A_928 = %scan3A_815) -> (vector<16xf32>)  : i32 {
      %mul3A_929 = arith.constant 16 : i32
      %mul3A_930 = arith.muli %scan3A_927, %mul3A_929 : i32
      %get3A = arith.index_cast %mul3A_930 : i32 to index
      %get3A_931 = tpu.vector_load %arg12[%get3A] {strides = array<i32>} : memref<8192xf32, #tpu.memory_space<vmem>>, vector<16xf32>,
      %mul3A_932 = arith.constant 16 : i32
      %mul3A_933 = arith.muli %scan3A_927, %mul3A_932 : i32
      %get3A_934 = arith.index_cast %mul3A_933 : i32 to index
      %get3A_935 = tpu.vector_load %arg9[%get3A_934] {strides = array<i32>} : memref<8000xf32, #tpu.memory_space<vmem>>, vector<16xf32>,
      %sub3A = arith.subf %get3A_931, %get3A_935 : vector<16xf32>
      %abs3A = math.absf %sub3A : vector<16xf32>
      %add3A_936 = arith.addf %scan3A_928, %abs3A : vector<16xf32>
      scf.yield %add3A_936 : vector<16xf32>
    }
    %scan3A_870 = arith.constant 64 : i32
    %dma_wait3A_871 = arith.constant 7168 : i32
    %dma_wait3A_872 = tpu.memref_slice %arg12[%dma_wait3A_871] : memref<8192xf32, #tpu.memory_space<vmem>> -> memref<128xf32, #tpu.memory_space<vmem>>
    %dma_wait3A_873 = arith.constant 7168 : i32
    %dma_wait3A_874 = tpu.memref_slice %arg11[%dma_wait3A_873] : memref<8192xi32, #tpu.memory_space<vmem>> -> memref<128xi32, #tpu.memory_space<vmem>>
    %dma_wait3A_875 = arith.constant 0 : i32
    %dma_wait3A_876 = tpu.memref_slice %arg2[%dma_wait3A_875] : memref<8388608xf32, #tpu.memory_space<hbm>> -> memref<8388608xf32, #tpu.memory_space<hbm>>
    tpu.wait_indirect_dma semaphore(%arg22 : memref<!tpu.dma_semaphore, #tpu.memory_space<semaphore_mem>>) src(%dma_wait3A_876 : memref<8388608xf32, #tpu.memory_space<hbm>>) dst(%dma_wait3A_872 : memref<128xf32, #tpu.memory_space<vmem>>)
    %dma_wait3A_877 = arith.constant 7296 : i32
    %dma_wait3A_878 = tpu.memref_slice %arg12[%dma_wait3A_877] : memref<8192xf32, #tpu.memory_space<vmem>> -> memref<128xf32, #tpu.memory_space<vmem>>
    %dma_wait3A_879 = arith.constant 7296 : i32
    %dma_wait3A_880 = tpu.memref_slice %arg11[%dma_wait3A_879] : memref<8192xi32, #tpu.memory_space<vmem>> -> memref<128xi32, #tpu.memory_space<vmem>>
    %dma_wait3A_881 = arith.constant 0 : i32
    %dma_wait3A_882 = tpu.memref_slice %arg2[%dma_wait3A_881] : memref<8388608xf32, #tpu.memory_space<hbm>> -> memref<8388608xf32, #tpu.memory_space<hbm>>
    tpu.wait_indirect_dma semaphore(%arg22 : memref<!tpu.dma_semaphore, #tpu.memory_space<semaphore_mem>>) src(%dma_wait3A_882 : memref<8388608xf32, #tpu.memory_space<hbm>>) dst(%dma_wait3A_878 : memref<128xf32, #tpu.memory_space<vmem>>)
    %dma_wait3A_883 = arith.constant 7424 : i32
    %dma_wait3A_884 = tpu.memref_slice %arg12[%dma_wait3A_883] : memref<8192xf32, #tpu.memory_space<vmem>> -> memref<128xf32, #tpu.memory_space<vmem>>
    %dma_wait3A_885 = arith.constant 7424 : i32
    %dma_wait3A_886 = tpu.memref_slice %arg11[%dma_wait3A_885] : memref<8192xi32, #tpu.memory_space<vmem>> -> memref<128xi32, #tpu.memory_space<vmem>>
    %dma_wait3A_887 = arith.constant 0 : i32
    %dma_wait3A_888 = tpu.memref_slice %arg2[%dma_wait3A_887] : memref<8388608xf32, #tpu.memory_space<hbm>> -> memref<8388608xf32, #tpu.memory_space<hbm>>
    tpu.wait_indirect_dma semaphore(%arg22 : memref<!tpu.dma_semaphore, #tpu.memory_space<semaphore_mem>>) src(%dma_wait3A_888 : memref<8388608xf32, #tpu.memory_space<hbm>>) dst(%dma_wait3A_884 : memref<128xf32, #tpu.memory_space<vmem>>)
    %dma_wait3A_889 = arith.constant 7552 : i32
    %dma_wait3A_890 = tpu.memref_slice %arg12[%dma_wait3A_889] : memref<8192xf32, #tpu.memory_space<vmem>> -> memref<128xf32, #tpu.memory_space<vmem>>
    %dma_wait3A_891 = arith.constant 7552 : i32
    %dma_wait3A_892 = tpu.memref_slice %arg11[%dma_wait3A_891] : memref<8192xi32, #tpu.memory_space<vmem>> -> memref<128xi32, #tpu.memory_space<vmem>>
    %dma_wait3A_893 = arith.constant 0 : i32
    %dma_wait3A_894 = tpu.memref_slice %arg2[%dma_wait3A_893] : memref<8388608xf32, #tpu.memory_space<hbm>> -> memref<8388608xf32, #tpu.memory_space<hbm>>
    tpu.wait_indirect_dma semaphore(%arg22 : memref<!tpu.dma_semaphore, #tpu.memory_space<semaphore_mem>>) src(%dma_wait3A_894 : memref<8388608xf32, #tpu.memory_space<hbm>>) dst(%dma_wait3A_890 : memref<128xf32, #tpu.memory_space<vmem>>)
    %dma_wait3A_895 = arith.constant 7680 : i32
    %dma_wait3A_896 = tpu.memref_slice %arg12[%dma_wait3A_895] : memref<8192xf32, #tpu.memory_space<vmem>> -> memref<128xf32, #tpu.memory_space<vmem>>
    %dma_wait3A_897 = arith.constant 7680 : i32
    %dma_wait3A_898 = tpu.memref_slice %arg11[%dma_wait3A_897] : memref<8192xi32, #tpu.memory_space<vmem>> -> memref<128xi32, #tpu.memory_space<vmem>>
    %dma_wait3A_899 = arith.constant 0 : i32
    %dma_wait3A_900 = tpu.memref_slice %arg2[%dma_wait3A_899] : memref<8388608xf32, #tpu.memory_space<hbm>> -> memref<8388608xf32, #tpu.memory_space<hbm>>
    tpu.wait_indirect_dma semaphore(%arg22 : memref<!tpu.dma_semaphore, #tpu.memory_space<semaphore_mem>>) src(%dma_wait3A_900 : memref<8388608xf32, #tpu.memory_space<hbm>>) dst(%dma_wait3A_896 : memref<128xf32, #tpu.memory_space<vmem>>)
    %dma_wait3A_901 = arith.constant 7808 : i32
    %dma_wait3A_902 = tpu.memref_slice %arg12[%dma_wait3A_901] : memref<8192xf32, #tpu.memory_space<vmem>> -> memref<128xf32, #tpu.memory_space<vmem>>
    %dma_wait3A_903 = arith.constant 7808 : i32
    %dma_wait3A_904 = tpu.memref_slice %arg11[%dma_wait3A_903] : memref<8192xi32, #tpu.memory_space<vmem>> -> memref<128xi32, #tpu.memory_space<vmem>>
    %dma_wait3A_905 = arith.constant 0 : i32
    %dma_wait3A_906 = tpu.memref_slice %arg2[%dma_wait3A_905] : memref<8388608xf32, #tpu.memory_space<hbm>> -> memref<8388608xf32, #tpu.memory_space<hbm>>
    tpu.wait_indirect_dma semaphore(%arg22 : memref<!tpu.dma_semaphore, #tpu.memory_space<semaphore_mem>>) src(%dma_wait3A_906 : memref<8388608xf32, #tpu.memory_space<hbm>>) dst(%dma_wait3A_902 : memref<128xf32, #tpu.memory_space<vmem>>)
    %dma_wait3A_907 = arith.constant 7936 : i32
    %dma_wait3A_908 = tpu.memref_slice %arg12[%dma_wait3A_907] : memref<8192xf32, #tpu.memory_space<vmem>> -> memref<128xf32, #tpu.memory_space<vmem>>
    %dma_wait3A_909 = arith.constant 7936 : i32
    %dma_wait3A_910 = tpu.memref_slice %arg11[%dma_wait3A_909] : memref<8192xi32, #tpu.memory_space<vmem>> -> memref<128xi32, #tpu.memory_space<vmem>>
    %dma_wait3A_911 = arith.constant 0 : i32
    %dma_wait3A_912 = tpu.memref_slice %arg2[%dma_wait3A_911] : memref<8388608xf32, #tpu.memory_space<hbm>> -> memref<8388608xf32, #tpu.memory_space<hbm>>
    tpu.wait_indirect_dma semaphore(%arg22 : memref<!tpu.dma_semaphore, #tpu.memory_space<semaphore_mem>>) src(%dma_wait3A_912 : memref<8388608xf32, #tpu.memory_space<hbm>>) dst(%dma_wait3A_908 : memref<128xf32, #tpu.memory_space<vmem>>)
    %dma_wait3A_913 = arith.constant 8064 : i32
    %dma_wait3A_914 = tpu.memref_slice %arg12[%dma_wait3A_913] : memref<8192xf32, #tpu.memory_space<vmem>> -> memref<128xf32, #tpu.memory_space<vmem>>
    %dma_wait3A_915 = arith.constant 8064 : i32
    %dma_wait3A_916 = tpu.memref_slice %arg11[%dma_wait3A_915] : memref<8192xi32, #tpu.memory_space<vmem>> -> memref<128xi32, #tpu.memory_space<vmem>>
    %dma_wait3A_917 = arith.constant 0 : i32
    %dma_wait3A_918 = tpu.memref_slice %arg2[%dma_wait3A_917] : memref<8388608xf32, #tpu.memory_space<hbm>> -> memref<8388608xf32, #tpu.memory_space<hbm>>
    tpu.wait_indirect_dma semaphore(%arg22 : memref<!tpu.dma_semaphore, #tpu.memory_space<semaphore_mem>>) src(%dma_wait3A_918 : memref<8388608xf32, #tpu.memory_space<hbm>>) dst(%dma_wait3A_914 : memref<128xf32, #tpu.memory_space<vmem>>)
    %scan3A_919 = arith.constant 448 : i32
    %scan3A_920 = arith.constant 52 : i32
    %scan3A_921 = arith.addi %scan3A_919, %scan3A_920 : i32
    %scan3A_922 = arith.constant 1 : i32
    %scan3A_923 = scf.for %scan3A_927 = %scan3A_919 to %scan3A_921 step %scan3A_922 iter_args(%scan3A_928 = %scan3A_869) -> (vector<16xf32>)  : i32 {
      %mul3A_929 = arith.constant 16 : i32
      %mul3A_930 = arith.muli %scan3A_927, %mul3A_929 : i32
      %get3A = arith.index_cast %mul3A_930 : i32 to index
      %get3A_931 = tpu.vector_load %arg12[%get3A] {strides = array<i32>} : memref<8192xf32, #tpu.memory_space<vmem>>, vector<16xf32>,
      %mul3A_932 = arith.constant 16 : i32
      %mul3A_933 = arith.muli %scan3A_927, %mul3A_932 : i32
      %get3A_934 = arith.index_cast %mul3A_933 : i32 to index
      %get3A_935 = tpu.vector_load %arg9[%get3A_934] {strides = array<i32>} : memref<8000xf32, #tpu.memory_space<vmem>>, vector<16xf32>,
      %sub3A = arith.subf %get3A_931, %get3A_935 : vector<16xf32>
      %abs3A = math.absf %sub3A : vector<16xf32>
      %add3A_936 = arith.addf %scan3A_928, %abs3A : vector<16xf32>
      scf.yield %add3A_936 : vector<16xf32>
    }
    %scan3A_924 = arith.constant 52 : i32
    %swap3A_925 = arith.constant 0 : index
    %swap3A_926 = tpu.vector_load %arg13[%swap3A_925] {strides = array<i32>} : memref<16xf32, #tpu.memory_space<vmem>>, vector<16xf32>,
    tpu.vector_store %arg13[%swap3A_925], %scan3A_923 {strides = array<i32>} : memref<16xf32, #tpu.memory_space<vmem>>, vector<16xf32>,
    "tpu.region"() ({
      %run_scoped3A = tpu.sem_alloc : memref<!tpu.dma_semaphore, #tpu.memory_space<semaphore_mem>>
      %dma_start3A_927 = arith.constant 0 : i32
      %dma_start3A_928 = tpu.memref_slice %arg6[%add3A, %dma_start3A_927] : memref<32x16xf32, #tpu.memory_space<hbm>> -> memref<1x16xf32, #tpu.memory_space<hbm>>
      %dma_start3A_929 = tpu.memref_squeeze %dma_start3A_928 : memref<1x16xf32, #tpu.memory_space<hbm>> -> memref<16xf32, #tpu.memory_space<hbm>>
      %dma_start3A_930 = arith.constant 0 : i32
      %dma_start3A_931 = tpu.memref_slice %arg6[%add3A, %dma_start3A_930] : memref<32x16xf32, #tpu.memory_space<hbm>> -> memref<1x16xf32, #tpu.memory_space<hbm>>
      %dma_start3A_932 = tpu.memref_squeeze %dma_start3A_931 : memref<1x16xf32, #tpu.memory_space<hbm>> -> memref<16xf32, #tpu.memory_space<hbm>>
      tpu.enqueue_dma source(%arg13 : memref<16xf32, #tpu.memory_space<vmem>>) target(%dma_start3A_932 : memref<16xf32, #tpu.memory_space<hbm>>) target_semaphore(%run_scoped3A : memref<!tpu.dma_semaphore, #tpu.memory_space<semaphore_mem>>)
      %dma_wait3A_933 = arith.constant 0 : i32
      %dma_wait3A_934 = tpu.memref_slice %arg6[%add3A, %dma_wait3A_933] : memref<32x16xf32, #tpu.memory_space<hbm>> -> memref<1x16xf32, #tpu.memory_space<hbm>>
      %dma_wait3A_935 = tpu.memref_squeeze %dma_wait3A_934 : memref<1x16xf32, #tpu.memory_space<hbm>> -> memref<16xf32, #tpu.memory_space<hbm>>
      %dma_wait3A_936 = arith.constant 0 : i32
      %dma_wait3A_937 = tpu.memref_slice %arg6[%add3A, %dma_wait3A_936] : memref<32x16xf32, #tpu.memory_space<hbm>> -> memref<1x16xf32, #tpu.memory_space<hbm>>
      %dma_wait3A_938 = tpu.memref_squeeze %dma_wait3A_937 : memref<1x16xf32, #tpu.memory_space<hbm>> -> memref<16xf32, #tpu.memory_space<hbm>>
      tpu.wait_dma2 semaphore(%run_scoped3A : memref<!tpu.dma_semaphore, #tpu.memory_space<semaphore_mem>>) src(%arg13 : memref<16xf32, #tpu.memory_space<vmem>>) dst(%dma_wait3A_938 : memref<16xf32, #tpu.memory_space<hbm>>)
      tpu.yield
    }) : () -> ()
    return
  }
}

</mosaic_0001>

<sc_bundles>
// kernel: kernel.3.cloned.1.call-start
scs
__scs_entry_jumppad:
0x0: {  	(pc) =	sbr.rel $0x88, $3  }
0x1: {  	(tag) =	ssettag $0x0;
	lr =	simm.s32 $0x1  }
0x2: {  	[smem:$0x3F9D] =	sst lr;
	_ =	strace $0xD0000000  }
0x3: {  	_ = 	snop  }
0x4: {  	_ = 	snop  }
0x5: {  	_ = 	snop  }
0x6: {  	_ = 	snop  }
0x7: {  	_ = 	snop  }
__scs_overlays_trampoline_lowered:
0x8: {  	[smem:$0x3FAC] =	sst s0  }
0x9: {  	[smem:$0x3FAD] =	sst s1  }
0xa: {  	[smem:$0x3FAE] =	sst s2  }
0xb: {  	[smem:$0x3FAF] =	sst s3  }
0xc: {  	[smem:$0x3FB0] =	sst s4  }
0xd: {  	[smem:$0x3FB1] =	sst s5  }
0xe: {  	[smem:$0x3FB2] =	sst s6  }
0xf: {  	[smem:$0x3FB3] =	sst s7  }
0x10: {  	[smem:$0x3FB4] =	sst s8  }
0x11: {  	[smem:$0x3FB5] =	sst s9;
	s0 =	simm.s32 @!p0 $0x0  }
0x12: {  	s1 =	sld [smem:$0x3F9B];
	s0 =	simm.s32 @p0 $0x1  }
0x13: {  	[smem:$0x3FB6] =	sst s0;
	s0 =	simm.s32 @!p1 $0x0  }
0x14: {  	s2 =	sld [smem:$0x3F9A];
	s0 =	simm.s32 @p1 $0x1  }
0x15: {  	[smem:$0x3FB7] =	sst s0;
	s0 =	simm.s32 @!p2 $0x0  }
0x16: {  	s3 =	sld [smem:$0x3FDB];
	s0 =	simm.s32 @p2 $0x1  }
0x17: {  	s4 =	simm.s32 $0x1BF5;
	[smem:$0x3FB9] =	sst s0  }
0x18: {  	s0 =	sld [smem:$0x3F9C];
	_ =	swait.ge [sflag:s4], $0x0  }
0x19: {  	s7 =	sld [smem:$0x3F9D]  }
0x1a: {  	s8 =	sadd.s32 $0xFFFFE003, lr  }
0x1b: {  	s9 =	sadd.s32 $0xFFFFFEF7, lr;
	s5 =	simm.s32 $0xFFFFFFFF;
	p2 =	slt.u32 s8, $0xFFFFF086  }
0x1c: {  	p1 =	slt.u32 s9, $0xF7A;
	s5 =	simm.s32 @!p2 $0x0  }
0x1d: {  	s5 =	simm.s32 @p1 $0x1;
	p0 =	seq.s32 s7, s2  }
0x1e: {  	s7 =	smul.u32 @!p0 $0xF7A, s2;
	p2 =	seq.s32 @!p0 s5, $0x0  }
0x1f: {  	s9 =	smul.u32 $0xF7A, s1;
	s8 =	simm.s32 @!p0 $0x1BF5;
	p2 =	por !p2, p0  }
0x20: {  	[sflag:s8] =	ssyncset.s32 @!p0 $0xFFFFF086;
	s6 =	sadd.s32 @!p0 s3, s7;
	s7 =	simm.s32 @!p0 $0x108  }
0x21: {  	s3 =	sadd.s32 s3, s9;
	s6 =	sadd.s32 @!p0 $0x88, s6;
	s7 =	simm.s32 @p2 $0x1082  }
0x22: {  	[simem:s7], [sflag:s8] =	dma.local @!p0 [hbm:s6], $0xF7A  }
0x23: {  	s9 =	sor.u32 $0xD0000000, s2;
	s6 =	simm.s32 $0x108;
	_ =	swait.ge @!p0 [sflag:s8], $0x0  }
0x24: {  	s3 =	sadd.s32 $0x88, s3;
	s6 =	simm.s32 @!p1 $0x1082;
	[sflag:s4] =	ssyncset.s32 $0xFFFFF086  }
0x25: {  	[simem:s6], [sflag:s4] =	dma.local [hbm:s3], $0xF7A  }
0x26: {  	[smem:$0x3F9D] =	sst s1;
	(tag) =	ssettag s2;
	_ =	strace s9  }
0x27: {  	s1 =	sld [smem:$0x3FAD]  }
0x28: {  	s2 =	sld [smem:$0x3FAE]  }
0x29: {  	s4 =	sld [smem:$0x3FB0]  }
0x2a: {  	p0 =	seq.s32 s5, $0x0;
	s5 =	sld [smem:$0x3FB1]  }
0x2b: {  	s6 =	sld [smem:$0x3FB2]  }
0x2c: {  	s7 =	sld [smem:$0x3FB3]  }
0x2d: {  	s3 =	simm.s32 $0x108;
	s8 =	sld [smem:$0x3FB4]  }
0x2e: {  	s3 =	simm.s32 @!p0 $0x1082;
	s9 =	sld [smem:$0x3FB5]  }
0x2f: {  	lr =	sadd.s32 s0, s3;
	s0 =	sld [smem:$0x3FAC]  }
0x30: {  	s3 =	sld [smem:$0x3FAF]  }
0x31: {  	[smem:$0x3FB8] =	sst s10  }
0x32: {  	s10 =	sld [smem:$0x3FB6];
	_ =	sdelay $0x3  }
0x33: {  	p0 =	seq.s32 s10, $0x1;
	s10 =	sld [smem:$0x3FB8];
	_ =	sdelay $0x3  }
0x34: {  	[smem:$0x3FB8] =	sst s10  }
0x35: {  	s10 =	sld [smem:$0x3FB7];
	_ =	sdelay $0x3  }
0x36: {  	p1 =	seq.s32 s10, $0x1;
	s10 =	sld [smem:$0x3FB8];
	_ =	sdelay $0x3  }
0x37: {  	[smem:$0x3FB8] =	sst s10  }
0x38: {  	s10 =	sld [smem:$0x3FB9]  }
0x39: {  	_ = 	snop;
	(pc) =	sbr.ind lr, $3  }
0x3a: {  	_ = 	snop  }
0x3b: {  	_ = 	snop  }
0x3c: {  	p2 =	seq.s32 s10, $0x1;
	s10 =	sld [smem:$0x3FB8]  }
0x3d: {  	_ =	shalt  }
0x3e: {  	_ =	shalt  }
0x3f: {  	_ =	shalt  }
0x40: {  	_ =	shalt  }
0x41: {  	_ =	shalt  }
0x42: {  	_ =	shalt  }
0x43: {  	_ =	shalt  }
0x44: {  	_ =	shalt  }
0x45: {  	_ =	shalt  }
0x46: {  	_ =	shalt  }
0x47: {  	_ =	shalt  }
0x48: {  	_ =	shalt  }
0x49: {  	_ =	shalt  }
0x4a: {  	_ =	shalt  }
0x4b: {  	_ =	shalt  }
0x4c: {  	_ =	shalt  }
0x4d: {  	_ =	shalt  }
0x4e: {  	_ =	shalt  }
0x4f: {  	_ =	shalt  }
0x50: {  	_ =	shalt  }
0x51: {  	_ =	shalt  }
0x52: {  	_ =	shalt  }
0x53: {  	_ =	shalt  }
0x54: {  	_ =	shalt  }
0x55: {  	_ =	shalt  }
0x56: {  	_ =	shalt  }
0x57: {  	_ =	shalt  }
0x58: {  	_ =	shalt  }
0x59: {  	_ =	shalt  }
0x5a: {  	_ =	shalt  }
0x5b: {  	_ =	shalt  }
0x5c: {  	_ =	shalt  }
0x5d: {  	_ =	shalt  }
0x5e: {  	_ =	shalt  }
0x5f: {  	_ =	shalt  }
0x60: {  	_ =	shalt  }
0x61: {  	_ =	shalt  }
0x62: {  	_ =	shalt  }
0x63: {  	_ =	shalt  }
0x64: {  	_ =	shalt  }
0x65: {  	_ =	shalt  }
0x66: {  	_ =	shalt  }
0x67: {  	_ =	shalt  }
0x68: {  	_ =	shalt  }
0x69: {  	_ =	shalt  }
0x6a: {  	_ =	shalt  }
0x6b: {  	_ =	shalt  }
0x6c: {  	_ =	shalt  }
0x6d: {  	_ =	shalt  }
0x6e: {  	_ =	shalt  }
0x6f: {  	_ =	shalt  }
0x70: {  	_ =	shalt  }
0x71: {  	_ =	shalt  }
0x72: {  	_ =	shalt  }
0x73: {  	_ =	shalt  }
0x74: {  	_ =	shalt  }
0x75: {  	_ =	shalt  }
0x76: {  	_ =	shalt  }
0x77: {  	_ =	shalt  }
0x78: {  	_ =	shalt  }
0x79: {  	_ =	shalt  }
0x7a: {  	_ =	shalt  }
0x7b: {  	_ =	shalt  }
0x7c: {  	_ =	shalt  }
0x7d: {  	_ =	shalt  }
0x7e: {  	_ =	shalt  }
0x7f: {  	_ =	shalt  }
0x80: {  	_ =	shalt  }
0x81: {  	_ =	shalt  }
0x82: {  	_ =	shalt  }
0x83: {  	_ =	shalt  }
0x84: {  	_ =	shalt  }
0x85: {  	_ =	shalt  }
0x86: {  	_ =	shalt  }
0x87: {  	_ =	shalt  }
.Lfunc_end0:
.L_simem_size_0:
called_computation_lowered:
.L_overlay_start_0:
0x88: {  	s2 =	sld [smem:$0x3FD9]  }
0x89: {  	s3 =	sld [smem:$0x3FFE];
	_ =	sdelay $0x1  }
0x8a: {  	s1 =	srdreg.scid  }
0x8b: {  	s0 =	sand.u32 $0x1, s1  }
0x8c: {  	s17 =	sshll.u32 s0, $0xA;
	s2 =	sadd.s32 s3, s2  }
0x8d: {  	s2 =	sadd.s32 s2, s17  }
0x8e: {  	[smem:$0x3FC4] =	sst s2  }
0x8f: {  	_ = 	snop  }
0x90: {  	s2 =	sld [smem:$0x3FC9]  }
0x91: {  	s18 =	sld [smem:$0x3FC8]  }
0x92: {  	s4 =	sld [smem:$0x3FC6];
	(tm) =	ssettm $0x1  }
0x93: {  	s5 =	sld [smem:$0x3FFB];
	_ =	sdelay $0x3  }
0x94: {  	_ =	strace s5  }
0x95: {  	s5 =	sld [smem:$0x3FFC];
	_ =	sdelay $0x3  }
0x96: {  	_ =	strace s5  }
0x97: {  	s5 =	sld [smem:$0x3FFD];
	_ =	sdelay $0x3  }
0x98: {  	_ =	strace s5  }
0x99: {  	_ =	strace $0x8FFFFFFF  }
0x9a: {  	s19 =	sld [smem:$0x3FDB];
	_ =	sdelay $0x1  }
0x9b: {  	s6 =	simm.s32 $_scs_section_size  }
0x9c: {  	s7 =	simm.s32 $_size__tile_overlayer_lowered;
	s8 =	simm.s32 $_tile_overlayer_lowered  }
0x9d: {  	s22 =	simm.s32 $0x1BFF;
	s21 =	sshll.u32 s8, $0x1;
	s5 =	sadd.s32 s6, s19  }
0x9e: {  	s9 =	simm.s32 $0x0;
	s20 =	sshll.u32 s7, $0x1;
	s7 =	sadd.s32 s21, s5  }
0x9f: {  	[timem:s9], [sflag:s22] =	dma.local [hbm:s7], s20  }
0xa0: {  	_ =	swait.ge [sflag:s22], s20  }
0xa1: {  	s6 =	ssub.s32 $0x0, s20;
	[sflag:s22] =	ssyncset.done $0x0  }
0xa2: {  	[sflag:s22] =	ssyncadd.s32 s6;
	_ =	sdelay $0x1  }
0xa3: {  	s23 =	simm.s32 $0x1B8B  }
0xa4: {  	_ =	swait.ge [sflag:s23], $0x1  }
0xa5: {  	[sflag:s23] =	ssyncset.done $0x0  }
0xa6: {  	s25 =	simm.s32 $0x1B8E;
	s24 =	sld [smem:$0x3FFE];
	[sflag:s23] =	ssyncadd.s32 $0xFFFFFFFF  }
0xa7: {  	s26 =	simm.s32 $execute0_lowered;
	[smem:$0x3FD2] =	sst s25  }
0xa8: {  	s7 =	sshll.u32 s26, $0x1;
	_ =	strace $0x80000046;
	[dreg:$0x1] =	wrdreg $0xFFFFFFFF  }
0xa9: {  	s28 =	simm.s32 $_size_execute0_lowered;
	s5 =	sadd.s32 s5, s7;
	[dreg:$0x0] =	wrdreg $0x0  }
0xaa: {  	s7 =	sshll.u32 s28, $0x1;
	[dreg:$0x2] =	wrdreg s5  }
0xab: {  	[dreg:$0x3] =	wrdreg s7  }
0xac: {  	[dreg:$0x4] =	wrdreg $0xC0  }
0xad: {  	_ =	task [dreg:s9], $0x5FFFF  }
0xae: {  	[dreg:$0x1] =	wrdreg $0xFFFFFFFF  }
0xaf: {  	[dreg:$0x0] =	wrdreg $0x60  }
0xb0: {  	[dreg:$0x2] =	wrdreg s2  }
0xb1: {  	[dreg:$0x3] =	wrdreg s18  }
0xb2: {  	[dreg:$0x4] =	wrdreg s24  }
0xb3: {  	[dreg:$0x5] =	wrdreg s4  }
0xb4: {  	[dreg:$0x6] =	wrdreg $0x9  }
0xb5: {  	_ =	task.clear_ibuf [dreg:s9], $0x7FFFF;
	_ =	strace $0x90000046  }
0xb6: {  	s29 =	simm.s32 $0x9;
	_ =	strace $0x80000048  }
0xb7: {  	_ =	swait.ge [sflag:s29], $0x1  }
0xb8: {  	[sflag:s29] =	ssyncadd.s32 $0xFFFFFFFF  }
0xb9: {  	_ =	strace $0x90000048  }
0xba: {  	_ =	sfence  }
0xbb: {  	s30 =	sld [smem:$0x0];
	_ =	sdelay $0x2  }
0xbc: {  	s31 =	sshll.u32 s1, $0xD;
	s1 =	sshrl.u32 s1, $0x2  }
0xbd: {  	s3 =	sand.u32 $0x4000, s31;
	s1 =	sadd.s32 s1, s30  }
0xbe: {  	s0 =	sor.u32 s3, s0;
	s1 =	sshll.u32 s1, $0x11  }
0xbf: {  	s0 =	sor.u32 s1, s0  }
0xc0: {  	s0 =	sadd.s32 $0x8F2B, s0  }
0xc1: {  	[sflag:s0] =	ssyncadd.remote.s32 $0x1  }
0xc2: {  	_ =	sfence.sel $0xFFFF  }
0xc3: {  	[dreg:$0x0] =	wrdreg $0xFFFFFFFF;
	(pc) =	sbr.abs _section_cstart, $3  }
0xc4: {  	[dreg:$0x1] =	wrdreg $0xFFFFFFFF  }
0xc5: {  	_ =	task.clear_ibuf [dreg:s9], $0x2FFFF;
	_ =	strace $0x9FFFFFFF  }
0xc6: {  	(tm) =	ssettm $0x7FFFFFFF  }
0xc7: {  	_ =	shalt  }
tec
execute0_lowered:
.L_overlay_start_1:
0x0: {  	(tag) =	ssettag $0x1  }
0x1: {  	s1 =	rddreg [dreg:$0x0]  }
0x2: {  	s0 =	rddreg [dreg:$0x1]  }
0x3: {  	s2 =	srdreg.scid;
	s5 =	rddreg [dreg:$0x2]  }
0x4: {  	s7 =	stileid.u32;
	s6 =	rddreg [dreg:$0x3];
	s12 =	simm.s32 $0xB  }
0x5: {  	s14 =	simm.s32 $0x2180;
	s15 =	simm.s32 $0x2380;
	s13 =	simm.s32 $0x4300  }
0x6: {  	s16 =	simm.s32 $0x6300;
	s17 =	simm.s32 $0xA;
	s18 =	simm.s32 $0x6400  }
0x7: {  	s19 =	simm.s32 $0x9;
	s20 =	simm.s32 $0x1;
	s22 =	simm.s32 $0x3  }
0x8: {  	s23 =	simm.s32 $0x4;
	s24 =	simm.s32 $0x5;
	s25 =	simm.s32 $0x6  }
0x9: {  	s26 =	simm.s32 $0x7;
	s28 =	simm.s32 $0x8;
	s29 =	simm.s32 $0x6380  }
0xa: {  	s30 =	simm.s32 $0x0;
	s2 =	sand.u32 $0x1, s2;
	s3 =	sshll.u32 s7, $0x1  }
0xb: {  	s7 =	sshrl.u32 s7, $0x2;
	s4 =	sor.u32 s2, s3;
	s3 =	simm.s32 $0x0  }
0xc: {  	s9 =	sshll.u32 s7, $0xA;
	s10 =	smul.u32 $0xFC00, s7;
	s2 =	ssub.s32 $0x2, s2  }
0xd: {  	s7 =	sshll.u32 s7, $0xC;
	s8 =	sshll.u32 s4, $0x7;
	[smem:$0x7FF] =	sst s3  }
0xe: {  	s11 =	sshrl.u32 s2, $0x1;
	s21 =	sshll.u32 s4, $0x4;
	s8 =	sand.u32 $0x380, s8  }
0xf: {  	_ =	strace $0x80000047;
	s2 =	ssub.s32 s2, s11;
	s11 =	simm.s32 $0x400  }
0x10: {  	v0 =	vmov s21;
	s21 =	simm.s32 $0x2;
	s9 =	sor.u32 s9, s8;
	s7 =	sor.u32 s7, s8  }
0x11: {  	v1 =	vlaneseq.u32;
	s8 =	sor.u32 s10, s8;
	s10 =	simm.s32 $0x80;
	s9 =	sshrl.u32 s9, $0x3  }
0x12: {  	v2 =	vmul.u32 $0x4000, v1;
	s7 =	sshrl.u32 s7, $0x3;
	s8 =	sshrl.u32 s8, $0x3;
	s9 =	sadd.s32 s9, s5  }
0x13: {  	v0 =	vshll.u32 v0, $0xE;
	s4 =	sadd.s32 s0, s7;
	s5 =	sadd.s32 s5, s8;
	s6 =	sadd.s32 s6, s7  }
0x14: {  	vm0 =	vmmov $0xf;
	v1 =	vor.u32 $0x1F0, v1;
	v0 =	vor.u32 v2, v0;
	s7 =	sadd.s32 $0x7E00, s9;
	s8 =	sadd.s32 $0x8000, s9;
	s9 =	smax.u32 s2, $0x1  }
.LBB2_1:
0x15: {  	[tilespmem:s3], [sflag:$0xB] =	stream.strided.gather [hbm4b:s4+s10], $0x200, s11, s10, $0x38;
	[tilespmem:$0x6480] =	vst v63  }
0x16: {  	_ =	swait.ge [sflag:s12], $0x200  }
0x17: {  	v2 =	vmov s3;
	[sflag:s12] =	ssyncset.done $0x0  }
0x18: {  	s2 =	simm.s32 $0x200;
	[sflag:s12] =	ssyncadd.s32 $0xFFFFFE00  }
0x19: {  	[tilespmem:s2], [sflag:$0x9] =	stream.strided.gather [hbm4b:s5+s10], $0x1F80, s11, s10, $0x38;
	[tilespmem:$0x6480] =	vst v63  }
0x1a: {  	_ = 	snop  }
0x1b: {  	[tilespmem:s14], [sflag:$0xA] =	stream.strided.gather [hbm4b:s6+s10], $0x200, s11, s10, $0x38;
	[tilespmem:$0x6480] =	vst v63  }
0x1c: {  	v2 =	vld.idx.msk [tilespmem:v2+s3+$0x0], $0xffff  }
0x1d: {  	s0 =	simm.s32 $0x1  }
0x1e: {  	v3 =	vmov s0;
	_ =	sdelay $0x2  }
0x1f: {  	v2 =	vadd.s32 v0, v2  }
0x20: {  	[tilespmem:s15+$0x0] =	vst v2  }
0x21: {  	v3 =	vld.idx.msk [tilespmem:v3+s3+$0x0], $0xffff  }
0x22: {  	s0 =	simm.s32 $0x2  }
0x23: {  	s31 =	simm.s32 $0x2380;
	s2 =	simm.s32 $0x3;
	v2 =	vmov s0  }
.LBB2_2:
0x24: {  	p0 =	sne.s32 s2, $0x3F;
	_ =	sdelay $0x1  }
0x25: {  	s31 =	sadd.s32 $0x10, s31;
	v3 =	vadd.s32 v0, v3  }
.Ltmp0:
0x26: {  	[tilespmem:s31+$0x0] =	vst v3;
	(pc) =	sbr.rel @p0 .LBB2_2-.Ltmp0, $2  }
0x27: {  	v3 =	vld.idx.msk [tilespmem:v2+s3+$0x0], $0xffff;
	_ =	sdelay $0x2  }
0x28: {  	v2 =	vmov s2;
	s2 =	sadd.s32 $0x1, s2  }
0x29: {  	_ =	sdelay $0x1  }
0x2a: {  	s2 =	sadd.s32 $0x10, s31;
	v3 =	vadd.s32 v0, v3  }
0x2b: {  	[tilespmem:s2+$0x0] =	vst v3  }
0x2c: {  	v2 =	vld.idx.msk [tilespmem:v2+s3+$0x0], $0xffff;
	_ =	sdelay $0x4  }
0x2d: {  	s2 =	sadd.s32 $0x10, s2;
	v2 =	vadd.s32 v0, v2  }
0x2e: {  	s0 =	simm.s32 $0x4380;
	[tilespmem:s2+$0x0] =	vst v2  }
0x2f: {  	[tilespmem:s0], [sflag:$0x1] =	stream.indirect.gather [hbm4b:s1+s10], $0x1, s15, s10, $0xb8;
	[tilespmem:$0x6480] =	vst v63  }
0x30: {  	s31 =	simm.s32 $0x4400;
	s0 =	simm.s32 $0x2400  }
0x31: {  	[tilespmem:s31], [sflag:$0x1] =	stream.indirect.gather [hbm4b:s1+s10], $0x1, s0, s10, $0xb8;
	[tilespmem:$0x6480] =	vst v63  }
0x32: {  	s0 =	simm.s32 $0x2480;
	s31 =	simm.s32 $0x4480  }
0x33: {  	[tilespmem:s31], [sflag:$0x1] =	stream.indirect.gather [hbm4b:s1+s10], $0x1, s0, s10, $0xb8;
	[tilespmem:$0x6480] =	vst v63  }
0x34: {  	s0 =	simm.s32 $0x2500;
	s31 =	simm.s32 $0x4500  }
0x35: {  	[tilespmem:s31], [sflag:$0x1] =	stream.indirect.gather [hbm4b:s1+s10], $0x1, s0, s10, $0xb8;
	[tilespmem:$0x6480] =	vst v63  }
0x36: {  	s0 =	simm.s32 $0x2580;
	s31 =	simm.s32 $0x4580  }
0x37: {  	[tilespmem:s31], [sflag:$0x1] =	stream.indirect.gather [hbm4b:s1+s10], $0x1, s0, s10, $0xb8;
	[tilespmem:$0x6480] =	vst v63  }
0x38: {  	s2 =	simm.s32 $0x40;
	s31 =	simm.s32 $0x2600;
	s0 =	simm.s32 $0x4600  }
0x39: {  	v2 =	vmov s2;
	[tilespmem:s0], [sflag:$0x1] =	stream.indirect.gather [hbm4b:s1+s10], $0x1, s31, s10, $0xb8;
	[tilespmem:$0x6480] =	vst v63  }
0x3a: {  	s2 =	simm.s32 $0x4680;
	s0 =	simm.s32 $0x2680  }
0x3b: {  	[tilespmem:s2], [sflag:$0x1] =	stream.indirect.gather [hbm4b:s1+s10], $0x1, s0, s10, $0xb8;
	[tilespmem:$0x6480] =	vst v63  }
0x3c: {  	s0 =	simm.s32 $0x2700;
	s2 =	simm.s32 $0x4700  }
0x3d: {  	[tilespmem:s2], [sflag:$0x1] =	stream.indirect.gather [hbm4b:s1+s10], $0x1, s0, s10, $0xb8;
	[tilespmem:$0x6480] =	vst v63  }
0x3e: {  	v2 =	vld.idx.msk [tilespmem:v2+s3+$0x0], $0xffff  }
0x3f: {  	s0 =	simm.s32 $0x41  }
0x40: {  	v3 =	vmov s0;
	_ =	sdelay $0x2  }
0x41: {  	s31 =	simm.s32 $0x2780;
	v2 =	vadd.s32 v0, v2  }
0x42: {  	[tilespmem:s31+$0x0] =	vst v2  }
0x43: {  	v3 =	vld.idx.msk [tilespmem:v3+s3+$0x0], $0xffff  }
0x44: {  	s0 =	simm.s32 $0x42  }
0x45: {  	s2 =	simm.s32 $0x43;
	v2 =	vmov s0  }
.LBB2_4:
0x46: {  	p0 =	sne.s32 s2, $0x7F;
	_ =	sdelay $0x1  }
0x47: {  	s31 =	sadd.s32 $0x10, s31;
	v3 =	vadd.s32 v0, v3  }
.Ltmp1:
0x48: {  	[tilespmem:s31+$0x0] =	vst v3;
	(pc) =	sbr.rel @p0 .LBB2_4-.Ltmp1, $2  }
0x49: {  	v3 =	vld.idx.msk [tilespmem:v2+s3+$0x0], $0xffff;
	_ =	sdelay $0x2  }
0x4a: {  	v2 =	vmov s2;
	s2 =	sadd.s32 $0x1, s2  }
0x4b: {  	_ =	sdelay $0x1  }
0x4c: {  	s2 =	sadd.s32 $0x10, s31;
	v3 =	vadd.s32 v0, v3  }
0x4d: {  	[tilespmem:s2+$0x0] =	vst v3  }
0x4e: {  	v2 =	vld.idx.msk [tilespmem:v2+s3+$0x0], $0xffff;
	_ =	sdelay $0x4  }
0x4f: {  	s2 =	sadd.s32 $0x10, s2;
	v2 =	vadd.s32 v0, v2  }
0x50: {  	s0 =	simm.s32 $0x2780;
	s31 =	simm.s32 $0x4780;
	[tilespmem:s2+$0x0] =	vst v2;
	s2 =	simm.s32 $0x80  }
0x51: {  	[tilespmem:s31], [sflag:$0x2] =	stream.indirect.gather [hbm4b:s1+s2], $0x1, s0, s2, $0xb8;
	[tilespmem:$0x6480] =	vst v63  }
0x52: {  	s0 =	simm.s32 $0x2800;
	s31 =	simm.s32 $0x4800  }
0x53: {  	[tilespmem:s31], [sflag:$0x2] =	stream.indirect.gather [hbm4b:s1+s2], $0x1, s0, s2, $0xb8;
	[tilespmem:$0x6480] =	vst v63  }
0x54: {  	s0 =	simm.s32 $0x2880;
	s31 =	simm.s32 $0x4880  }
0x55: {  	[tilespmem:s31], [sflag:$0x2] =	stream.indirect.gather [hbm4b:s1+s2], $0x1, s0, s2, $0xb8;
	[tilespmem:$0x6480] =	vst v63  }
0x56: {  	s0 =	simm.s32 $0x2900;
	s31 =	simm.s32 $0x4900  }
0x57: {  	[tilespmem:s31], [sflag:$0x2] =	stream.indirect.gather [hbm4b:s1+s2], $0x1, s0, s2, $0xb8;
	[tilespmem:$0x6480] =	vst v63  }
0x58: {  	s0 =	simm.s32 $0x2980;
	s31 =	simm.s32 $0x4980  }
0x59: {  	[tilespmem:s31], [sflag:$0x2] =	stream.indirect.gather [hbm4b:s1+s2], $0x1, s0, s2, $0xb8;
	[tilespmem:$0x6480] =	vst v63  }
0x5a: {  	s0 =	simm.s32 $0x2A00;
	s31 =	simm.s32 $0x4A00  }
0x5b: {  	v2 =	vmov s2;
	[tilespmem:s31], [sflag:$0x2] =	stream.indirect.gather [hbm4b:s1+s2], $0x1, s0, s2, $0xb8;
	[tilespmem:$0x6480] =	vst v63  }
0x5c: {  	s0 =	simm.s32 $0x2A80;
	s31 =	simm.s32 $0x4A80  }
0x5d: {  	[tilespmem:s31], [sflag:$0x2] =	stream.indirect.gather [hbm4b:s1+s2], $0x1, s0, s2, $0xb8;
	[tilespmem:$0x6480] =	vst v63  }
0x5e: {  	s0 =	simm.s32 $0x2B00;
	s31 =	simm.s32 $0x4B00  }
0x5f: {  	[tilespmem:s31], [sflag:$0x2] =	stream.indirect.gather [hbm4b:s1+s2], $0x1, s0, s2, $0xb8;
	[tilespmem:$0x6480] =	vst v63  }
0x60: {  	v2 =	vld.idx.msk [tilespmem:v2+s3+$0x0], $0xffff  }
0x61: {  	s0 =	simm.s32 $0x81  }
0x62: {  	v3 =	vmov s0;
	_ =	sdelay $0x2  }
0x63: {  	s31 =	simm.s32 $0x2B80;
	v2 =	vadd.s32 v0, v2  }
0x64: {  	[tilespmem:s31+$0x0] =	vst v2  }
0x65: {  	v3 =	vld.idx.msk [tilespmem:v3+s3+$0x0], $0xffff  }
0x66: {  	s0 =	simm.s32 $0x82  }
0x67: {  	s2 =	simm.s32 $0x83;
	v2 =	vmov s0  }
.LBB2_6:
0x68: {  	p0 =	sne.s32 s2, $0xBF;
	_ =	sdelay $0x1  }
0x69: {  	s31 =	sadd.s32 $0x10, s31;
	v3 =	vadd.s32 v0, v3  }
.Ltmp2:
0x6a: {  	[tilespmem:s31+$0x0] =	vst v3;
	(pc) =	sbr.rel @p0 .LBB2_6-.Ltmp2, $2  }
0x6b: {  	v3 =	vld.idx.msk [tilespmem:v2+s3+$0x0], $0xffff;
	_ =	sdelay $0x2  }
0x6c: {  	v2 =	vmov s2;
	s2 =	sadd.s32 $0x1, s2  }
0x6d: {  	_ =	sdelay $0x1  }
0x6e: {  	s2 =	sadd.s32 $0x10, s31;
	v3 =	vadd.s32 v0, v3  }
0x6f: {  	[tilespmem:s2+$0x0] =	vst v3  }
0x70: {  	v2 =	vld.idx.msk [tilespmem:v2+s3+$0x0], $0xffff;
	_ =	sdelay $0x4  }
0x71: {  	s2 =	sadd.s32 $0x10, s2;
	v2 =	vadd.s32 v0, v2  }
0x72: {  	s0 =	simm.s32 $0x2B80;
	[tilespmem:s2+$0x0] =	vst v2;
	s2 =	simm.s32 $0x4B80  }
0x73: {  	[tilespmem:s2], [sflag:$0x3] =	stream.indirect.gather [hbm4b:s1+s10], $0x1, s0, s10, $0xb8;
	[tilespmem:$0x6480] =	vst v63  }
0x74: {  	s0 =	simm.s32 $0x2C00;
	s2 =	simm.s32 $0x4C00  }
0x75: {  	[tilespmem:s2], [sflag:$0x3] =	stream.indirect.gather [hbm4b:s1+s10], $0x1, s0, s10, $0xb8;
	[tilespmem:$0x6480] =	vst v63  }
0x76: {  	s0 =	simm.s32 $0x2C80;
	s2 =	simm.s32 $0x4C80  }
0x77: {  	[tilespmem:s2], [sflag:$0x3] =	stream.indirect.gather [hbm4b:s1+s10], $0x1, s0, s10, $0xb8;
	[tilespmem:$0x6480] =	vst v63  }
0x78: {  	s0 =	simm.s32 $0x2D00;
	s2 =	simm.s32 $0x4D00  }
0x79: {  	[tilespmem:s2], [sflag:$0x3] =	stream.indirect.gather [hbm4b:s1+s10], $0x1, s0, s10, $0xb8;
	[tilespmem:$0x6480] =	vst v63  }
0x7a: {  	s0 =	simm.s32 $0x2D80;
	s2 =	simm.s32 $0x4D80  }
0x7b: {  	[tilespmem:s2], [sflag:$0x3] =	stream.indirect.gather [hbm4b:s1+s10], $0x1, s0, s10, $0xb8;
	[tilespmem:$0x6480] =	vst v63  }
0x7c: {  	s31 =	simm.s32 $0x4E00;
	s2 =	simm.s32 $0xC0;
	s0 =	simm.s32 $0x2E00  }
0x7d: {  	v2 =	vmov s2;
	[tilespmem:s31], [sflag:$0x3] =	stream.indirect.gather [hbm4b:s1+s10], $0x1, s0, s10, $0xb8;
	[tilespmem:$0x6480] =	vst v63  }
0x7e: {  	s2 =	simm.s32 $0x4E80;
	s0 =	simm.s32 $0x2E80  }
0x7f: {  	[tilespmem:s2], [sflag:$0x3] =	stream.indirect.gather [hbm4b:s1+s10], $0x1, s0, s10, $0xb8;
	[tilespmem:$0x6480] =	vst v63  }
0x80: {  	s0 =	simm.s32 $0x2F00;
	s2 =	simm.s32 $0x4F00  }
0x81: {  	[tilespmem:s2], [sflag:$0x3] =	stream.indirect.gather [hbm4b:s1+s10], $0x1, s0, s10, $0xb8;
	[tilespmem:$0x6480] =	vst v63  }
0x82: {  	v2 =	vld.idx.msk [tilespmem:v2+s3+$0x0], $0xffff  }
0x83: {  	s0 =	simm.s32 $0xC1  }
0x84: {  	v3 =	vmov s0;
	_ =	sdelay $0x2  }
0x85: {  	s31 =	simm.s32 $0x2F80;
	v2 =	vadd.s32 v0, v2  }
0x86: {  	[tilespmem:s31+$0x0] =	vst v2  }
0x87: {  	v3 =	vld.idx.msk [tilespmem:v3+s3+$0x0], $0xffff  }
0x88: {  	s0 =	simm.s32 $0xC2  }
0x89: {  	s2 =	simm.s32 $0xC3;
	v2 =	vmov s0  }
.LBB2_8:
0x8a: {  	p0 =	sne.s32 s2, $0xFF;
	_ =	sdelay $0x1  }
0x8b: {  	s31 =	sadd.s32 $0x10, s31;
	v3 =	vadd.s32 v0, v3  }
.Ltmp3:
0x8c: {  	[tilespmem:s31+$0x0] =	vst v3;
	(pc) =	sbr.rel @p0 .LBB2_8-.Ltmp3, $2  }
0x8d: {  	v3 =	vld.idx.msk [tilespmem:v2+s3+$0x0], $0xffff;
	_ =	sdelay $0x2  }
0x8e: {  	v2 =	vmov s2;
	s2 =	sadd.s32 $0x1, s2  }
0x8f: {  	_ =	sdelay $0x1  }
0x90: {  	s2 =	sadd.s32 $0x10, s31;
	v3 =	vadd.s32 v0, v3  }
0x91: {  	[tilespmem:s2+$0x0] =	vst v3  }
0x92: {  	v2 =	vld.idx.msk [tilespmem:v2+s3+$0x0], $0xffff;
	_ =	sdelay $0x4  }
0x93: {  	s2 =	sadd.s32 $0x10, s2;
	v2 =	vadd.s32 v0, v2  }
0x94: {  	s0 =	simm.s32 $0x2F80;
	[tilespmem:s2+$0x0] =	vst v2;
	s2 =	simm.s32 $0x4F80  }
0x95: {  	[tilespmem:s2], [sflag:$0x4] =	stream.indirect.gather [hbm4b:s1+s10], $0x1, s0, s10, $0xb8;
	[tilespmem:$0x6480] =	vst v63  }
0x96: {  	s0 =	simm.s32 $0x3000;
	s2 =	simm.s32 $0x5000  }
0x97: {  	[tilespmem:s2], [sflag:$0x4] =	stream.indirect.gather [hbm4b:s1+s10], $0x1, s0, s10, $0xb8;
	[tilespmem:$0x6480] =	vst v63  }
0x98: {  	s0 =	simm.s32 $0x3080;
	s2 =	simm.s32 $0x5080  }
0x99: {  	[tilespmem:s2], [sflag:$0x4] =	stream.indirect.gather [hbm4b:s1+s10], $0x1, s0, s10, $0xb8;
	[tilespmem:$0x6480] =	vst v63  }
0x9a: {  	s0 =	simm.s32 $0x3100;
	s2 =	simm.s32 $0x5100  }
0x9b: {  	[tilespmem:s2], [sflag:$0x4] =	stream.indirect.gather [hbm4b:s1+s10], $0x1, s0, s10, $0xb8;
	[tilespmem:$0x6480] =	vst v63  }
0x9c: {  	s0 =	simm.s32 $0x3180;
	s2 =	simm.s32 $0x5180  }
0x9d: {  	[tilespmem:s2], [sflag:$0x4] =	stream.indirect.gather [hbm4b:s1+s10], $0x1, s0, s10, $0xb8;
	[tilespmem:$0x6480] =	vst v63  }
0x9e: {  	s31 =	simm.s32 $0x5200;
	s2 =	simm.s32 $0x100;
	s0 =	simm.s32 $0x3200  }
0x9f: {  	v2 =	vmov s2;
	[tilespmem:s31], [sflag:$0x4] =	stream.indirect.gather [hbm4b:s1+s10], $0x1, s0, s10, $0xb8;
	[tilespmem:$0x6480] =	vst v63  }
0xa0: {  	s2 =	simm.s32 $0x5280;
	s0 =	simm.s32 $0x3280  }
0xa1: {  	[tilespmem:s2], [sflag:$0x4] =	stream.indirect.gather [hbm4b:s1+s10], $0x1, s0, s10, $0xb8;
	[tilespmem:$0x6480] =	vst v63  }
0xa2: {  	s0 =	simm.s32 $0x3300;
	s2 =	simm.s32 $0x5300  }
0xa3: {  	[tilespmem:s2], [sflag:$0x4] =	stream.indirect.gather [hbm4b:s1+s10], $0x1, s0, s10, $0xb8;
	[tilespmem:$0x6480] =	vst v63  }
0xa4: {  	v2 =	vld.idx.msk [tilespmem:v2+s3+$0x0], $0xffff  }
0xa5: {  	s0 =	simm.s32 $0x101  }
0xa6: {  	v3 =	vmov s0;
	_ =	sdelay $0x2  }
0xa7: {  	s31 =	simm.s32 $0x3380;
	v2 =	vadd.s32 v0, v2  }
0xa8: {  	[tilespmem:s31+$0x0] =	vst v2  }
0xa9: {  	v3 =	vld.idx.msk [tilespmem:v3+s3+$0x0], $0xffff  }
0xaa: {  	s0 =	simm.s32 $0x102  }
0xab: {  	s2 =	simm.s32 $0x103;
	v2 =	vmov s0  }
.LBB2_10:
0xac: {  	p0 =	sne.s32 s2, $0x13F;
	_ =	sdelay $0x1  }
0xad: {  	s31 =	sadd.s32 $0x10, s31;
	v3 =	vadd.s32 v0, v3  }
.Ltmp4:
0xae: {  	[tilespmem:s31+$0x0] =	vst v3;
	(pc) =	sbr.rel @p0 .LBB2_10-.Ltmp4, $2  }
0xaf: {  	v3 =	vld.idx.msk [tilespmem:v2+s3+$0x0], $0xffff;
	_ =	sdelay $0x2  }
0xb0: {  	v2 =	vmov s2;
	s2 =	sadd.s32 $0x1, s2  }
0xb1: {  	_ =	sdelay $0x1  }
0xb2: {  	s2 =	sadd.s32 $0x10, s31;
	v3 =	vadd.s32 v0, v3  }
0xb3: {  	[tilespmem:s2+$0x0] =	vst v3  }
0xb4: {  	v2 =	vld.idx.msk [tilespmem:v2+s3+$0x0], $0xffff;
	_ =	sdelay $0x4  }
0xb5: {  	s2 =	sadd.s32 $0x10, s2;
	v2 =	vadd.s32 v0, v2  }
0xb6: {  	s0 =	simm.s32 $0x3380;
	[tilespmem:s2+$0x0] =	vst v2;
	s2 =	simm.s32 $0x5380  }
0xb7: {  	[tilespmem:s2], [sflag:$0x5] =	stream.indirect.gather [hbm4b:s1+s10], $0x1, s0, s10, $0xb8;
	[tilespmem:$0x6480] =	vst v63  }
0xb8: {  	s0 =	simm.s32 $0x3400;
	s2 =	simm.s32 $0x5400  }
0xb9: {  	[tilespmem:s2], [sflag:$0x5] =	stream.indirect.gather [hbm4b:s1+s10], $0x1, s0, s10, $0xb8;
	[tilespmem:$0x6480] =	vst v63  }
0xba: {  	s0 =	simm.s32 $0x3480;
	s2 =	simm.s32 $0x5480  }
0xbb: {  	[tilespmem:s2], [sflag:$0x5] =	stream.indirect.gather [hbm4b:s1+s10], $0x1, s0, s10, $0xb8;
	[tilespmem:$0x6480] =	vst v63  }
0xbc: {  	s0 =	simm.s32 $0x3500;
	s2 =	simm.s32 $0x5500  }
0xbd: {  	[tilespmem:s2], [sflag:$0x5] =	stream.indirect.gather [hbm4b:s1+s10], $0x1, s0, s10, $0xb8;
	[tilespmem:$0x6480] =	vst v63  }
0xbe: {  	s0 =	simm.s32 $0x3580;
	s2 =	simm.s32 $0x5580  }
0xbf: {  	[tilespmem:s2], [sflag:$0x5] =	stream.indirect.gather [hbm4b:s1+s10], $0x1, s0, s10, $0xb8;
	[tilespmem:$0x6480] =	vst v63  }
0xc0: {  	s31 =	simm.s32 $0x5600;
	s2 =	simm.s32 $0x140;
	s0 =	simm.s32 $0x3600  }
0xc1: {  	v2 =	vmov s2;
	[tilespmem:s31], [sflag:$0x5] =	stream.indirect.gather [hbm4b:s1+s10], $0x1, s0, s10, $0xb8;
	[tilespmem:$0x6480] =	vst v63  }
0xc2: {  	s2 =	simm.s32 $0x5680;
	s0 =	simm.s32 $0x3680  }
0xc3: {  	[tilespmem:s2], [sflag:$0x5] =	stream.indirect.gather [hbm4b:s1+s10], $0x1, s0, s10, $0xb8;
	[tilespmem:$0x6480] =	vst v63  }
0xc4: {  	s0 =	simm.s32 $0x3700;
	s2 =	simm.s32 $0x5700  }
0xc5: {  	[tilespmem:s2], [sflag:$0x5] =	stream.indirect.gather [hbm4b:s1+s10], $0x1, s0, s10, $0xb8;
	[tilespmem:$0x6480] =	vst v63  }
0xc6: {  	v2 =	vld.idx.msk [tilespmem:v2+s3+$0x0], $0xffff  }
0xc7: {  	s0 =	simm.s32 $0x141  }
0xc8: {  	v3 =	vmov s0;
	_ =	sdelay $0x2  }
0xc9: {  	s31 =	simm.s32 $0x3780;
	v2 =	vadd.s32 v0, v2  }
0xca: {  	[tilespmem:s31+$0x0] =	vst v2  }
0xcb: {  	v3 =	vld.idx.msk [tilespmem:v3+s3+$0x0], $0xffff  }
0xcc: {  	s0 =	simm.s32 $0x142  }
0xcd: {  	s2 =	simm.s32 $0x143;
	v2 =	vmov s0  }
.LBB2_12:
0xce: {  	p0 =	sne.s32 s2, $0x17F;
	_ =	sdelay $0x1  }
0xcf: {  	s31 =	sadd.s32 $0x10, s31;
	v3 =	vadd.s32 v0, v3  }
.Ltmp5:
0xd0: {  	[tilespmem:s31+$0x0] =	vst v3;
	(pc) =	sbr.rel @p0 .LBB2_12-.Ltmp5, $2  }
0xd1: {  	v3 =	vld.idx.msk [tilespmem:v2+s3+$0x0], $0xffff;
	_ =	sdelay $0x2  }
0xd2: {  	v2 =	vmov s2;
	s2 =	sadd.s32 $0x1, s2  }
0xd3: {  	_ =	sdelay $0x1  }
0xd4: {  	s2 =	sadd.s32 $0x10, s31;
	v3 =	vadd.s32 v0, v3  }
0xd5: {  	[tilespmem:s2+$0x0] =	vst v3  }
0xd6: {  	v2 =	vld.idx.msk [tilespmem:v2+s3+$0x0], $0xffff;
	_ =	sdelay $0x4  }
0xd7: {  	s2 =	sadd.s32 $0x10, s2;
	v2 =	vadd.s32 v0, v2  }
0xd8: {  	s0 =	simm.s32 $0x3780;
	[tilespmem:s2+$0x0] =	vst v2;
	s2 =	simm.s32 $0x5780  }
0xd9: {  	[tilespmem:s2], [sflag:$0x6] =	stream.indirect.gather [hbm4b:s1+s10], $0x1, s0, s10, $0xb8;
	[tilespmem:$0x6480] =	vst v63  }
0xda: {  	s0 =	simm.s32 $0x3800;
	s2 =	simm.s32 $0x5800  }
0xdb: {  	[tilespmem:s2], [sflag:$0x6] =	stream.indirect.gather [hbm4b:s1+s10], $0x1, s0, s10, $0xb8;
	[tilespmem:$0x6480] =	vst v63  }
0xdc: {  	s0 =	simm.s32 $0x3880;
	s2 =	simm.s32 $0x5880  }
0xdd: {  	[tilespmem:s2], [sflag:$0x6] =	stream.indirect.gather [hbm4b:s1+s10], $0x1, s0, s10, $0xb8;
	[tilespmem:$0x6480] =	vst v63  }
0xde: {  	s0 =	simm.s32 $0x3900;
	s2 =	simm.s32 $0x5900  }
0xdf: {  	[tilespmem:s2], [sflag:$0x6] =	stream.indirect.gather [hbm4b:s1+s10], $0x1, s0, s10, $0xb8;
	[tilespmem:$0x6480] =	vst v63  }
0xe0: {  	s0 =	simm.s32 $0x3980;
	s2 =	simm.s32 $0x5980  }
0xe1: {  	[tilespmem:s2], [sflag:$0x6] =	stream.indirect.gather [hbm4b:s1+s10], $0x1, s0, s10, $0xb8;
	[tilespmem:$0x6480] =	vst v63  }
0xe2: {  	s31 =	simm.s32 $0x5A00;
	s2 =	simm.s32 $0x180;
	s0 =	simm.s32 $0x3A00  }
0xe3: {  	v2 =	vmov s2;
	[tilespmem:s31], [sflag:$0x6] =	stream.indirect.gather [hbm4b:s1+s10], $0x1, s0, s10, $0xb8;
	[tilespmem:$0x6480] =	vst v63  }
0xe4: {  	s2 =	simm.s32 $0x5A80;
	s0 =	simm.s32 $0x3A80  }
0xe5: {  	[tilespmem:s2], [sflag:$0x6] =	stream.indirect.gather [hbm4b:s1+s10], $0x1, s0, s10, $0xb8;
	[tilespmem:$0x6480] =	vst v63  }
0xe6: {  	s0 =	simm.s32 $0x3B00;
	s2 =	simm.s32 $0x5B00  }
0xe7: {  	[tilespmem:s2], [sflag:$0x6] =	stream.indirect.gather [hbm4b:s1+s10], $0x1, s0, s10, $0xb8;
	[tilespmem:$0x6480] =	vst v63  }
0xe8: {  	v2 =	vld.idx.msk [tilespmem:v2+s3+$0x0], $0xffff  }
0xe9: {  	s0 =	simm.s32 $0x181  }
0xea: {  	v3 =	vmov s0;
	_ =	sdelay $0x2  }
0xeb: {  	s31 =	simm.s32 $0x3B80;
	v2 =	vadd.s32 v0, v2  }
0xec: {  	[tilespmem:s31+$0x0] =	vst v2  }
0xed: {  	v3 =	vld.idx.msk [tilespmem:v3+s3+$0x0], $0xffff  }
0xee: {  	s0 =	simm.s32 $0x182  }
0xef: {  	s2 =	simm.s32 $0x183;
	v2 =	vmov s0  }
.LBB2_14:
0xf0: {  	p0 =	sne.s32 s2, $0x1BF;
	_ =	sdelay $0x1  }
0xf1: {  	s31 =	sadd.s32 $0x10, s31;
	v3 =	vadd.s32 v0, v3  }
.Ltmp6:
0xf2: {  	[tilespmem:s31+$0x0] =	vst v3;
	(pc) =	sbr.rel @p0 .LBB2_14-.Ltmp6, $2  }
0xf3: {  	v3 =	vld.idx.msk [tilespmem:v2+s3+$0x0], $0xffff;
	_ =	sdelay $0x2  }
0xf4: {  	v2 =	vmov s2;
	s2 =	sadd.s32 $0x1, s2  }
0xf5: {  	_ =	sdelay $0x1  }
0xf6: {  	s2 =	sadd.s32 $0x10, s31;
	v3 =	vadd.s32 v0, v3  }
0xf7: {  	[tilespmem:s2+$0x0] =	vst v3  }
0xf8: {  	v2 =	vld.idx.msk [tilespmem:v2+s3+$0x0], $0xffff;
	_ =	sdelay $0x4  }
0xf9: {  	s2 =	sadd.s32 $0x10, s2;
	v2 =	vadd.s32 v0, v2  }
0xfa: {  	s0 =	simm.s32 $0x3B80;
	[tilespmem:s2+$0x0] =	vst v2;
	s2 =	simm.s32 $0x5B80  }
0xfb: {  	[tilespmem:s2], [sflag:$0x7] =	stream.indirect.gather [hbm4b:s1+s10], $0x1, s0, s10, $0xb8;
	[tilespmem:$0x6480] =	vst v63  }
0xfc: {  	s0 =	simm.s32 $0x3C00;
	s2 =	simm.s32 $0x5C00  }
0xfd: {  	[tilespmem:s2], [sflag:$0x7] =	stream.indirect.gather [hbm4b:s1+s10], $0x1, s0, s10, $0xb8;
	[tilespmem:$0x6480] =	vst v63  }
0xfe: {  	s0 =	simm.s32 $0x3C80;
	s2 =	simm.s32 $0x5C80  }
0xff: {  	[tilespmem:s2], [sflag:$0x7] =	stream.indirect.gather [hbm4b:s1+s10], $0x1, s0, s10, $0xb8;
	[tilespmem:$0x6480] =	vst v63  }
0x100: {  	s0 =	simm.s32 $0x3D00;
	s2 =	simm.s32 $0x5D00  }
0x101: {  	[tilespmem:s2], [sflag:$0x7] =	stream.indirect.gather [hbm4b:s1+s10], $0x1, s0, s10, $0xb8;
	[tilespmem:$0x6480] =	vst v63  }
0x102: {  	s0 =	simm.s32 $0x3D80;
	s2 =	simm.s32 $0x5D80  }
0x103: {  	[tilespmem:s2], [sflag:$0x7] =	stream.indirect.gather [hbm4b:s1+s10], $0x1, s0, s10, $0xb8;
	[tilespmem:$0x6480] =	vst v63  }
0x104: {  	s31 =	simm.s32 $0x5E00;
	s2 =	simm.s32 $0x1C0;
	s0 =	simm.s32 $0x3E00  }
0x105: {  	v2 =	vmov s2;
	[tilespmem:s31], [sflag:$0x7] =	stream.indirect.gather [hbm4b:s1+s10], $0x1, s0, s10, $0xb8;
	[tilespmem:$0x6480] =	vst v63  }
0x106: {  	s2 =	simm.s32 $0x5E80;
	s0 =	simm.s32 $0x3E80  }
0x107: {  	[tilespmem:s2], [sflag:$0x7] =	stream.indirect.gather [hbm4b:s1+s10], $0x1, s0, s10, $0xb8;
	[tilespmem:$0x6480] =	vst v63  }
0x108: {  	s0 =	simm.s32 $0x3F00;
	s2 =	simm.s32 $0x5F00  }
0x109: {  	[tilespmem:s2], [sflag:$0x7] =	stream.indirect.gather [hbm4b:s1+s10], $0x1, s0, s10, $0xb8;
	[tilespmem:$0x6480] =	vst v63  }
0x10a: {  	v2 =	vld.idx.msk [tilespmem:v2+s3+$0x0], $0xffff  }
0x10b: {  	s0 =	simm.s32 $0x1C1  }
0x10c: {  	v3 =	vmov s0;
	_ =	sdelay $0x2  }
0x10d: {  	s31 =	simm.s32 $0x3F80;
	v2 =	vadd.s32 v0, v2  }
0x10e: {  	[tilespmem:s31+$0x0] =	vst v2  }
0x10f: {  	v3 =	vld.idx.msk [tilespmem:v3+s3+$0x0], $0xffff  }
0x110: {  	s0 =	simm.s32 $0x1C2  }
0x111: {  	s2 =	simm.s32 $0x1C3;
	v2 =	vmov s0  }
.LBB2_16:
0x112: {  	p0 =	sne.s32 s2, $0x1F3;
	_ =	sdelay $0x1  }
0x113: {  	s31 =	sadd.s32 $0x10, s31;
	v3 =	vadd.s32 v0, v3  }
.Ltmp7:
0x114: {  	[tilespmem:s31+$0x0] =	vst v3;
	(pc) =	sbr.rel @p0 .LBB2_16-.Ltmp7, $2  }
0x115: {  	v3 =	vld.idx.msk [tilespmem:v2+s3+$0x0], $0xffff;
	_ =	sdelay $0x2  }
0x116: {  	v2 =	vmov s2;
	s2 =	sadd.s32 $0x1, s2  }
0x117: {  	_ =	sdelay $0x1  }
0x118: {  	s2 =	sadd.s32 $0x10, s31;
	v3 =	vadd.s32 v0, v3  }
0x119: {  	[tilespmem:s2+$0x0] =	vst v3  }
0x11a: {  	v2 =	vld.idx.msk [tilespmem:v2+s3+$0x0], $0xffff;
	_ =	sdelay $0x4  }
0x11b: {  	s2 =	sadd.s32 $0x10, s2;
	v2 =	vadd.s32 v0, v2  }
0x11c: {  	[tilespmem:s2+$0x0] =	vst v2  }
0x11d: {  	[tilespmem:$0x42C0] =	vst v0  }
0x11e: {  	[tilespmem:$0x42D0] =	vst v0  }
0x11f: {  	[tilespmem:$0x42E0] =	vst v0  }
0x120: {  	[tilespmem:$0x42F0] =	vst v0  }
0x121: {  	[tilespmem:$0x4300] =	vst v0  }
0x122: {  	[tilespmem:$0x4310] =	vst v0  }
0x123: {  	[tilespmem:$0x4320] =	vst v0  }
0x124: {  	[tilespmem:$0x4330] =	vst v0  }
0x125: {  	[tilespmem:$0x4340] =	vst v0  }
0x126: {  	[tilespmem:$0x4350] =	vst v0  }
0x127: {  	[tilespmem:$0x4360] =	vst v0  }
0x128: {  	s0 =	simm.s32 $0x3F80;
	s31 =	simm.s32 $0x5F80;
	[tilespmem:$0x4370] =	vst v0  }
0x129: {  	[tilespmem:s31], [sflag:$0x8] =	stream.indirect.gather [hbm4b:s1+s10], $0x1, s0, s10, $0xb8;
	[tilespmem:$0x6480] =	vst v63  }
0x12a: {  	s2 =	simm.s32 $0x4000;
	s31 =	simm.s32 $0x6000  }
0x12b: {  	[tilespmem:s31], [sflag:$0x8] =	stream.indirect.gather [hbm4b:s1+s10], $0x1, s2, s10, $0xb8;
	[tilespmem:$0x6480] =	vst v63  }
0x12c: {  	s2 =	simm.s32 $0x4080;
	s31 =	simm.s32 $0x6080  }
0x12d: {  	[tilespmem:s31], [sflag:$0x8] =	stream.indirect.gather [hbm4b:s1+s10], $0x1, s2, s10, $0xb8;
	[tilespmem:$0x6480] =	vst v63  }
0x12e: {  	s2 =	simm.s32 $0x4100;
	s31 =	simm.s32 $0x6100  }
0x12f: {  	[tilespmem:s31], [sflag:$0x8] =	stream.indirect.gather [hbm4b:s1+s10], $0x1, s2, s10, $0xb8;
	[tilespmem:$0x6480] =	vst v63  }
0x130: {  	s2 =	simm.s32 $0x4180;
	s31 =	simm.s32 $0x6180  }
0x131: {  	[tilespmem:s31], [sflag:$0x8] =	stream.indirect.gather [hbm4b:s1+s10], $0x1, s2, s10, $0xb8;
	[tilespmem:$0x6480] =	vst v63  }
0x132: {  	s2 =	simm.s32 $0x4200;
	s31 =	simm.s32 $0x6200  }
0x133: {  	[tilespmem:s31], [sflag:$0x8] =	stream.indirect.gather [hbm4b:s1+s10], $0x1, s2, s10, $0xb8;
	[tilespmem:$0x6480] =	vst v63  }
0x134: {  	s2 =	simm.s32 $0x4280;
	s31 =	simm.s32 $0x6280  }
0x135: {  	[tilespmem:s31], [sflag:$0x8] =	stream.indirect.gather [hbm4b:s1+s10], $0x1, s2, s10, $0xb8;
	[tilespmem:$0x6480] =	vst v63  }
0x136: {  	_ = 	snop  }
0x137: {  	[tilespmem:s16], [sflag:$0x8] =	stream.indirect.gather [hbm4b:s1+s10], $0x1, s13, s10, $0xb8;
	[tilespmem:$0x6480] =	vst v63  }
0x138: {  	_ =	swait.ge [sflag:s17], $0x200  }
0x139: {  	[sflag:s17] =	ssyncset.done $0x0  }
0x13a: {  	[sflag:s17] =	ssyncadd.s32 $0xFFFFFE00  }
0x13b: {  	v2 =	vld [tilespmem:$0x2180];
	_ =	sdelay $0x1  }
0x13c: {  	v3 =	vld [tilespmem:$0x2190];
	_ =	sdelay $0x1  }
0x13d: {  	v4 =	vld [tilespmem:$0x21A0]  }
0x13e: {  	v2 =	vadd.f32 $0.0e+00, v2  }
0x13f: {  	v5 =	vld [tilespmem:$0x21B0]  }
0x140: {  	v2 =	vadd.f32 v3, v2  }
0x141: {  	v3 =	vld [tilespmem:$0x21C0]  }
0x142: {  	v2 =	vadd.f32 v4, v2  }
0x143: {  	v4 =	vld [tilespmem:$0x21D0]  }
0x144: {  	v2 =	vadd.f32 v5, v2  }
0x145: {  	v5 =	vld [tilespmem:$0x21E0]  }
0x146: {  	v2 =	vadd.f32 v3, v2  }
0x147: {  	v3 =	vld [tilespmem:$0x21F0]  }
0x148: {  	v2 =	vadd.f32 v4, v2  }
0x149: {  	v4 =	vld [tilespmem:$0x2200]  }
0x14a: {  	v2 =	vadd.f32 v5, v2  }
0x14b: {  	v5 =	vld [tilespmem:$0x2210]  }
0x14c: {  	v2 =	vadd.f32 v3, v2  }
0x14d: {  	v3 =	vld [tilespmem:$0x2220]  }
0x14e: {  	v2 =	vadd.f32 v4, v2  }
0x14f: {  	v4 =	vld [tilespmem:$0x2230]  }
0x150: {  	v2 =	vadd.f32 v5, v2  }
0x151: {  	v5 =	vld [tilespmem:$0x2240]  }
0x152: {  	v2 =	vadd.f32 v3, v2  }
0x153: {  	v3 =	vld [tilespmem:$0x2250]  }
0x154: {  	v2 =	vadd.f32 v4, v2  }
0x155: {  	v4 =	vld [tilespmem:$0x2260]  }
0x156: {  	v2 =	vadd.f32 v5, v2  }
0x157: {  	v5 =	vld [tilespmem:$0x2270]  }
0x158: {  	v2 =	vadd.f32 v3, v2  }
0x159: {  	v3 =	vld [tilespmem:$0x2280]  }
0x15a: {  	v2 =	vadd.f32 v4, v2  }
0x15b: {  	v4 =	vld [tilespmem:$0x2290]  }
0x15c: {  	v2 =	vadd.f32 v5, v2  }
0x15d: {  	v5 =	vld [tilespmem:$0x22A0]  }
0x15e: {  	v2 =	vadd.f32 v3, v2  }
0x15f: {  	v3 =	vld [tilespmem:$0x22B0]  }
0x160: {  	v2 =	vadd.f32 v4, v2  }
0x161: {  	v4 =	vld [tilespmem:$0x22C0]  }
0x162: {  	v2 =	vadd.f32 v5, v2  }
0x163: {  	v5 =	vld [tilespmem:$0x22D0]  }
0x164: {  	v2 =	vadd.f32 v3, v2  }
0x165: {  	v3 =	vld [tilespmem:$0x22E0]  }
0x166: {  	v2 =	vadd.f32 v4, v2  }
0x167: {  	v4 =	vld [tilespmem:$0x22F0]  }
0x168: {  	v2 =	vadd.f32 v5, v2  }
0x169: {  	v5 =	vld [tilespmem:$0x2300]  }
0x16a: {  	v2 =	vadd.f32 v3, v2  }
0x16b: {  	v3 =	vld [tilespmem:$0x2310]  }
0x16c: {  	v2 =	vadd.f32 v4, v2  }
0x16d: {  	v4 =	vld [tilespmem:$0x2320]  }
0x16e: {  	v2 =	vadd.f32 v5, v2  }
0x16f: {  	v5 =	vld [tilespmem:$0x2330]  }
0x170: {  	v2 =	vadd.f32 v3, v2  }
0x171: {  	v3 =	vld [tilespmem:$0x2340]  }
0x172: {  	v2 =	vadd.f32 v4, v2  }
0x173: {  	v4 =	vld [tilespmem:$0x2350]  }
0x174: {  	v2 =	vadd.f32 v5, v2  }
0x175: {  	v5 =	vld [tilespmem:$0x2360]  }
0x176: {  	v2 =	vadd.f32 v3, v2;
	v3 =	vld.idx.msk [tilespmem:v1+s14+$0x0], $0xf;
	_ =	sdelay $0x1  }
0x177: {  	v2 =	vadd.f32 v4, v2;
	_ =	sdelay $0x1  }
0x178: {  	v2 =	vadd.f32 v5, v2  }
0x179: {  	v3 =	vnsel vm0, $0x0, v3  }
0x17a: {  	v2 =	vadd.f32 v3, v2;
	_ =	sdelay $0x1  }
0x17b: {  	s0 =	simm.s32 $0x0;
	[tilespmem:$0x6400] =	vst v2  }
0x17c: {  	[hbm4b:s7+s0] =	stream.linear.scatter [tilespmem:s18], [sflag:$0xB], $0x80, $0x38;
	[tilespmem:$0x6480] =	vst v63  }
0x17d: {  	_ =	swait.ge [sflag:s12], $0x80  }
0x17e: {  	[sflag:s12] =	ssyncset.done $0x0  }
0x17f: {  	[sflag:s12] =	ssyncadd.s32 $0xFFFFFF80  }
0x180: {  	_ =	swait.ge [sflag:s19], $0x1F80  }
0x181: {  	[sflag:s19] =	ssyncset.done $0x0  }
0x182: {  	[sflag:s19] =	ssyncadd.s32 $0xFFFFE080  }
0x183: {  	_ =	swait.ge [sflag:s20], $0x80  }
0x184: {  	[sflag:s20] =	ssyncset.done $0x0  }
0x185: {  	[sflag:s20] =	ssyncadd.s32 $0xFFFFFF80  }
0x186: {  	_ =	swait.ge [sflag:s20], $0x80  }
0x187: {  	[sflag:s20] =	ssyncset.done $0x0  }
0x188: {  	[sflag:s20] =	ssyncadd.s32 $0xFFFFFF80  }
0x189: {  	_ =	swait.ge [sflag:s20], $0x80  }
0x18a: {  	[sflag:s20] =	ssyncset.done $0x0  }
0x18b: {  	[sflag:s20] =	ssyncadd.s32 $0xFFFFFF80  }
0x18c: {  	_ =	swait.ge [sflag:s20], $0x80  }
0x18d: {  	[sflag:s20] =	ssyncset.done $0x0  }
0x18e: {  	[sflag:s20] =	ssyncadd.s32 $0xFFFFFF80  }
0x18f: {  	_ =	swait.ge [sflag:s20], $0x80  }
0x190: {  	[sflag:s20] =	ssyncset.done $0x0  }
0x191: {  	[sflag:s20] =	ssyncadd.s32 $0xFFFFFF80  }
0x192: {  	_ =	swait.ge [sflag:s20], $0x80  }
0x193: {  	[sflag:s20] =	ssyncset.done $0x0  }
0x194: {  	[sflag:s20] =	ssyncadd.s32 $0xFFFFFF80  }
0x195: {  	_ =	swait.ge [sflag:s20], $0x80  }
0x196: {  	[sflag:s20] =	ssyncset.done $0x0  }
0x197: {  	[sflag:s20] =	ssyncadd.s32 $0xFFFFFF80  }
0x198: {  	_ =	swait.ge [sflag:s20], $0x80  }
0x199: {  	[sflag:s20] =	ssyncset.done $0x0  }
0x19a: {  	s31 =	simm.s32 $0x0;
	[sflag:s20] =	ssyncadd.s32 $0xFFFFFF80  }
0x19b: {  	v3 =	vld [tilespmem:s31+$0x4380]  }
0x19c: {  	v4 =	vld [tilespmem:s31+$0x200];
	_ =	sdelay $0x1  }
0x19d: {  	s2 =	simm.s32 $0x40;
	v2 =	vimm.f32 $0.0e+00  }
.LBB2_18:
0x19e: {  	p0 =	sne.s32 s2, $0xFC0  }
.Ltmp8:
0x19f: {  	s31 =	sshra.s32 s2, $0x2;
	(pc) =	sbr.rel @p0 .LBB2_18-.Ltmp8, $4  }
0x1a0: {  	s2 =	sadd.s32 $0x40, s2;
	v5 =	vsub.f32 v3, v4;
	v3 =	vld [tilespmem:s31+$0x4380]  }
0x1a1: {  	v4 =	vld [tilespmem:s31+$0x200]  }
0x1a2: {  	v5 =	vand.u32 $0x7FFFFFFF, v5  }
0x1a3: {  	v2 =	vadd.f32 v5, v2  }
0x1a4: {  	_ =	swait.ge [sflag:s21], $0x80  }
0x1a5: {  	[sflag:s21] =	ssyncset.done $0x0  }
0x1a6: {  	[sflag:s21] =	ssyncadd.s32 $0xFFFFFF80  }
0x1a7: {  	_ =	swait.ge [sflag:s21], $0x80  }
0x1a8: {  	[sflag:s21] =	ssyncset.done $0x0  }
0x1a9: {  	[sflag:s21] =	ssyncadd.s32 $0xFFFFFF80  }
0x1aa: {  	_ =	swait.ge [sflag:s21], $0x80  }
0x1ab: {  	[sflag:s21] =	ssyncset.done $0x0  }
0x1ac: {  	[sflag:s21] =	ssyncadd.s32 $0xFFFFFF80  }
0x1ad: {  	_ =	swait.ge [sflag:s21], $0x80  }
0x1ae: {  	[sflag:s21] =	ssyncset.done $0x0  }
0x1af: {  	[sflag:s21] =	ssyncadd.s32 $0xFFFFFF80  }
0x1b0: {  	_ =	swait.ge [sflag:s21], $0x80  }
0x1b1: {  	[sflag:s21] =	ssyncset.done $0x0  }
0x1b2: {  	[sflag:s21] =	ssyncadd.s32 $0xFFFFFF80  }
0x1b3: {  	_ =	swait.ge [sflag:s21], $0x80  }
0x1b4: {  	[sflag:s21] =	ssyncset.done $0x0  }
0x1b5: {  	[sflag:s21] =	ssyncadd.s32 $0xFFFFFF80  }
0x1b6: {  	_ =	swait.ge [sflag:s21], $0x80  }
0x1b7: {  	[sflag:s21] =	ssyncset.done $0x0  }
0x1b8: {  	[sflag:s21] =	ssyncadd.s32 $0xFFFFFF80  }
0x1b9: {  	_ =	swait.ge [sflag:s21], $0x80  }
0x1ba: {  	v3 =	vsub.f32 v3, v4;
	[sflag:s21] =	ssyncset.done $0x0  }
0x1bb: {  	s31 =	simm.s32 $0x0;
	[sflag:s21] =	ssyncadd.s32 $0xFFFFFF80  }
0x1bc: {  	v4 =	vand.u32 $0x7FFFFFFF, v3;
	v3 =	vld [tilespmem:s31+$0x4780]  }
0x1bd: {  	v2 =	vadd.f32 v4, v2;
	v4 =	vld [tilespmem:s31+$0x600];
	_ =	sdelay $0x1  }
0x1be: {  	s2 =	simm.s32 $0x40  }
.LBB2_20:
0x1bf: {  	p0 =	sne.s32 s2, $0xFC0  }
.Ltmp9:
0x1c0: {  	s31 =	sshra.s32 s2, $0x2;
	(pc) =	sbr.rel @p0 .LBB2_20-.Ltmp9, $4  }
0x1c1: {  	s2 =	sadd.s32 $0x40, s2;
	v5 =	vsub.f32 v3, v4;
	v3 =	vld [tilespmem:s31+$0x4780]  }
0x1c2: {  	v4 =	vld [tilespmem:s31+$0x600]  }
0x1c3: {  	v5 =	vand.u32 $0x7FFFFFFF, v5  }
0x1c4: {  	v2 =	vadd.f32 v5, v2  }
0x1c5: {  	_ =	swait.ge [sflag:s22], $0x80  }
0x1c6: {  	[sflag:s22] =	ssyncset.done $0x0  }
0x1c7: {  	[sflag:s22] =	ssyncadd.s32 $0xFFFFFF80  }
0x1c8: {  	_ =	swait.ge [sflag:s22], $0x80  }
0x1c9: {  	[sflag:s22] =	ssyncset.done $0x0  }
0x1ca: {  	[sflag:s22] =	ssyncadd.s32 $0xFFFFFF80  }
0x1cb: {  	_ =	swait.ge [sflag:s22], $0x80  }
0x1cc: {  	[sflag:s22] =	ssyncset.done $0x0  }
0x1cd: {  	[sflag:s22] =	ssyncadd.s32 $0xFFFFFF80  }
0x1ce: {  	_ =	swait.ge [sflag:s22], $0x80  }
0x1cf: {  	[sflag:s22] =	ssyncset.done $0x0  }
0x1d0: {  	[sflag:s22] =	ssyncadd.s32 $0xFFFFFF80  }
0x1d1: {  	_ =	swait.ge [sflag:s22], $0x80  }
0x1d2: {  	[sflag:s22] =	ssyncset.done $0x0  }
0x1d3: {  	[sflag:s22] =	ssyncadd.s32 $0xFFFFFF80  }
0x1d4: {  	_ =	swait.ge [sflag:s22], $0x80  }
0x1d5: {  	[sflag:s22] =	ssyncset.done $0x0  }
0x1d6: {  	[sflag:s22] =	ssyncadd.s32 $0xFFFFFF80  }
0x1d7: {  	_ =	swait.ge [sflag:s22], $0x80  }
0x1d8: {  	[sflag:s22] =	ssyncset.done $0x0  }
0x1d9: {  	[sflag:s22] =	ssyncadd.s32 $0xFFFFFF80  }
0x1da: {  	_ =	swait.ge [sflag:s22], $0x80  }
0x1db: {  	v3 =	vsub.f32 v3, v4;
	[sflag:s22] =	ssyncset.done $0x0  }
0x1dc: {  	s31 =	simm.s32 $0x0;
	[sflag:s22] =	ssyncadd.s32 $0xFFFFFF80  }
0x1dd: {  	v4 =	vand.u32 $0x7FFFFFFF, v3;
	v3 =	vld [tilespmem:s31+$0x4B80]  }
0x1de: {  	v2 =	vadd.f32 v4, v2;
	v4 =	vld [tilespmem:s31+$0xA00];
	_ =	sdelay $0x1  }
0x1df: {  	s2 =	simm.s32 $0x40  }
.LBB2_22:
0x1e0: {  	p0 =	sne.s32 s2, $0xFC0  }
.Ltmp10:
0x1e1: {  	s31 =	sshra.s32 s2, $0x2;
	(pc) =	sbr.rel @p0 .LBB2_22-.Ltmp10, $4  }
0x1e2: {  	s2 =	sadd.s32 $0x40, s2;
	v5 =	vsub.f32 v3, v4;
	v3 =	vld [tilespmem:s31+$0x4B80]  }
0x1e3: {  	v4 =	vld [tilespmem:s31+$0xA00]  }
0x1e4: {  	v5 =	vand.u32 $0x7FFFFFFF, v5  }
0x1e5: {  	v2 =	vadd.f32 v5, v2  }
0x1e6: {  	_ =	swait.ge [sflag:s23], $0x80  }
0x1e7: {  	[sflag:s23] =	ssyncset.done $0x0  }
0x1e8: {  	[sflag:s23] =	ssyncadd.s32 $0xFFFFFF80  }
0x1e9: {  	_ =	swait.ge [sflag:s23], $0x80  }
0x1ea: {  	[sflag:s23] =	ssyncset.done $0x0  }
0x1eb: {  	[sflag:s23] =	ssyncadd.s32 $0xFFFFFF80  }
0x1ec: {  	_ =	swait.ge [sflag:s23], $0x80  }
0x1ed: {  	[sflag:s23] =	ssyncset.done $0x0  }
0x1ee: {  	[sflag:s23] =	ssyncadd.s32 $0xFFFFFF80  }
0x1ef: {  	_ =	swait.ge [sflag:s23], $0x80  }
0x1f0: {  	[sflag:s23] =	ssyncset.done $0x0  }
0x1f1: {  	[sflag:s23] =	ssyncadd.s32 $0xFFFFFF80  }
0x1f2: {  	_ =	swait.ge [sflag:s23], $0x80  }
0x1f3: {  	[sflag:s23] =	ssyncset.done $0x0  }
0x1f4: {  	[sflag:s23] =	ssyncadd.s32 $0xFFFFFF80  }
0x1f5: {  	_ =	swait.ge [sflag:s23], $0x80  }
0x1f6: {  	[sflag:s23] =	ssyncset.done $0x0  }
0x1f7: {  	[sflag:s23] =	ssyncadd.s32 $0xFFFFFF80  }
0x1f8: {  	_ =	swait.ge [sflag:s23], $0x80  }
0x1f9: {  	[sflag:s23] =	ssyncset.done $0x0  }
0x1fa: {  	[sflag:s23] =	ssyncadd.s32 $0xFFFFFF80  }
0x1fb: {  	_ =	swait.ge [sflag:s23], $0x80  }
0x1fc: {  	v3 =	vsub.f32 v3, v4;
	[sflag:s23] =	ssyncset.done $0x0  }
0x1fd: {  	s31 =	simm.s32 $0x0;
	[sflag:s23] =	ssyncadd.s32 $0xFFFFFF80  }
0x1fe: {  	v4 =	vand.u32 $0x7FFFFFFF, v3;
	v3 =	vld [tilespmem:s31+$0x4F80]  }
0x1ff: {  	v2 =	vadd.f32 v4, v2;
	v4 =	vld [tilespmem:s31+$0xE00];
	_ =	sdelay $0x1  }
0x200: {  	s2 =	simm.s32 $0x40  }
.LBB2_24:
0x201: {  	p0 =	sne.s32 s2, $0xFC0  }
.Ltmp11:
0x202: {  	s31 =	sshra.s32 s2, $0x2;
	(pc) =	sbr.rel @p0 .LBB2_24-.Ltmp11, $4  }
0x203: {  	s2 =	sadd.s32 $0x40, s2;
	v5 =	vsub.f32 v3, v4;
	v3 =	vld [tilespmem:s31+$0x4F80]  }
0x204: {  	v4 =	vld [tilespmem:s31+$0xE00]  }
0x205: {  	v5 =	vand.u32 $0x7FFFFFFF, v5  }
0x206: {  	v2 =	vadd.f32 v5, v2  }
0x207: {  	_ =	swait.ge [sflag:s24], $0x80  }
0x208: {  	[sflag:s24] =	ssyncset.done $0x0  }
0x209: {  	[sflag:s24] =	ssyncadd.s32 $0xFFFFFF80  }
0x20a: {  	_ =	swait.ge [sflag:s24], $0x80  }
0x20b: {  	[sflag:s24] =	ssyncset.done $0x0  }
0x20c: {  	[sflag:s24] =	ssyncadd.s32 $0xFFFFFF80  }
0x20d: {  	_ =	swait.ge [sflag:s24], $0x80  }
0x20e: {  	[sflag:s24] =	ssyncset.done $0x0  }
0x20f: {  	[sflag:s24] =	ssyncadd.s32 $0xFFFFFF80  }
0x210: {  	_ =	swait.ge [sflag:s24], $0x80  }
0x211: {  	[sflag:s24] =	ssyncset.done $0x0  }
0x212: {  	[sflag:s24] =	ssyncadd.s32 $0xFFFFFF80  }
0x213: {  	_ =	swait.ge [sflag:s24], $0x80  }
0x214: {  	[sflag:s24] =	ssyncset.done $0x0  }
0x215: {  	[sflag:s24] =	ssyncadd.s32 $0xFFFFFF80  }
0x216: {  	_ =	swait.ge [sflag:s24], $0x80  }
0x217: {  	[sflag:s24] =	ssyncset.done $0x0  }
0x218: {  	[sflag:s24] =	ssyncadd.s32 $0xFFFFFF80  }
0x219: {  	_ =	swait.ge [sflag:s24], $0x80  }
0x21a: {  	[sflag:s24] =	ssyncset.done $0x0  }
0x21b: {  	[sflag:s24] =	ssyncadd.s32 $0xFFFFFF80  }
0x21c: {  	_ =	swait.ge [sflag:s24], $0x80  }
0x21d: {  	v3 =	vsub.f32 v3, v4;
	[sflag:s24] =	ssyncset.done $0x0  }
0x21e: {  	s31 =	simm.s32 $0x0;
	[sflag:s24] =	ssyncadd.s32 $0xFFFFFF80  }
0x21f: {  	v4 =	vand.u32 $0x7FFFFFFF, v3;
	v3 =	vld [tilespmem:s31+$0x5380]  }
0x220: {  	v2 =	vadd.f32 v4, v2;
	v4 =	vld [tilespmem:s31+$0x1200];
	_ =	sdelay $0x1  }
0x221: {  	s2 =	simm.s32 $0x40  }
.LBB2_26:
0x222: {  	p0 =	sne.s32 s2, $0xFC0  }
.Ltmp12:
0x223: {  	s31 =	sshra.s32 s2, $0x2;
	(pc) =	sbr.rel @p0 .LBB2_26-.Ltmp12, $4  }
0x224: {  	s2 =	sadd.s32 $0x40, s2;
	v5 =	vsub.f32 v3, v4;
	v3 =	vld [tilespmem:s31+$0x5380]  }
0x225: {  	v4 =	vld [tilespmem:s31+$0x1200]  }
0x226: {  	v5 =	vand.u32 $0x7FFFFFFF, v5  }
0x227: {  	v2 =	vadd.f32 v5, v2  }
0x228: {  	_ =	swait.ge [sflag:s25], $0x80  }
0x229: {  	[sflag:s25] =	ssyncset.done $0x0  }
0x22a: {  	[sflag:s25] =	ssyncadd.s32 $0xFFFFFF80  }
0x22b: {  	_ =	swait.ge [sflag:s25], $0x80  }
0x22c: {  	[sflag:s25] =	ssyncset.done $0x0  }
0x22d: {  	[sflag:s25] =	ssyncadd.s32 $0xFFFFFF80  }
0x22e: {  	_ =	swait.ge [sflag:s25], $0x80  }
0x22f: {  	[sflag:s25] =	ssyncset.done $0x0  }
0x230: {  	[sflag:s25] =	ssyncadd.s32 $0xFFFFFF80  }
0x231: {  	_ =	swait.ge [sflag:s25], $0x80  }
0x232: {  	[sflag:s25] =	ssyncset.done $0x0  }
0x233: {  	[sflag:s25] =	ssyncadd.s32 $0xFFFFFF80  }
0x234: {  	_ =	swait.ge [sflag:s25], $0x80  }
0x235: {  	[sflag:s25] =	ssyncset.done $0x0  }
0x236: {  	[sflag:s25] =	ssyncadd.s32 $0xFFFFFF80  }
0x237: {  	_ =	swait.ge [sflag:s25], $0x80  }
0x238: {  	[sflag:s25] =	ssyncset.done $0x0  }
0x239: {  	[sflag:s25] =	ssyncadd.s32 $0xFFFFFF80  }
0x23a: {  	_ =	swait.ge [sflag:s25], $0x80  }
0x23b: {  	[sflag:s25] =	ssyncset.done $0x0  }
0x23c: {  	[sflag:s25] =	ssyncadd.s32 $0xFFFFFF80  }
0x23d: {  	_ =	swait.ge [sflag:s25], $0x80  }
0x23e: {  	v3 =	vsub.f32 v3, v4;
	[sflag:s25] =	ssyncset.done $0x0  }
0x23f: {  	s31 =	simm.s32 $0x0;
	[sflag:s25] =	ssyncadd.s32 $0xFFFFFF80  }
0x240: {  	v4 =	vand.u32 $0x7FFFFFFF, v3;
	v3 =	vld [tilespmem:s31+$0x5780]  }
0x241: {  	v2 =	vadd.f32 v4, v2;
	v4 =	vld [tilespmem:s31+$0x1600];
	_ =	sdelay $0x1  }
0x242: {  	s2 =	simm.s32 $0x40  }
.LBB2_28:
0x243: {  	p0 =	sne.s32 s2, $0xFC0  }
.Ltmp13:
0x244: {  	s31 =	sshra.s32 s2, $0x2;
	(pc) =	sbr.rel @p0 .LBB2_28-.Ltmp13, $4  }
0x245: {  	s2 =	sadd.s32 $0x40, s2;
	v5 =	vsub.f32 v3, v4;
	v3 =	vld [tilespmem:s31+$0x5780]  }
0x246: {  	v4 =	vld [tilespmem:s31+$0x1600]  }
0x247: {  	v5 =	vand.u32 $0x7FFFFFFF, v5  }
0x248: {  	v2 =	vadd.f32 v5, v2  }
0x249: {  	_ =	swait.ge [sflag:s26], $0x80  }
0x24a: {  	[sflag:s26] =	ssyncset.done $0x0  }
0x24b: {  	[sflag:s26] =	ssyncadd.s32 $0xFFFFFF80  }
0x24c: {  	_ =	swait.ge [sflag:s26], $0x80  }
0x24d: {  	[sflag:s26] =	ssyncset.done $0x0  }
0x24e: {  	[sflag:s26] =	ssyncadd.s32 $0xFFFFFF80  }
0x24f: {  	_ =	swait.ge [sflag:s26], $0x80  }
0x250: {  	[sflag:s26] =	ssyncset.done $0x0  }
0x251: {  	[sflag:s26] =	ssyncadd.s32 $0xFFFFFF80  }
0x252: {  	_ =	swait.ge [sflag:s26], $0x80  }
0x253: {  	[sflag:s26] =	ssyncset.done $0x0  }
0x254: {  	[sflag:s26] =	ssyncadd.s32 $0xFFFFFF80  }
0x255: {  	_ =	swait.ge [sflag:s26], $0x80  }
0x256: {  	[sflag:s26] =	ssyncset.done $0x0  }
0x257: {  	[sflag:s26] =	ssyncadd.s32 $0xFFFFFF80  }
0x258: {  	_ =	swait.ge [sflag:s26], $0x80  }
0x259: {  	[sflag:s26] =	ssyncset.done $0x0  }
0x25a: {  	[sflag:s26] =	ssyncadd.s32 $0xFFFFFF80  }
0x25b: {  	_ =	swait.ge [sflag:s26], $0x80  }
0x25c: {  	[sflag:s26] =	ssyncset.done $0x0  }
0x25d: {  	[sflag:s26] =	ssyncadd.s32 $0xFFFFFF80  }
0x25e: {  	_ =	swait.ge [sflag:s26], $0x80  }
0x25f: {  	v3 =	vsub.f32 v3, v4;
	[sflag:s26] =	ssyncset.done $0x0  }
0x260: {  	s31 =	simm.s32 $0x0;
	[sflag:s26] =	ssyncadd.s32 $0xFFFFFF80  }
0x261: {  	v4 =	vand.u32 $0x7FFFFFFF, v3;
	v3 =	vld [tilespmem:s31+$0x5B80]  }
0x262: {  	v2 =	vadd.f32 v4, v2;
	v4 =	vld [tilespmem:s31+$0x1A00];
	_ =	sdelay $0x1  }
0x263: {  	s2 =	simm.s32 $0x40  }
.LBB2_30:
0x264: {  	p0 =	sne.s32 s2, $0xFC0  }
.Ltmp14:
0x265: {  	s31 =	sshra.s32 s2, $0x2;
	(pc) =	sbr.rel @p0 .LBB2_30-.Ltmp14, $4  }
0x266: {  	s2 =	sadd.s32 $0x40, s2;
	v5 =	vsub.f32 v3, v4;
	v3 =	vld [tilespmem:s31+$0x5B80]  }
0x267: {  	v4 =	vld [tilespmem:s31+$0x1A00]  }
0x268: {  	v5 =	vand.u32 $0x7FFFFFFF, v5  }
0x269: {  	v2 =	vadd.f32 v5, v2  }
0x26a: {  	_ =	swait.ge [sflag:s28], $0x80  }
0x26b: {  	[sflag:s28] =	ssyncset.done $0x0  }
0x26c: {  	[sflag:s28] =	ssyncadd.s32 $0xFFFFFF80  }
0x26d: {  	_ =	swait.ge [sflag:s28], $0x80  }
0x26e: {  	[sflag:s28] =	ssyncset.done $0x0  }
0x26f: {  	[sflag:s28] =	ssyncadd.s32 $0xFFFFFF80  }
0x270: {  	_ =	swait.ge [sflag:s28], $0x80  }
0x271: {  	[sflag:s28] =	ssyncset.done $0x0  }
0x272: {  	[sflag:s28] =	ssyncadd.s32 $0xFFFFFF80  }
0x273: {  	_ =	swait.ge [sflag:s28], $0x80  }
0x274: {  	[sflag:s28] =	ssyncset.done $0x0  }
0x275: {  	[sflag:s28] =	ssyncadd.s32 $0xFFFFFF80  }
0x276: {  	_ =	swait.ge [sflag:s28], $0x80  }
0x277: {  	[sflag:s28] =	ssyncset.done $0x0  }
0x278: {  	[sflag:s28] =	ssyncadd.s32 $0xFFFFFF80  }
0x279: {  	_ =	swait.ge [sflag:s28], $0x80  }
0x27a: {  	[sflag:s28] =	ssyncset.done $0x0  }
0x27b: {  	[sflag:s28] =	ssyncadd.s32 $0xFFFFFF80  }
0x27c: {  	_ =	swait.ge [sflag:s28], $0x80  }
0x27d: {  	[sflag:s28] =	ssyncset.done $0x0  }
0x27e: {  	[sflag:s28] =	ssyncadd.s32 $0xFFFFFF80  }
0x27f: {  	_ =	swait.ge [sflag:s28], $0x80  }
0x280: {  	v3 =	vsub.f32 v3, v4;
	[sflag:s28] =	ssyncset.done $0x0  }
0x281: {  	s31 =	simm.s32 $0x0;
	[sflag:s28] =	ssyncadd.s32 $0xFFFFFF80  }
0x282: {  	v4 =	vand.u32 $0x7FFFFFFF, v3;
	v3 =	vld [tilespmem:s31+$0x5F80]  }
0x283: {  	v2 =	vadd.f32 v4, v2;
	v4 =	vld [tilespmem:s31+$0x1E00];
	_ =	sdelay $0x1  }
0x284: {  	s2 =	simm.s32 $0x40  }
.LBB2_32:
0x285: {  	p0 =	sne.s32 s2, $0xCC0  }
.Ltmp15:
0x286: {  	s31 =	sshra.s32 s2, $0x2;
	(pc) =	sbr.rel @p0 .LBB2_32-.Ltmp15, $4  }
0x287: {  	s2 =	sadd.s32 $0x40, s2;
	v5 =	vsub.f32 v3, v4;
	v3 =	vld [tilespmem:s31+$0x5F80]  }
0x288: {  	v4 =	vld [tilespmem:s31+$0x1E00]  }
0x289: {  	v5 =	vand.u32 $0x7FFFFFFF, v5  }
0x28a: {  	v2 =	vadd.f32 v5, v2  }
0x28b: {  	_ =	sdelay $0x1  }
0x28c: {  	v3 =	vsub.f32 v3, v4;
	_ =	sdelay $0x1  }
0x28d: {  	v3 =	vand.u32 $0x7FFFFFFF, v3  }
0x28e: {  	s30 =	sadd.s32 $0x1, s30;
	v2 =	vadd.f32 v3, v2  }
0x28f: {  	p0 =	sne.s32 s30, s9  }
.Ltmp16:
0x290: {  	[tilespmem:$0x6380] =	vst v2;
	(pc) =	sbr.rel @p0 .LBB2_1-.Ltmp16, $4  }
0x291: {  	[hbm4b:s8+s3] =	stream.linear.scatter [tilespmem:s29], [sflag:$0xB], $0x80, $0x38;
	[tilespmem:$0x6480] =	vst v63  }
0x292: {  	_ =	swait.ge [sflag:s12], $0x80  }
0x293: {  	[sflag:s12] =	ssyncset.done $0x0  }
0x294: {  	[sflag:s12] =	ssyncadd.s32 $0xFFFFFF80  }
0x295: {  	_ =	sfence.sel $0x180000  }
0x296: {  	[bflag:$0x0] =	sbarrier.arrive $0xFFFF  }
0x297: {  	_ =	strace $0x90000047  }
0x298: {  	s0 =	stileid.u32;
	[bflag:$0x2] =	sbarrier.arrive $0xFFFF  }
0x299: {  	p0 =	sne.s32 s0, $0x0;
	s0 =	rddreg [dreg:$0x4]  }
0x29a: {  	s0 =	sadd.s32 @!p0 $0x100000, s0  }
0x29b: {  	[sflag:s0] =	ssyncadd.tile.s32 @!p0 $0x1;
	_ =	shalt  }
.Lfunc_end2:
_tile_overlayer_lowered:
.L_overlay_start_2:
0x29c: {  	(tag) =	ssettag $0x2  }
0x29d: {  	s0 =	rddreg [dreg:$0x0];
	s2 =	stileid.u32  }
0x29e: {  	s1 =	rddreg [dreg:$0x1];
	p0 =	sne.s32 s2, $0x0  }
0x29f: {  	s3 =	rddreg [dreg:$0x2];
	[bflag:$0x3] =	sbarrier.arrive $0xFFFF;
	s2 =	simm.s32 @!p0 $0x1C0B  }
0x2a0: {  	[timem:s3], [sflag:s2] =	dma.local @!p0 [hbm:s0], s1  }
0x2a1: {  	s0 =	simm.s32 @!p0 $0xB  }
0x2a2: {  	_ =	swait.ge @!p0 [sflag:s0], s1  }
0x2a3: {  	s1 =	ssub.s32 @!p0 $0x0, s1;
	[sflag:s0] =	ssyncset.done @!p0 $0x0  }
0x2a4: {  	[sflag:s0] =	ssyncadd.s32 @!p0 s1  }
0x2a5: {  	[bflag:$0x3] =	sbarrier.arrive $0xFFFF  }
0x2a6: {  	_ =	shalt  }

</sc_bundles>
